<compile_context>
chip_gen: v7x
topology: tpu7x:2x2x1
jax: 0.10.2.dev20260603
libtpu: 0.0.44.dev20260713+nightly
codegen_flags: <defaults>
</compile_context>

<pallas_src>
import functools

import jax
import jax.numpy as jnp
from jax import lax
from jax.experimental import pallas as pl
from jax.experimental.pallas import tpu as pltpu
from jax.experimental.pallas import tpu_sc as plsc

N, E, D, C, G, H = 10000, 320000, 128, 32, 64, 64

NC, NS = 2, 16
NW = NC * NS
CH = 128
NCHUNK = E // CH
CPT = NCHUNK // NW
NTAIL = NCHUNK - CPT * NW
CPTF = NCHUNK // NS
NTAILF = NCHUNK - CPTF * NS
HH = H // NC
ACC_ROWS = 10112
RPT = ACC_ROWS // NS

_mesh = plsc.VectorSubcoreMesh(core_axis_name="c", subcore_axis_name="s")
_sc_params = pltpu.CompilerParams(use_tc_tiling_on_sc=False,
                                 needs_layout_passes=False)


@functools.partial(
    pl.kernel,
    out_type=jax.ShapeDtypeStruct((NC * ACC_ROWS,), jnp.float32),
    mesh=_mesh,
    compiler_params=_sc_params,
    scratch_types=[
        pltpu.VMEM((CPT + 1, CH), jnp.int32),
        pltpu.VMEM((CH, 16), jnp.float32),
        pltpu.VMEM((8, 16), jnp.float32),
        pltpu.VMEM((640, 16), jnp.float32),
        pltpu.VMEM((640,), jnp.float32),
        pltpu.VMEM_SHARED((ACC_ROWS, 16), jnp.float32),
    ],
)
def _sc_degree(e3d_hbm, out_hbm, idx_v, ones_v, z8, hist_v, deg_v, acc):
    c = lax.axis_index("c")
    s = lax.axis_index("s")
    wid = c * NS + s
    for r in range(8):
        z8[r, :] = jnp.zeros((16,), jnp.float32)
    for r in range(CH):
        ones_v[r, :] = jnp.ones((16,), jnp.float32)
    zb = s * RPT
    lax.fori_loop(
        0, RPT // 8,
        lambda j, _: (pltpu.sync_copy(z8, acc.at[pl.ds(zb + j * 8, 8)]), _)[1],
        None)
    pltpu.sync_copy(e3d_hbm.at[1, pl.ds(wid * CPT, CPT)], idx_v.at[pl.ds(0, CPT)])

    @pl.when(wid < NTAIL)
    def _tail_load():
        pltpu.sync_copy(e3d_hbm.at[1, pl.ds(NW * CPT + wid, 1)],
                        idx_v.at[pl.ds(CPT, 1)])

    plsc.subcore_barrier()
    lax.fori_loop(
        0, CPT,
        lambda j, _: (pltpu.sync_copy(ones_v, acc.at[idx_v.at[j]], add=True), _)[1],
        None)

    @pl.when(wid < NTAIL)
    def _tail_scatter():
        pltpu.sync_copy(ones_v, acc.at[idx_v.at[CPT]], add=True)

    plsc.subcore_barrier()
    pltpu.sync_copy(acc.at[pl.ds(s * RPT, RPT)], hist_v.at[pl.ds(0, RPT)])
    col0 = jnp.zeros((16,), jnp.int32)

    def _xpose(k, _):
        rows = k * 16 + lax.iota(jnp.int32, 16)
        deg_v[pl.ds(k * 16, 16)] = plsc.load_gather(hist_v, [rows, col0])
        return _

    lax.fori_loop(0, 640 // 16, _xpose, None)
    pltpu.sync_copy(deg_v.at[pl.ds(0, RPT)],
                    out_hbm.at[pl.ds(c * ACC_ROWS + s * RPT, RPT)])


@functools.partial(
    pl.kernel,
    out_type=jax.ShapeDtypeStruct((NC, ACC_ROWS, HH), jnp.float32),
    mesh=_mesh,
    compiler_params=_sc_params,
    scratch_types=[
        pltpu.VMEM((CPTF + 1, CH), jnp.int32),
        pltpu.VMEM((CPTF + 1, CH), jnp.int32),
        pltpu.VMEM((CH, HH), jnp.float32),
        pltpu.VMEM((CH, HH), jnp.float32),
        pltpu.VMEM((8, HH), jnp.float32),
        pltpu.VMEM_SHARED((ACC_ROWS, HH), jnp.float32),
        pltpu.VMEM_SHARED((ACC_ROWS, HH), jnp.float32),
        pltpu.SemaphoreType.DMA,
        pltpu.SemaphoreType.DMA,
        pltpu.SemaphoreType.DMA,
        pltpu.SemaphoreType.DMA,
    ],
)
def _sc_aggregate(e3d_hbm, tbl_hbm, out_hbm,
                  src_v, dst_v, rows_a, rows_b, z8, acc, tbl_s,
                  sem_a, sem_b, sem_sa, sem_sb):
    c = lax.axis_index("c")
    s = lax.axis_index("s")
    for r in range(8):
        for q in range(HH // 16):
            z8[r, pl.ds(q * 16, 16)] = jnp.zeros((16,), jnp.float32)
    zb = s * RPT
    pltpu.sync_copy(tbl_hbm.at[c, pl.ds(zb, RPT)], tbl_s.at[pl.ds(zb, RPT)])
    lax.fori_loop(
        0, RPT // 8,
        lambda j, _: (pltpu.sync_copy(z8, acc.at[pl.ds(zb + j * 8, 8)]), _)[1],
        None)
    base = s * CPTF
    pltpu.sync_copy(e3d_hbm.at[0, pl.ds(base, CPTF)], src_v.at[pl.ds(0, CPTF)])
    pltpu.sync_copy(e3d_hbm.at[1, pl.ds(base, CPTF)], dst_v.at[pl.ds(0, CPTF)])

    @pl.when(s < NTAILF)
    def _tail_load():
        pltpu.sync_copy(e3d_hbm.at[0, pl.ds(NS * CPTF + s, 1)],
                        src_v.at[pl.ds(CPTF, 1)])
        pltpu.sync_copy(e3d_hbm.at[1, pl.ds(NS * CPTF + s, 1)],
                        dst_v.at[pl.ds(CPTF, 1)])

    plsc.subcore_barrier()

    bufs = ((rows_a, sem_a, sem_sa), (rows_b, sem_b, sem_sb))
    pltpu.async_copy(tbl_s.at[src_v.at[0]], rows_a, sem_a)

    def group(g, _):
        for b in range(2):
            j = 2 * g + b
            buf, sem, sem_s = bufs[b]
            nbuf, nsem, nsem_s = bufs[1 - b]

            def _wait_prev_scatter():
                pltpu.make_async_copy(nbuf, acc.at[dst_v.at[j - 1]],
                                      nsem_s).wait()

            if b == 0:
                pl.when(j > 0)(_wait_prev_scatter)
                pltpu.async_copy(tbl_s.at[src_v.at[j + 1]], nbuf, nsem)
            else:
                _wait_prev_scatter()

                @pl.when(j + 1 < CPTF)
                def _start():
                    pltpu.async_copy(tbl_s.at[src_v.at[j + 1]], nbuf, nsem)
            pltpu.make_async_copy(tbl_s.at[src_v.at[j]], buf, sem).wait()
            pltpu.async_copy(buf, acc.at[dst_v.at[j]], sem_s, add=True)
        return _

    lax.fori_loop(0, CPTF // 2, group, None)
    pltpu.make_async_copy(rows_b, acc.at[dst_v.at[CPTF - 1]], sem_sb).wait()

    @pl.when(s < NTAILF)
    def _tail_chunk():
        pltpu.async_copy(tbl_s.at[src_v.at[CPTF]], rows_b, sem_b).wait()
        pltpu.sync_copy(rows_b, acc.at[dst_v.at[CPTF]], add=True)

    plsc.subcore_barrier()
    pltpu.sync_copy(acc.at[pl.ds(s * RPT, RPT)],
                    out_hbm.at[c, pl.ds(s * RPT, RPT)])


def _tc0_body(x_ref, w1_ref, m_ref):
    m_ref[...] = jnp.dot(x_ref[...], w1_ref[...],
                         preferred_element_type=jnp.float32)


def _split_store(t_ref, v):
    t_ref[0, 0:N, :] = v[:, 0:HH]
    t_ref[1, 0:N, :] = v[:, HH:H]
    t_ref[0, N:ACC_ROWS, :] = jnp.zeros((ACC_ROWS - N, HH), jnp.float32)
    t_ref[1, N:ACC_ROWS, :] = jnp.zeros((ACC_ROWS - N, HH), jnp.float32)


def _merge(a_ref, t_ref=None):
    agg = jnp.concatenate([a_ref[0, 0:N, :], a_ref[1, 0:N, :]], axis=1)
    if t_ref is None:
        return agg
    return agg + jnp.concatenate([t_ref[0, 0:N, :], t_ref[1, 0:N, :]], axis=1)


def _tc1_body(m_ref, degp_ref, t1_ref, dinv_ref):
    deg = degp_ref[0:N] + degp_ref[ACC_ROWS:ACC_ROWS + N] + 1.0
    dinv = lax.rsqrt(deg)
    _split_store(t1_ref, m_ref[...] * dinv[:, None])
    dinv_ref[...] = dinv[:, None]


def _tc2_body(aggp_ref, t1_ref, dinv_ref, b1_ref, w2_ref, t2_ref):
    dinv = dinv_ref[...]
    h1 = jax.nn.relu(dinv * _merge(aggp_ref, t1_ref) + b1_ref[...])
    m2 = jnp.dot(h1, w2_ref[...], preferred_element_type=jnp.float32)
    _split_store(t2_ref, m2 * dinv)


def _tc3_body(aggp_ref, t2_ref, dinv_ref, b2_ref, batch_ref, cfg_ref,
              fc1w_ref, fc1b_ref, fc2w_ref, fc2b_ref, out_ref):
    h2 = jax.nn.relu(dinv_ref[...] * _merge(aggp_ref, t2_ref) + b2_ref[...])
    gids = lax.broadcasted_iota(jnp.int32, (N, G), 1)
    p = (batch_ref[...] == gids).astype(jnp.float32)
    sums = lax.dot_general(p, h2, (((0,), (0,)), ((), ())),
                           preferred_element_type=jnp.float32)
    cnt = jnp.sum(p, axis=0)
    pooled = sums / jnp.maximum(cnt, 1.0)[:, None]
    z = jnp.concatenate([pooled, cfg_ref[...]], axis=1)
    z = jax.nn.relu(jnp.dot(z, fc1w_ref[...],
                            preferred_element_type=jnp.float32) + fc1b_ref[...])
    out_ref[...] = jnp.dot(z, fc2w_ref[...],
                           preferred_element_type=jnp.float32) + fc2b_ref[...]


def _vmem_call(body, n_in, out_shapes):
    return pl.pallas_call(
        body,
        in_specs=[pl.BlockSpec(memory_space=pltpu.VMEM) for _ in range(n_in)],
        out_specs=tuple(pl.BlockSpec(memory_space=pltpu.VMEM)
                        for _ in out_shapes) if len(out_shapes) > 1
        else pl.BlockSpec(memory_space=pltpu.VMEM),
        out_shape=out_shapes if len(out_shapes) > 1 else out_shapes[0],
    )


def kernel(x, edge_index, config, batch, W1, b1, W2, b2,
           fc1_W, fc1_b, fc2_W, fc2_b):
    e3d = edge_index.astype(jnp.int32).reshape(2, NCHUNK, CH)

    degp = _sc_degree(e3d)
    m1 = _vmem_call(
        _tc0_body, 2,
        (jax.ShapeDtypeStruct((N, H), jnp.float32),),
    )(x, W1)

    t1, dinv = _vmem_call(
        _tc1_body, 2,
        (jax.ShapeDtypeStruct((NC, ACC_ROWS, HH), jnp.float32),
         jax.ShapeDtypeStruct((N, 1), jnp.float32)),
    )(m1, degp)

    aggp1 = _sc_aggregate(e3d, t1)

    t2 = _vmem_call(
        _tc2_body, 5,
        (jax.ShapeDtypeStruct((NC, ACC_ROWS, HH), jnp.float32),),
    )(aggp1, t1, dinv, b1.reshape(1, H), W2)

    aggp2 = _sc_aggregate(e3d, t2)

    out = _vmem_call(
        _tc3_body, 10,
        (jax.ShapeDtypeStruct((G, 1), jnp.float32),),
    )(aggp2, t2, dinv, b2.reshape(1, H), batch.astype(jnp.int32).reshape(N, 1),
      config, fc1_W, fc1_b.reshape(1, H), fc2_W, fc2_b.reshape(1, 1))
    return out

# --- scband reference (transcript-rebuilt; emitter-appended) ---
"""Pipeline reference for scband-kernel-gnn-41540923687383 (READ-ONLY COPY).

The authoritative reference and input builder live on the scoring server;
editing this copy changes nothing except your own understanding.
"""

import jax, jax.numpy as jnp
import numpy as np

N, E, D, C, G, H = 10000, 320000, 128, 32, 64, 64

def setup_inputs(seed: int = 0) -> dict:
    key = jax.random.key(seed)
    ks = jax.random.split(key, 12)
    x = jax.random.normal(ks[0], (N, D), dtype=jnp.float32)
    edge_index = jax.random.randint(ks[1], (2, E), 0, N)
    config = jax.random.normal(ks[2], (G, C), dtype=jnp.float32)
    batch = jnp.sort(jax.random.randint(ks[3], (N,), 0, G))
    W1 = jax.random.normal(ks[4], (D, H), dtype=jnp.float32) * (1.0 / np.sqrt(D))
    b1 = jnp.zeros((H,), dtype=jnp.float32)
    W2 = jax.random.normal(ks[5], (H, H), dtype=jnp.float32) * (1.0 / np.sqrt(H))
    b2 = jnp.zeros((H,), dtype=jnp.float32)
    fc1_W = jax.random.normal(ks[6], (H + C, H), dtype=jnp.float32) * (1.0 / np.sqrt(H + C))
    fc1_b = jnp.zeros((H,), dtype=jnp.float32)
    fc2_W = jax.random.normal(ks[7], (H, 1), dtype=jnp.float32) * (1.0 / np.sqrt(H))
    fc2_b = jnp.zeros((1,), dtype=jnp.float32)
    return {"x": x, "edge_index": edge_index, "config": config, "batch": batch,
            "W1": W1, "b1": b1, "W2": W2, "b2": b2,
            "fc1_W": fc1_W, "fc1_b": fc1_b, "fc2_W": fc2_W, "fc2_b": fc2_b}

def _gcn_conv(h, edge_index, W, b, num_nodes):
    # GCNConv: x' = D^{-1/2} (A + I) D^{-1/2} (X W) + b
    loop = jnp.arange(num_nodes)
    src = jnp.concatenate([edge_index[0], loop])
    dst = jnp.concatenate([edge_index[1], loop])
    deg = jnp.zeros((num_nodes,), h.dtype).at[dst].add(1.0)
    dinv = jnp.where(deg > 0, 1.0 / jnp.sqrt(deg), 0.0)
    norm = dinv[src] * dinv[dst]
    m = h @ W
    out = jnp.zeros((num_nodes, W.shape[1]), h.dtype).at[dst].add(m[src] * norm[:, None])
    return out + b

def reference(x, edge_index, config, batch, W1, b1, W2, b2, fc1_W, fc1_b, fc2_W, fc2_b):
    num_nodes = x.shape[0]
    num_graphs = config.shape[0]
    h = jax.nn.relu(_gcn_conv(x, edge_index, W1, b1, num_nodes))
    # dropout is identity in eval mode
    h = jax.nn.relu(_gcn_conv(h, edge_index, W2, b2, num_nodes))
    sums = jax.ops.segment_sum(h, batch, num_segments=num_graphs)
    cnt = jax.ops.segment_sum(jnp.ones((num_nodes, 1), h.dtype), batch, num_segments=num_graphs)
    pooled = sums / jnp.maximum(cnt, 1.0)
    z = jnp.concatenate([pooled, config], axis=1)
    z = jax.nn.relu(z @ fc1_W + fc1_b)
    return z @ fc2_W + fc2_b

if __name__ == "__main__":
    import jax
    _d = setup_inputs()
    print(jax.jit(kernel)(*tuple(_d.values())))

</pallas_src>

<mosaic_0001>
#map = affine_map<(d0, d1) -> (0, 0, 0)>
#map1 = affine_map<(d0, d1) -> (0)>
module attributes {stable_mosaic.version = 14 : i64} {
  func.func @_sc_degree(%arg0: i32, %arg1: i32, %arg2: memref<2x2500x128xi32, #tpu.memory_space<hbm>>, %arg3: memref<20224xf32, #tpu.memory_space<hbm>>, %arg4: memref<79x128xi32, #tpu.memory_space<vmem>>, %arg5: memref<128x16xf32, #tpu.memory_space<vmem>>, %arg6: memref<8x16xf32, #tpu.memory_space<vmem>>, %arg7: memref<640x16xf32, #tpu.memory_space<vmem>>, %arg8: memref<640xf32, #tpu.memory_space<vmem>>, %arg9: memref<10112x16xf32, #tpu.memory_space<vmem_shared>>) attributes {dimension_semantics = [#tpu.dimension_semantics<core_parallel>, #tpu.dimension_semantics<subcore_parallel>], iteration_bounds = array<i64: 2, 16>, scalar_prefetch = 0 : i64, scratch_operands = 6 : i64, tpu.core_type = #tpu.core_type<sc_vector_subcore>, window_params = [{transform_indices = #map}, {transform_indices = #map1}]} {
    %mul3A = arith.constant 16 : i32
    %mul3A_0 = arith.muli %arg0, %mul3A : i32
    %add3A = arith.addi %mul3A_0, %arg1 : i32
    %broadcast_in_dim3A = arith.constant 0.000000e+00 : f32
    %broadcast_in_dim3A_1 = vector.broadcast %broadcast_in_dim3A : f32 to vector<16xf32>
    %swap3A = arith.constant 0 : i32
    %swap3A_2 = arith.index_cast %swap3A : i32 to index
    %swap3A_3 = arith.constant 0 : index
    %swap3A_4 = tpu.vector_load %arg6[%swap3A_2, %swap3A_3] {strides = array<i32>} : memref<8x16xf32, #tpu.memory_space<vmem>>, vector<16xf32>,
    tpu.vector_store %arg6[%swap3A_2, %swap3A_3], %broadcast_in_dim3A_1 {strides = array<i32>} : memref<8x16xf32, #tpu.memory_space<vmem>>, vector<16xf32>,
    %broadcast_in_dim3A_5 = arith.constant 0.000000e+00 : f32
    %broadcast_in_dim3A_6 = vector.broadcast %broadcast_in_dim3A_5 : f32 to vector<16xf32>
    %swap3A_7 = arith.constant 1 : i32
    %swap3A_8 = arith.index_cast %swap3A_7 : i32 to index
    %swap3A_9 = arith.constant 0 : index
    %swap3A_10 = tpu.vector_load %arg6[%swap3A_8, %swap3A_9] {strides = array<i32>} : memref<8x16xf32, #tpu.memory_space<vmem>>, vector<16xf32>,
    tpu.vector_store %arg6[%swap3A_8, %swap3A_9], %broadcast_in_dim3A_6 {strides = array<i32>} : memref<8x16xf32, #tpu.memory_space<vmem>>, vector<16xf32>,
    %broadcast_in_dim3A_11 = arith.constant 0.000000e+00 : f32
    %broadcast_in_dim3A_12 = vector.broadcast %broadcast_in_dim3A_11 : f32 to vector<16xf32>
    %swap3A_13 = arith.constant 2 : i32
    %swap3A_14 = arith.index_cast %swap3A_13 : i32 to index
    %swap3A_15 = arith.constant 0 : index
    %swap3A_16 = tpu.vector_load %arg6[%swap3A_14, %swap3A_15] {strides = array<i32>} : memref<8x16xf32, #tpu.memory_space<vmem>>, vector<16xf32>,
    tpu.vector_store %arg6[%swap3A_14, %swap3A_15], %broadcast_in_dim3A_12 {strides = array<i32>} : memref<8x16xf32, #tpu.memory_space<vmem>>, vector<16xf32>,
    %broadcast_in_dim3A_17 = arith.constant 0.000000e+00 : f32
    %broadcast_in_dim3A_18 = vector.broadcast %broadcast_in_dim3A_17 : f32 to vector<16xf32>
    %swap3A_19 = arith.constant 3 : i32
    %swap3A_20 = arith.index_cast %swap3A_19 : i32 to index
    %swap3A_21 = arith.constant 0 : index
    %swap3A_22 = tpu.vector_load %arg6[%swap3A_20, %swap3A_21] {strides = array<i32>} : memref<8x16xf32, #tpu.memory_space<vmem>>, vector<16xf32>,
    tpu.vector_store %arg6[%swap3A_20, %swap3A_21], %broadcast_in_dim3A_18 {strides = array<i32>} : memref<8x16xf32, #tpu.memory_space<vmem>>, vector<16xf32>,
    %broadcast_in_dim3A_23 = arith.constant 0.000000e+00 : f32
    %broadcast_in_dim3A_24 = vector.broadcast %broadcast_in_dim3A_23 : f32 to vector<16xf32>
    %swap3A_25 = arith.constant 4 : i32
    %swap3A_26 = arith.index_cast %swap3A_25 : i32 to index
    %swap3A_27 = arith.constant 0 : index
    %swap3A_28 = tpu.vector_load %arg6[%swap3A_26, %swap3A_27] {strides = array<i32>} : memref<8x16xf32, #tpu.memory_space<vmem>>, vector<16xf32>,
    tpu.vector_store %arg6[%swap3A_26, %swap3A_27], %broadcast_in_dim3A_24 {strides = array<i32>} : memref<8x16xf32, #tpu.memory_space<vmem>>, vector<16xf32>,
    %broadcast_in_dim3A_29 = arith.constant 0.000000e+00 : f32
    %broadcast_in_dim3A_30 = vector.broadcast %broadcast_in_dim3A_29 : f32 to vector<16xf32>
    %swap3A_31 = arith.constant 5 : i32
    %swap3A_32 = arith.index_cast %swap3A_31 : i32 to index
    %swap3A_33 = arith.constant 0 : index
    %swap3A_34 = tpu.vector_load %arg6[%swap3A_32, %swap3A_33] {strides = array<i32>} : memref<8x16xf32, #tpu.memory_space<vmem>>, vector<16xf32>,
    tpu.vector_store %arg6[%swap3A_32, %swap3A_33], %broadcast_in_dim3A_30 {strides = array<i32>} : memref<8x16xf32, #tpu.memory_space<vmem>>, vector<16xf32>,
    %broadcast_in_dim3A_35 = arith.constant 0.000000e+00 : f32
    %broadcast_in_dim3A_36 = vector.broadcast %broadcast_in_dim3A_35 : f32 to vector<16xf32>
    %swap3A_37 = arith.constant 6 : i32
    %swap3A_38 = arith.index_cast %swap3A_37 : i32 to index
    %swap3A_39 = arith.constant 0 : index
    %swap3A_40 = tpu.vector_load %arg6[%swap3A_38, %swap3A_39] {strides = array<i32>} : memref<8x16xf32, #tpu.memory_space<vmem>>, vector<16xf32>,
    tpu.vector_store %arg6[%swap3A_38, %swap3A_39], %broadcast_in_dim3A_36 {strides = array<i32>} : memref<8x16xf32, #tpu.memory_space<vmem>>, vector<16xf32>,
    %broadcast_in_dim3A_41 = arith.constant 0.000000e+00 : f32
    %broadcast_in_dim3A_42 = vector.broadcast %broadcast_in_dim3A_41 : f32 to vector<16xf32>
    %swap3A_43 = arith.constant 7 : i32
    %swap3A_44 = arith.index_cast %swap3A_43 : i32 to index
    %swap3A_45 = arith.constant 0 : index
    %swap3A_46 = tpu.vector_load %arg6[%swap3A_44, %swap3A_45] {strides = array<i32>} : memref<8x16xf32, #tpu.memory_space<vmem>>, vector<16xf32>,
    tpu.vector_store %arg6[%swap3A_44, %swap3A_45], %broadcast_in_dim3A_42 {strides = array<i32>} : memref<8x16xf32, #tpu.memory_space<vmem>>, vector<16xf32>,
    %broadcast_in_dim3A_47 = arith.constant 1.000000e+00 : f32
    %broadcast_in_dim3A_48 = vector.broadcast %broadcast_in_dim3A_47 : f32 to vector<16xf32>
    %swap3A_49 = arith.constant 0 : i32
    %swap3A_50 = arith.index_cast %swap3A_49 : i32 to index
    %swap3A_51 = arith.constant 0 : index
    %swap3A_52 = tpu.vector_load %arg5[%swap3A_50, %swap3A_51] {strides = array<i32>} : memref<128x16xf32, #tpu.memory_space<vmem>>, vector<16xf32>,
    tpu.vector_store %arg5[%swap3A_50, %swap3A_51], %broadcast_in_dim3A_48 {strides = array<i32>} : memref<128x16xf32, #tpu.memory_space<vmem>>, vector<16xf32>,
    %broadcast_in_dim3A_53 = arith.constant 1.000000e+00 : f32
    %broadcast_in_dim3A_54 = vector.broadcast %broadcast_in_dim3A_53 : f32 to vector<16xf32>
    %swap3A_55 = arith.constant 1 : i32
    %swap3A_56 = arith.index_cast %swap3A_55 : i32 to index
    %swap3A_57 = arith.constant 0 : index
    %swap3A_58 = tpu.vector_load %arg5[%swap3A_56, %swap3A_57] {strides = array<i32>} : memref<128x16xf32, #tpu.memory_space<vmem>>, vector<16xf32>,
    tpu.vector_store %arg5[%swap3A_56, %swap3A_57], %broadcast_in_dim3A_54 {strides = array<i32>} : memref<128x16xf32, #tpu.memory_space<vmem>>, vector<16xf32>,
    %broadcast_in_dim3A_59 = arith.constant 1.000000e+00 : f32
    %broadcast_in_dim3A_60 = vector.broadcast %broadcast_in_dim3A_59 : f32 to vector<16xf32>
    %swap3A_61 = arith.constant 2 : i32
    %swap3A_62 = arith.index_cast %swap3A_61 : i32 to index
    %swap3A_63 = arith.constant 0 : index
    %swap3A_64 = tpu.vector_load %arg5[%swap3A_62, %swap3A_63] {strides = array<i32>} : memref<128x16xf32, #tpu.memory_space<vmem>>, vector<16xf32>,
    tpu.vector_store %arg5[%swap3A_62, %swap3A_63], %broadcast_in_dim3A_60 {strides = array<i32>} : memref<128x16xf32, #tpu.memory_space<vmem>>, vector<16xf32>,
    %broadcast_in_dim3A_65 = arith.constant 1.000000e+00 : f32
    %broadcast_in_dim3A_66 = vector.broadcast %broadcast_in_dim3A_65 : f32 to vector<16xf32>
    %swap3A_67 = arith.constant 3 : i32
    %swap3A_68 = arith.index_cast %swap3A_67 : i32 to index
    %swap3A_69 = arith.constant 0 : index
    %swap3A_70 = tpu.vector_load %arg5[%swap3A_68, %swap3A_69] {strides = array<i32>} : memref<128x16xf32, #tpu.memory_space<vmem>>, vector<16xf32>,
    tpu.vector_store %arg5[%swap3A_68, %swap3A_69], %broadcast_in_dim3A_66 {strides = array<i32>} : memref<128x16xf32, #tpu.memory_space<vmem>>, vector<16xf32>,
    %broadcast_in_dim3A_71 = arith.constant 1.000000e+00 : f32
    %broadcast_in_dim3A_72 = vector.broadcast %broadcast_in_dim3A_71 : f32 to vector<16xf32>
    %swap3A_73 = arith.constant 4 : i32
    %swap3A_74 = arith.index_cast %swap3A_73 : i32 to index
    %swap3A_75 = arith.constant 0 : index
    %swap3A_76 = tpu.vector_load %arg5[%swap3A_74, %swap3A_75] {strides = array<i32>} : memref<128x16xf32, #tpu.memory_space<vmem>>, vector<16xf32>,
    tpu.vector_store %arg5[%swap3A_74, %swap3A_75], %broadcast_in_dim3A_72 {strides = array<i32>} : memref<128x16xf32, #tpu.memory_space<vmem>>, vector<16xf32>,
    %broadcast_in_dim3A_77 = arith.constant 1.000000e+00 : f32
    %broadcast_in_dim3A_78 = vector.broadcast %broadcast_in_dim3A_77 : f32 to vector<16xf32>
    %swap3A_79 = arith.constant 5 : i32
    %swap3A_80 = arith.index_cast %swap3A_79 : i32 to index
    %swap3A_81 = arith.constant 0 : index
    %swap3A_82 = tpu.vector_load %arg5[%swap3A_80, %swap3A_81] {strides = array<i32>} : memref<128x16xf32, #tpu.memory_space<vmem>>, vector<16xf32>,
    tpu.vector_store %arg5[%swap3A_80, %swap3A_81], %broadcast_in_dim3A_78 {strides = array<i32>} : memref<128x16xf32, #tpu.memory_space<vmem>>, vector<16xf32>,
    %broadcast_in_dim3A_83 = arith.constant 1.000000e+00 : f32
    %broadcast_in_dim3A_84 = vector.broadcast %broadcast_in_dim3A_83 : f32 to vector<16xf32>
    %swap3A_85 = arith.constant 6 : i32
    %swap3A_86 = arith.index_cast %swap3A_85 : i32 to index
    %swap3A_87 = arith.constant 0 : index
    %swap3A_88 = tpu.vector_load %arg5[%swap3A_86, %swap3A_87] {strides = array<i32>} : memref<128x16xf32, #tpu.memory_space<vmem>>, vector<16xf32>,
    tpu.vector_store %arg5[%swap3A_86, %swap3A_87], %broadcast_in_dim3A_84 {strides = array<i32>} : memref<128x16xf32, #tpu.memory_space<vmem>>, vector<16xf32>,
    %broadcast_in_dim3A_89 = arith.constant 1.000000e+00 : f32
    %broadcast_in_dim3A_90 = vector.broadcast %broadcast_in_dim3A_89 : f32 to vector<16xf32>
    %swap3A_91 = arith.constant 7 : i32
    %swap3A_92 = arith.index_cast %swap3A_91 : i32 to index
    %swap3A_93 = arith.constant 0 : index
    %swap3A_94 = tpu.vector_load %arg5[%swap3A_92, %swap3A_93] {strides = array<i32>} : memref<128x16xf32, #tpu.memory_space<vmem>>, vector<16xf32>,
    tpu.vector_store %arg5[%swap3A_92, %swap3A_93], %broadcast_in_dim3A_90 {strides = array<i32>} : memref<128x16xf32, #tpu.memory_space<vmem>>, vector<16xf32>,
    %broadcast_in_dim3A_95 = arith.constant 1.000000e+00 : f32
    %broadcast_in_dim3A_96 = vector.broadcast %broadcast_in_dim3A_95 : f32 to vector<16xf32>
    %swap3A_97 = arith.constant 8 : i32
    %swap3A_98 = arith.index_cast %swap3A_97 : i32 to index
    %swap3A_99 = arith.constant 0 : index
    %swap3A_100 = tpu.vector_load %arg5[%swap3A_98, %swap3A_99] {strides = array<i32>} : memref<128x16xf32, #tpu.memory_space<vmem>>, vector<16xf32>,
    tpu.vector_store %arg5[%swap3A_98, %swap3A_99], %broadcast_in_dim3A_96 {strides = array<i32>} : memref<128x16xf32, #tpu.memory_space<vmem>>, vector<16xf32>,
    %broadcast_in_dim3A_101 = arith.constant 1.000000e+00 : f32
    %broadcast_in_dim3A_102 = vector.broadcast %broadcast_in_dim3A_101 : f32 to vector<16xf32>
    %swap3A_103 = arith.constant 9 : i32
    %swap3A_104 = arith.index_cast %swap3A_103 : i32 to index
    %swap3A_105 = arith.constant 0 : index
    %swap3A_106 = tpu.vector_load %arg5[%swap3A_104, %swap3A_105] {strides = array<i32>} : memref<128x16xf32, #tpu.memory_space<vmem>>, vector<16xf32>,
    tpu.vector_store %arg5[%swap3A_104, %swap3A_105], %broadcast_in_dim3A_102 {strides = array<i32>} : memref<128x16xf32, #tpu.memory_space<vmem>>, vector<16xf32>,
    %broadcast_in_dim3A_107 = arith.constant 1.000000e+00 : f32
    %broadcast_in_dim3A_108 = vector.broadcast %broadcast_in_dim3A_107 : f32 to vector<16xf32>
    %swap3A_109 = arith.constant 10 : i32
    %swap3A_110 = arith.index_cast %swap3A_109 : i32 to index
    %swap3A_111 = arith.constant 0 : index
    %swap3A_112 = tpu.vector_load %arg5[%swap3A_110, %swap3A_111] {strides = array<i32>} : memref<128x16xf32, #tpu.memory_space<vmem>>, vector<16xf32>,
    tpu.vector_store %arg5[%swap3A_110, %swap3A_111], %broadcast_in_dim3A_108 {strides = array<i32>} : memref<128x16xf32, #tpu.memory_space<vmem>>, vector<16xf32>,
    %broadcast_in_dim3A_113 = arith.constant 1.000000e+00 : f32
    %broadcast_in_dim3A_114 = vector.broadcast %broadcast_in_dim3A_113 : f32 to vector<16xf32>
    %swap3A_115 = arith.constant 11 : i32
    %swap3A_116 = arith.index_cast %swap3A_115 : i32 to index
    %swap3A_117 = arith.constant 0 : index
    %swap3A_118 = tpu.vector_load %arg5[%swap3A_116, %swap3A_117] {strides = array<i32>} : memref<128x16xf32, #tpu.memory_space<vmem>>, vector<16xf32>,
    tpu.vector_store %arg5[%swap3A_116, %swap3A_117], %broadcast_in_dim3A_114 {strides = array<i32>} : memref<128x16xf32, #tpu.memory_space<vmem>>, vector<16xf32>,
    %broadcast_in_dim3A_119 = arith.constant 1.000000e+00 : f32
    %broadcast_in_dim3A_120 = vector.broadcast %broadcast_in_dim3A_119 : f32 to vector<16xf32>
    %swap3A_121 = arith.constant 12 : i32
    %swap3A_122 = arith.index_cast %swap3A_121 : i32 to index
    %swap3A_123 = arith.constant 0 : index
    %swap3A_124 = tpu.vector_load %arg5[%swap3A_122, %swap3A_123] {strides = array<i32>} : memref<128x16xf32, #tpu.memory_space<vmem>>, vector<16xf32>,
    tpu.vector_store %arg5[%swap3A_122, %swap3A_123], %broadcast_in_dim3A_120 {strides = array<i32>} : memref<128x16xf32, #tpu.memory_space<vmem>>, vector<16xf32>,
    %broadcast_in_dim3A_125 = arith.constant 1.000000e+00 : f32
    %broadcast_in_dim3A_126 = vector.broadcast %broadcast_in_dim3A_125 : f32 to vector<16xf32>
    %swap3A_127 = arith.constant 13 : i32
    %swap3A_128 = arith.index_cast %swap3A_127 : i32 to index
    %swap3A_129 = arith.constant 0 : index
    %swap3A_130 = tpu.vector_load %arg5[%swap3A_128, %swap3A_129] {strides = array<i32>} : memref<128x16xf32, #tpu.memory_space<vmem>>, vector<16xf32>,
    tpu.vector_store %arg5[%swap3A_128, %swap3A_129], %broadcast_in_dim3A_126 {strides = array<i32>} : memref<128x16xf32, #tpu.memory_space<vmem>>, vector<16xf32>,
    %broadcast_in_dim3A_131 = arith.constant 1.000000e+00 : f32
    %broadcast_in_dim3A_132 = vector.broadcast %broadcast_in_dim3A_131 : f32 to vector<16xf32>
    %swap3A_133 = arith.constant 14 : i32
    %swap3A_134 = arith.index_cast %swap3A_133 : i32 to index
    %swap3A_135 = arith.constant 0 : index
    %swap3A_136 = tpu.vector_load %arg5[%swap3A_134, %swap3A_135] {strides = array<i32>} : memref<128x16xf32, #tpu.memory_space<vmem>>, vector<16xf32>,
    tpu.vector_store %arg5[%swap3A_134, %swap3A_135], %broadcast_in_dim3A_132 {strides = array<i32>} : memref<128x16xf32, #tpu.memory_space<vmem>>, vector<16xf32>,
    %broadcast_in_dim3A_137 = arith.constant 1.000000e+00 : f32
    %broadcast_in_dim3A_138 = vector.broadcast %broadcast_in_dim3A_137 : f32 to vector<16xf32>
    %swap3A_139 = arith.constant 15 : i32
    %swap3A_140 = arith.index_cast %swap3A_139 : i32 to index
    %swap3A_141 = arith.constant 0 : index
    %swap3A_142 = tpu.vector_load %arg5[%swap3A_140, %swap3A_141] {strides = array<i32>} : memref<128x16xf32, #tpu.memory_space<vmem>>, vector<16xf32>,
    tpu.vector_store %arg5[%swap3A_140, %swap3A_141], %broadcast_in_dim3A_138 {strides = array<i32>} : memref<128x16xf32, #tpu.memory_space<vmem>>, vector<16xf32>,
    %broadcast_in_dim3A_143 = arith.constant 1.000000e+00 : f32
    %broadcast_in_dim3A_144 = vector.broadcast %broadcast_in_dim3A_143 : f32 to vector<16xf32>
    %swap3A_145 = arith.constant 16 : i32
    %swap3A_146 = arith.index_cast %swap3A_145 : i32 to index
    %swap3A_147 = arith.constant 0 : index
    %swap3A_148 = tpu.vector_load %arg5[%swap3A_146, %swap3A_147] {strides = array<i32>} : memref<128x16xf32, #tpu.memory_space<vmem>>, vector<16xf32>,
    tpu.vector_store %arg5[%swap3A_146, %swap3A_147], %broadcast_in_dim3A_144 {strides = array<i32>} : memref<128x16xf32, #tpu.memory_space<vmem>>, vector<16xf32>,
    %broadcast_in_dim3A_149 = arith.constant 1.000000e+00 : f32
    %broadcast_in_dim3A_150 = vector.broadcast %broadcast_in_dim3A_149 : f32 to vector<16xf32>
    %swap3A_151 = arith.constant 17 : i32
    %swap3A_152 = arith.index_cast %swap3A_151 : i32 to index
    %swap3A_153 = arith.constant 0 : index
    %swap3A_154 = tpu.vector_load %arg5[%swap3A_152, %swap3A_153] {strides = array<i32>} : memref<128x16xf32, #tpu.memory_space<vmem>>, vector<16xf32>,
    tpu.vector_store %arg5[%swap3A_152, %swap3A_153], %broadcast_in_dim3A_150 {strides = array<i32>} : memref<128x16xf32, #tpu.memory_space<vmem>>, vector<16xf32>,
    %broadcast_in_dim3A_155 = arith.constant 1.000000e+00 : f32
    %broadcast_in_dim3A_156 = vector.broadcast %broadcast_in_dim3A_155 : f32 to vector<16xf32>
    %swap3A_157 = arith.constant 18 : i32
    %swap3A_158 = arith.index_cast %swap3A_157 : i32 to index
    %swap3A_159 = arith.constant 0 : index
    %swap3A_160 = tpu.vector_load %arg5[%swap3A_158, %swap3A_159] {strides = array<i32>} : memref<128x16xf32, #tpu.memory_space<vmem>>, vector<16xf32>,
    tpu.vector_store %arg5[%swap3A_158, %swap3A_159], %broadcast_in_dim3A_156 {strides = array<i32>} : memref<128x16xf32, #tpu.memory_space<vmem>>, vector<16xf32>,
    %broadcast_in_dim3A_161 = arith.constant 1.000000e+00 : f32
    %broadcast_in_dim3A_162 = vector.broadcast %broadcast_in_dim3A_161 : f32 to vector<16xf32>
    %swap3A_163 = arith.constant 19 : i32
    %swap3A_164 = arith.index_cast %swap3A_163 : i32 to index
    %swap3A_165 = arith.constant 0 : index
    %swap3A_166 = tpu.vector_load %arg5[%swap3A_164, %swap3A_165] {strides = array<i32>} : memref<128x16xf32, #tpu.memory_space<vmem>>, vector<16xf32>,
    tpu.vector_store %arg5[%swap3A_164, %swap3A_165], %broadcast_in_dim3A_162 {strides = array<i32>} : memref<128x16xf32, #tpu.memory_space<vmem>>, vector<16xf32>,
    %broadcast_in_dim3A_167 = arith.constant 1.000000e+00 : f32
    %broadcast_in_dim3A_168 = vector.broadcast %broadcast_in_dim3A_167 : f32 to vector<16xf32>
    %swap3A_169 = arith.constant 20 : i32
    %swap3A_170 = arith.index_cast %swap3A_169 : i32 to index
    %swap3A_171 = arith.constant 0 : index
    %swap3A_172 = tpu.vector_load %arg5[%swap3A_170, %swap3A_171] {strides = array<i32>} : memref<128x16xf32, #tpu.memory_space<vmem>>, vector<16xf32>,
    tpu.vector_store %arg5[%swap3A_170, %swap3A_171], %broadcast_in_dim3A_168 {strides = array<i32>} : memref<128x16xf32, #tpu.memory_space<vmem>>, vector<16xf32>,
    %broadcast_in_dim3A_173 = arith.constant 1.000000e+00 : f32
    %broadcast_in_dim3A_174 = vector.broadcast %broadcast_in_dim3A_173 : f32 to vector<16xf32>
    %swap3A_175 = arith.constant 21 : i32
    %swap3A_176 = arith.index_cast %swap3A_175 : i32 to index
    %swap3A_177 = arith.constant 0 : index
    %swap3A_178 = tpu.vector_load %arg5[%swap3A_176, %swap3A_177] {strides = array<i32>} : memref<128x16xf32, #tpu.memory_space<vmem>>, vector<16xf32>,
    tpu.vector_store %arg5[%swap3A_176, %swap3A_177], %broadcast_in_dim3A_174 {strides = array<i32>} : memref<128x16xf32, #tpu.memory_space<vmem>>, vector<16xf32>,
    %broadcast_in_dim3A_179 = arith.constant 1.000000e+00 : f32
    %broadcast_in_dim3A_180 = vector.broadcast %broadcast_in_dim3A_179 : f32 to vector<16xf32>
    %swap3A_181 = arith.constant 22 : i32
    %swap3A_182 = arith.index_cast %swap3A_181 : i32 to index
    %swap3A_183 = arith.constant 0 : index
    %swap3A_184 = tpu.vector_load %arg5[%swap3A_182, %swap3A_183] {strides = array<i32>} : memref<128x16xf32, #tpu.memory_space<vmem>>, vector<16xf32>,
    tpu.vector_store %arg5[%swap3A_182, %swap3A_183], %broadcast_in_dim3A_180 {strides = array<i32>} : memref<128x16xf32, #tpu.memory_space<vmem>>, vector<16xf32>,
    %broadcast_in_dim3A_185 = arith.constant 1.000000e+00 : f32
    %broadcast_in_dim3A_186 = vector.broadcast %broadcast_in_dim3A_185 : f32 to vector<16xf32>
    %swap3A_187 = arith.constant 23 : i32
    %swap3A_188 = arith.index_cast %swap3A_187 : i32 to index
    %swap3A_189 = arith.constant 0 : index
    %swap3A_190 = tpu.vector_load %arg5[%swap3A_188, %swap3A_189] {strides = array<i32>} : memref<128x16xf32, #tpu.memory_space<vmem>>, vector<16xf32>,
    tpu.vector_store %arg5[%swap3A_188, %swap3A_189], %broadcast_in_dim3A_186 {strides = array<i32>} : memref<128x16xf32, #tpu.memory_space<vmem>>, vector<16xf32>,
    %broadcast_in_dim3A_191 = arith.constant 1.000000e+00 : f32
    %broadcast_in_dim3A_192 = vector.broadcast %broadcast_in_dim3A_191 : f32 to vector<16xf32>
    %swap3A_193 = arith.constant 24 : i32
    %swap3A_194 = arith.index_cast %swap3A_193 : i32 to index
    %swap3A_195 = arith.constant 0 : index
    %swap3A_196 = tpu.vector_load %arg5[%swap3A_194, %swap3A_195] {strides = array<i32>} : memref<128x16xf32, #tpu.memory_space<vmem>>, vector<16xf32>,
    tpu.vector_store %arg5[%swap3A_194, %swap3A_195], %broadcast_in_dim3A_192 {strides = array<i32>} : memref<128x16xf32, #tpu.memory_space<vmem>>, vector<16xf32>,
    %broadcast_in_dim3A_197 = arith.constant 1.000000e+00 : f32
    %broadcast_in_dim3A_198 = vector.broadcast %broadcast_in_dim3A_197 : f32 to vector<16xf32>
    %swap3A_199 = arith.constant 25 : i32
    %swap3A_200 = arith.index_cast %swap3A_199 : i32 to index
    %swap3A_201 = arith.constant 0 : index
    %swap3A_202 = tpu.vector_load %arg5[%swap3A_200, %swap3A_201] {strides = array<i32>} : memref<128x16xf32, #tpu.memory_space<vmem>>, vector<16xf32>,
    tpu.vector_store %arg5[%swap3A_200, %swap3A_201], %broadcast_in_dim3A_198 {strides = array<i32>} : memref<128x16xf32, #tpu.memory_space<vmem>>, vector<16xf32>,
    %broadcast_in_dim3A_203 = arith.constant 1.000000e+00 : f32
    %broadcast_in_dim3A_204 = vector.broadcast %broadcast_in_dim3A_203 : f32 to vector<16xf32>
    %swap3A_205 = arith.constant 26 : i32
    %swap3A_206 = arith.index_cast %swap3A_205 : i32 to index
    %swap3A_207 = arith.constant 0 : index
    %swap3A_208 = tpu.vector_load %arg5[%swap3A_206, %swap3A_207] {strides = array<i32>} : memref<128x16xf32, #tpu.memory_space<vmem>>, vector<16xf32>,
    tpu.vector_store %arg5[%swap3A_206, %swap3A_207], %broadcast_in_dim3A_204 {strides = array<i32>} : memref<128x16xf32, #tpu.memory_space<vmem>>, vector<16xf32>,
    %broadcast_in_dim3A_209 = arith.constant 1.000000e+00 : f32
    %broadcast_in_dim3A_210 = vector.broadcast %broadcast_in_dim3A_209 : f32 to vector<16xf32>
    %swap3A_211 = arith.constant 27 : i32
    %swap3A_212 = arith.index_cast %swap3A_211 : i32 to index
    %swap3A_213 = arith.constant 0 : index
    %swap3A_214 = tpu.vector_load %arg5[%swap3A_212, %swap3A_213] {strides = array<i32>} : memref<128x16xf32, #tpu.memory_space<vmem>>, vector<16xf32>,
    tpu.vector_store %arg5[%swap3A_212, %swap3A_213], %broadcast_in_dim3A_210 {strides = array<i32>} : memref<128x16xf32, #tpu.memory_space<vmem>>, vector<16xf32>,
    %broadcast_in_dim3A_215 = arith.constant 1.000000e+00 : f32
    %broadcast_in_dim3A_216 = vector.broadcast %broadcast_in_dim3A_215 : f32 to vector<16xf32>
    %swap3A_217 = arith.constant 28 : i32
    %swap3A_218 = arith.index_cast %swap3A_217 : i32 to index
    %swap3A_219 = arith.constant 0 : index
    %swap3A_220 = tpu.vector_load %arg5[%swap3A_218, %swap3A_219] {strides = array<i32>} : memref<128x16xf32, #tpu.memory_space<vmem>>, vector<16xf32>,
    tpu.vector_store %arg5[%swap3A_218, %swap3A_219], %broadcast_in_dim3A_216 {strides = array<i32>} : memref<128x16xf32, #tpu.memory_space<vmem>>, vector<16xf32>,
    %broadcast_in_dim3A_221 = arith.constant 1.000000e+00 : f32
    %broadcast_in_dim3A_222 = vector.broadcast %broadcast_in_dim3A_221 : f32 to vector<16xf32>
    %swap3A_223 = arith.constant 29 : i32
    %swap3A_224 = arith.index_cast %swap3A_223 : i32 to index
    %swap3A_225 = arith.constant 0 : index
    %swap3A_226 = tpu.vector_load %arg5[%swap3A_224, %swap3A_225] {strides = array<i32>} : memref<128x16xf32, #tpu.memory_space<vmem>>, vector<16xf32>,
    tpu.vector_store %arg5[%swap3A_224, %swap3A_225], %broadcast_in_dim3A_222 {strides = array<i32>} : memref<128x16xf32, #tpu.memory_space<vmem>>, vector<16xf32>,
    %broadcast_in_dim3A_227 = arith.constant 1.000000e+00 : f32
    %broadcast_in_dim3A_228 = vector.broadcast %broadcast_in_dim3A_227 : f32 to vector<16xf32>
    %swap3A_229 = arith.constant 30 : i32
    %swap3A_230 = arith.index_cast %swap3A_229 : i32 to index
    %swap3A_231 = arith.constant 0 : index
    %swap3A_232 = tpu.vector_load %arg5[%swap3A_230, %swap3A_231] {strides = array<i32>} : memref<128x16xf32, #tpu.memory_space<vmem>>, vector<16xf32>,
    tpu.vector_store %arg5[%swap3A_230, %swap3A_231], %broadcast_in_dim3A_228 {strides = array<i32>} : memref<128x16xf32, #tpu.memory_space<vmem>>, vector<16xf32>,
    %broadcast_in_dim3A_233 = arith.constant 1.000000e+00 : f32
    %broadcast_in_dim3A_234 = vector.broadcast %broadcast_in_dim3A_233 : f32 to vector<16xf32>
    %swap3A_235 = arith.constant 31 : i32
    %swap3A_236 = arith.index_cast %swap3A_235 : i32 to index
    %swap3A_237 = arith.constant 0 : index
    %swap3A_238 = tpu.vector_load %arg5[%swap3A_236, %swap3A_237] {strides = array<i32>} : memref<128x16xf32, #tpu.memory_space<vmem>>, vector<16xf32>,
    tpu.vector_store %arg5[%swap3A_236, %swap3A_237], %broadcast_in_dim3A_234 {strides = array<i32>} : memref<128x16xf32, #tpu.memory_space<vmem>>, vector<16xf32>,
    %broadcast_in_dim3A_239 = arith.constant 1.000000e+00 : f32
    %broadcast_in_dim3A_240 = vector.broadcast %broadcast_in_dim3A_239 : f32 to vector<16xf32>
    %swap3A_241 = arith.constant 32 : i32
    %swap3A_242 = arith.index_cast %swap3A_241 : i32 to index
    %swap3A_243 = arith.constant 0 : index
    %swap3A_244 = tpu.vector_load %arg5[%swap3A_242, %swap3A_243] {strides = array<i32>} : memref<128x16xf32, #tpu.memory_space<vmem>>, vector<16xf32>,
    tpu.vector_store %arg5[%swap3A_242, %swap3A_243], %broadcast_in_dim3A_240 {strides = array<i32>} : memref<128x16xf32, #tpu.memory_space<vmem>>, vector<16xf32>,
    %broadcast_in_dim3A_245 = arith.constant 1.000000e+00 : f32
    %broadcast_in_dim3A_246 = vector.broadcast %broadcast_in_dim3A_245 : f32 to vector<16xf32>
    %swap3A_247 = arith.constant 33 : i32
    %swap3A_248 = arith.index_cast %swap3A_247 : i32 to index
    %swap3A_249 = arith.constant 0 : index
    %swap3A_250 = tpu.vector_load %arg5[%swap3A_248, %swap3A_249] {strides = array<i32>} : memref<128x16xf32, #tpu.memory_space<vmem>>, vector<16xf32>,
    tpu.vector_store %arg5[%swap3A_248, %swap3A_249], %broadcast_in_dim3A_246 {strides = array<i32>} : memref<128x16xf32, #tpu.memory_space<vmem>>, vector<16xf32>,
    %broadcast_in_dim3A_251 = arith.constant 1.000000e+00 : f32
    %broadcast_in_dim3A_252 = vector.broadcast %broadcast_in_dim3A_251 : f32 to vector<16xf32>
    %swap3A_253 = arith.constant 34 : i32
    %swap3A_254 = arith.index_cast %swap3A_253 : i32 to index
    %swap3A_255 = arith.constant 0 : index
    %swap3A_256 = tpu.vector_load %arg5[%swap3A_254, %swap3A_255] {strides = array<i32>} : memref<128x16xf32, #tpu.memory_space<vmem>>, vector<16xf32>,
    tpu.vector_store %arg5[%swap3A_254, %swap3A_255], %broadcast_in_dim3A_252 {strides = array<i32>} : memref<128x16xf32, #tpu.memory_space<vmem>>, vector<16xf32>,
    %broadcast_in_dim3A_257 = arith.constant 1.000000e+00 : f32
    %broadcast_in_dim3A_258 = vector.broadcast %broadcast_in_dim3A_257 : f32 to vector<16xf32>
    %swap3A_259 = arith.constant 35 : i32
    %swap3A_260 = arith.index_cast %swap3A_259 : i32 to index
    %swap3A_261 = arith.constant 0 : index
    %swap3A_262 = tpu.vector_load %arg5[%swap3A_260, %swap3A_261] {strides = array<i32>} : memref<128x16xf32, #tpu.memory_space<vmem>>, vector<16xf32>,
    tpu.vector_store %arg5[%swap3A_260, %swap3A_261], %broadcast_in_dim3A_258 {strides = array<i32>} : memref<128x16xf32, #tpu.memory_space<vmem>>, vector<16xf32>,
    %broadcast_in_dim3A_263 = arith.constant 1.000000e+00 : f32
    %broadcast_in_dim3A_264 = vector.broadcast %broadcast_in_dim3A_263 : f32 to vector<16xf32>
    %swap3A_265 = arith.constant 36 : i32
    %swap3A_266 = arith.index_cast %swap3A_265 : i32 to index
    %swap3A_267 = arith.constant 0 : index
    %swap3A_268 = tpu.vector_load %arg5[%swap3A_266, %swap3A_267] {strides = array<i32>} : memref<128x16xf32, #tpu.memory_space<vmem>>, vector<16xf32>,
    tpu.vector_store %arg5[%swap3A_266, %swap3A_267], %broadcast_in_dim3A_264 {strides = array<i32>} : memref<128x16xf32, #tpu.memory_space<vmem>>, vector<16xf32>,
    %broadcast_in_dim3A_269 = arith.constant 1.000000e+00 : f32
    %broadcast_in_dim3A_270 = vector.broadcast %broadcast_in_dim3A_269 : f32 to vector<16xf32>
    %swap3A_271 = arith.constant 37 : i32
    %swap3A_272 = arith.index_cast %swap3A_271 : i32 to index
    %swap3A_273 = arith.constant 0 : index
    %swap3A_274 = tpu.vector_load %arg5[%swap3A_272, %swap3A_273] {strides = array<i32>} : memref<128x16xf32, #tpu.memory_space<vmem>>, vector<16xf32>,
    tpu.vector_store %arg5[%swap3A_272, %swap3A_273], %broadcast_in_dim3A_270 {strides = array<i32>} : memref<128x16xf32, #tpu.memory_space<vmem>>, vector<16xf32>,
    %broadcast_in_dim3A_275 = arith.constant 1.000000e+00 : f32
    %broadcast_in_dim3A_276 = vector.broadcast %broadcast_in_dim3A_275 : f32 to vector<16xf32>
    %swap3A_277 = arith.constant 38 : i32
    %swap3A_278 = arith.index_cast %swap3A_277 : i32 to index
    %swap3A_279 = arith.constant 0 : index
    %swap3A_280 = tpu.vector_load %arg5[%swap3A_278, %swap3A_279] {strides = array<i32>} : memref<128x16xf32, #tpu.memory_space<vmem>>, vector<16xf32>,
    tpu.vector_store %arg5[%swap3A_278, %swap3A_279], %broadcast_in_dim3A_276 {strides = array<i32>} : memref<128x16xf32, #tpu.memory_space<vmem>>, vector<16xf32>,
    %broadcast_in_dim3A_281 = arith.constant 1.000000e+00 : f32
    %broadcast_in_dim3A_282 = vector.broadcast %broadcast_in_dim3A_281 : f32 to vector<16xf32>
    %swap3A_283 = arith.constant 39 : i32
    %swap3A_284 = arith.index_cast %swap3A_283 : i32 to index
    %swap3A_285 = arith.constant 0 : index
    %swap3A_286 = tpu.vector_load %arg5[%swap3A_284, %swap3A_285] {strides = array<i32>} : memref<128x16xf32, #tpu.memory_space<vmem>>, vector<16xf32>,
    tpu.vector_store %arg5[%swap3A_284, %swap3A_285], %broadcast_in_dim3A_282 {strides = array<i32>} : memref<128x16xf32, #tpu.memory_space<vmem>>, vector<16xf32>,
    %broadcast_in_dim3A_287 = arith.constant 1.000000e+00 : f32
    %broadcast_in_dim3A_288 = vector.broadcast %broadcast_in_dim3A_287 : f32 to vector<16xf32>
    %swap3A_289 = arith.constant 40 : i32
    %swap3A_290 = arith.index_cast %swap3A_289 : i32 to index
    %swap3A_291 = arith.constant 0 : index
    %swap3A_292 = tpu.vector_load %arg5[%swap3A_290, %swap3A_291] {strides = array<i32>} : memref<128x16xf32, #tpu.memory_space<vmem>>, vector<16xf32>,
    tpu.vector_store %arg5[%swap3A_290, %swap3A_291], %broadcast_in_dim3A_288 {strides = array<i32>} : memref<128x16xf32, #tpu.memory_space<vmem>>, vector<16xf32>,
    %broadcast_in_dim3A_293 = arith.constant 1.000000e+00 : f32
    %broadcast_in_dim3A_294 = vector.broadcast %broadcast_in_dim3A_293 : f32 to vector<16xf32>
    %swap3A_295 = arith.constant 41 : i32
    %swap3A_296 = arith.index_cast %swap3A_295 : i32 to index
    %swap3A_297 = arith.constant 0 : index
    %swap3A_298 = tpu.vector_load %arg5[%swap3A_296, %swap3A_297] {strides = array<i32>} : memref<128x16xf32, #tpu.memory_space<vmem>>, vector<16xf32>,
    tpu.vector_store %arg5[%swap3A_296, %swap3A_297], %broadcast_in_dim3A_294 {strides = array<i32>} : memref<128x16xf32, #tpu.memory_space<vmem>>, vector<16xf32>,
    %broadcast_in_dim3A_299 = arith.constant 1.000000e+00 : f32
    %broadcast_in_dim3A_300 = vector.broadcast %broadcast_in_dim3A_299 : f32 to vector<16xf32>
    %swap3A_301 = arith.constant 42 : i32
    %swap3A_302 = arith.index_cast %swap3A_301 : i32 to index
    %swap3A_303 = arith.constant 0 : index
    %swap3A_304 = tpu.vector_load %arg5[%swap3A_302, %swap3A_303] {strides = array<i32>} : memref<128x16xf32, #tpu.memory_space<vmem>>, vector<16xf32>,
    tpu.vector_store %arg5[%swap3A_302, %swap3A_303], %broadcast_in_dim3A_300 {strides = array<i32>} : memref<128x16xf32, #tpu.memory_space<vmem>>, vector<16xf32>,
    %broadcast_in_dim3A_305 = arith.constant 1.000000e+00 : f32
    %broadcast_in_dim3A_306 = vector.broadcast %broadcast_in_dim3A_305 : f32 to vector<16xf32>
    %swap3A_307 = arith.constant 43 : i32
    %swap3A_308 = arith.index_cast %swap3A_307 : i32 to index
    %swap3A_309 = arith.constant 0 : index
    %swap3A_310 = tpu.vector_load %arg5[%swap3A_308, %swap3A_309] {strides = array<i32>} : memref<128x16xf32, #tpu.memory_space<vmem>>, vector<16xf32>,
    tpu.vector_store %arg5[%swap3A_308, %swap3A_309], %broadcast_in_dim3A_306 {strides = array<i32>} : memref<128x16xf32, #tpu.memory_space<vmem>>, vector<16xf32>,
    %broadcast_in_dim3A_311 = arith.constant 1.000000e+00 : f32
    %broadcast_in_dim3A_312 = vector.broadcast %broadcast_in_dim3A_311 : f32 to vector<16xf32>
    %swap3A_313 = arith.constant 44 : i32
    %swap3A_314 = arith.index_cast %swap3A_313 : i32 to index
    %swap3A_315 = arith.constant 0 : index
    %swap3A_316 = tpu.vector_load %arg5[%swap3A_314, %swap3A_315] {strides = array<i32>} : memref<128x16xf32, #tpu.memory_space<vmem>>, vector<16xf32>,
    tpu.vector_store %arg5[%swap3A_314, %swap3A_315], %broadcast_in_dim3A_312 {strides = array<i32>} : memref<128x16xf32, #tpu.memory_space<vmem>>, vector<16xf32>,
    %broadcast_in_dim3A_317 = arith.constant 1.000000e+00 : f32
    %broadcast_in_dim3A_318 = vector.broadcast %broadcast_in_dim3A_317 : f32 to vector<16xf32>
    %swap3A_319 = arith.constant 45 : i32
    %swap3A_320 = arith.index_cast %swap3A_319 : i32 to index
    %swap3A_321 = arith.constant 0 : index
    %swap3A_322 = tpu.vector_load %arg5[%swap3A_320, %swap3A_321] {strides = array<i32>} : memref<128x16xf32, #tpu.memory_space<vmem>>, vector<16xf32>,
    tpu.vector_store %arg5[%swap3A_320, %swap3A_321], %broadcast_in_dim3A_318 {strides = array<i32>} : memref<128x16xf32, #tpu.memory_space<vmem>>, vector<16xf32>,
    %broadcast_in_dim3A_323 = arith.constant 1.000000e+00 : f32
    %broadcast_in_dim3A_324 = vector.broadcast %broadcast_in_dim3A_323 : f32 to vector<16xf32>
    %swap3A_325 = arith.constant 46 : i32
    %swap3A_326 = arith.index_cast %swap3A_325 : i32 to index
    %swap3A_327 = arith.constant 0 : index
    %swap3A_328 = tpu.vector_load %arg5[%swap3A_326, %swap3A_327] {strides = array<i32>} : memref<128x16xf32, #tpu.memory_space<vmem>>, vector<16xf32>,
    tpu.vector_store %arg5[%swap3A_326, %swap3A_327], %broadcast_in_dim3A_324 {strides = array<i32>} : memref<128x16xf32, #tpu.memory_space<vmem>>, vector<16xf32>,
    %broadcast_in_dim3A_329 = arith.constant 1.000000e+00 : f32
    %broadcast_in_dim3A_330 = vector.broadcast %broadcast_in_dim3A_329 : f32 to vector<16xf32>
    %swap3A_331 = arith.constant 47 : i32
    %swap3A_332 = arith.index_cast %swap3A_331 : i32 to index
    %swap3A_333 = arith.constant 0 : index
    %swap3A_334 = tpu.vector_load %arg5[%swap3A_332, %swap3A_333] {strides = array<i32>} : memref<128x16xf32, #tpu.memory_space<vmem>>, vector<16xf32>,
    tpu.vector_store %arg5[%swap3A_332, %swap3A_333], %broadcast_in_dim3A_330 {strides = array<i32>} : memref<128x16xf32, #tpu.memory_space<vmem>>, vector<16xf32>,
    %broadcast_in_dim3A_335 = arith.constant 1.000000e+00 : f32
    %broadcast_in_dim3A_336 = vector.broadcast %broadcast_in_dim3A_335 : f32 to vector<16xf32>
    %swap3A_337 = arith.constant 48 : i32
    %swap3A_338 = arith.index_cast %swap3A_337 : i32 to index
    %swap3A_339 = arith.constant 0 : index
    %swap3A_340 = tpu.vector_load %arg5[%swap3A_338, %swap3A_339] {strides = array<i32>} : memref<128x16xf32, #tpu.memory_space<vmem>>, vector<16xf32>,
    tpu.vector_store %arg5[%swap3A_338, %swap3A_339], %broadcast_in_dim3A_336 {strides = array<i32>} : memref<128x16xf32, #tpu.memory_space<vmem>>, vector<16xf32>,
    %broadcast_in_dim3A_341 = arith.constant 1.000000e+00 : f32
    %broadcast_in_dim3A_342 = vector.broadcast %broadcast_in_dim3A_341 : f32 to vector<16xf32>
    %swap3A_343 = arith.constant 49 : i32
    %swap3A_344 = arith.index_cast %swap3A_343 : i32 to index
    %swap3A_345 = arith.constant 0 : index
    %swap3A_346 = tpu.vector_load %arg5[%swap3A_344, %swap3A_345] {strides = array<i32>} : memref<128x16xf32, #tpu.memory_space<vmem>>, vector<16xf32>,
    tpu.vector_store %arg5[%swap3A_344, %swap3A_345], %broadcast_in_dim3A_342 {strides = array<i32>} : memref<128x16xf32, #tpu.memory_space<vmem>>, vector<16xf32>,
    %broadcast_in_dim3A_347 = arith.constant 1.000000e+00 : f32
    %broadcast_in_dim3A_348 = vector.broadcast %broadcast_in_dim3A_347 : f32 to vector<16xf32>
    %swap3A_349 = arith.constant 50 : i32
    %swap3A_350 = arith.index_cast %swap3A_349 : i32 to index
    %swap3A_351 = arith.constant 0 : index
    %swap3A_352 = tpu.vector_load %arg5[%swap3A_350, %swap3A_351] {strides = array<i32>} : memref<128x16xf32, #tpu.memory_space<vmem>>, vector<16xf32>,
    tpu.vector_store %arg5[%swap3A_350, %swap3A_351], %broadcast_in_dim3A_348 {strides = array<i32>} : memref<128x16xf32, #tpu.memory_space<vmem>>, vector<16xf32>,
    %broadcast_in_dim3A_353 = arith.constant 1.000000e+00 : f32
    %broadcast_in_dim3A_354 = vector.broadcast %broadcast_in_dim3A_353 : f32 to vector<16xf32>
    %swap3A_355 = arith.constant 51 : i32
    %swap3A_356 = arith.index_cast %swap3A_355 : i32 to index
    %swap3A_357 = arith.constant 0 : index
    %swap3A_358 = tpu.vector_load %arg5[%swap3A_356, %swap3A_357] {strides = array<i32>} : memref<128x16xf32, #tpu.memory_space<vmem>>, vector<16xf32>,
    tpu.vector_store %arg5[%swap3A_356, %swap3A_357], %broadcast_in_dim3A_354 {strides = array<i32>} : memref<128x16xf32, #tpu.memory_space<vmem>>, vector<16xf32>,
    %broadcast_in_dim3A_359 = arith.constant 1.000000e+00 : f32
    %broadcast_in_dim3A_360 = vector.broadcast %broadcast_in_dim3A_359 : f32 to vector<16xf32>
    %swap3A_361 = arith.constant 52 : i32
    %swap3A_362 = arith.index_cast %swap3A_361 : i32 to index
    %swap3A_363 = arith.constant 0 : index
    %swap3A_364 = tpu.vector_load %arg5[%swap3A_362, %swap3A_363] {strides = array<i32>} : memref<128x16xf32, #tpu.memory_space<vmem>>, vector<16xf32>,
    tpu.vector_store %arg5[%swap3A_362, %swap3A_363], %broadcast_in_dim3A_360 {strides = array<i32>} : memref<128x16xf32, #tpu.memory_space<vmem>>, vector<16xf32>,
    %broadcast_in_dim3A_365 = arith.constant 1.000000e+00 : f32
    %broadcast_in_dim3A_366 = vector.broadcast %broadcast_in_dim3A_365 : f32 to vector<16xf32>
    %swap3A_367 = arith.constant 53 : i32
    %swap3A_368 = arith.index_cast %swap3A_367 : i32 to index
    %swap3A_369 = arith.constant 0 : index
    %swap3A_370 = tpu.vector_load %arg5[%swap3A_368, %swap3A_369] {strides = array<i32>} : memref<128x16xf32, #tpu.memory_space<vmem>>, vector<16xf32>,
    tpu.vector_store %arg5[%swap3A_368, %swap3A_369], %broadcast_in_dim3A_366 {strides = array<i32>} : memref<128x16xf32, #tpu.memory_space<vmem>>, vector<16xf32>,
    %broadcast_in_dim3A_371 = arith.constant 1.000000e+00 : f32
    %broadcast_in_dim3A_372 = vector.broadcast %broadcast_in_dim3A_371 : f32 to vector<16xf32>
    %swap3A_373 = arith.constant 54 : i32
    %swap3A_374 = arith.index_cast %swap3A_373 : i32 to index
    %swap3A_375 = arith.constant 0 : index
    %swap3A_376 = tpu.vector_load %arg5[%swap3A_374, %swap3A_375] {strides = array<i32>} : memref<128x16xf32, #tpu.memory_space<vmem>>, vector<16xf32>,
    tpu.vector_store %arg5[%swap3A_374, %swap3A_375], %broadcast_in_dim3A_372 {strides = array<i32>} : memref<128x16xf32, #tpu.memory_space<vmem>>, vector<16xf32>,
    %broadcast_in_dim3A_377 = arith.constant 1.000000e+00 : f32
    %broadcast_in_dim3A_378 = vector.broadcast %broadcast_in_dim3A_377 : f32 to vector<16xf32>
    %swap3A_379 = arith.constant 55 : i32
    %swap3A_380 = arith.index_cast %swap3A_379 : i32 to index
    %swap3A_381 = arith.constant 0 : index
    %swap3A_382 = tpu.vector_load %arg5[%swap3A_380, %swap3A_381] {strides = array<i32>} : memref<128x16xf32, #tpu.memory_space<vmem>>, vector<16xf32>,
    tpu.vector_store %arg5[%swap3A_380, %swap3A_381], %broadcast_in_dim3A_378 {strides = array<i32>} : memref<128x16xf32, #tpu.memory_space<vmem>>, vector<16xf32>,
    %broadcast_in_dim3A_383 = arith.constant 1.000000e+00 : f32
    %broadcast_in_dim3A_384 = vector.broadcast %broadcast_in_dim3A_383 : f32 to vector<16xf32>
    %swap3A_385 = arith.constant 56 : i32
    %swap3A_386 = arith.index_cast %swap3A_385 : i32 to index
    %swap3A_387 = arith.constant 0 : index
    %swap3A_388 = tpu.vector_load %arg5[%swap3A_386, %swap3A_387] {strides = array<i32>} : memref<128x16xf32, #tpu.memory_space<vmem>>, vector<16xf32>,
    tpu.vector_store %arg5[%swap3A_386, %swap3A_387], %broadcast_in_dim3A_384 {strides = array<i32>} : memref<128x16xf32, #tpu.memory_space<vmem>>, vector<16xf32>,
    %broadcast_in_dim3A_389 = arith.constant 1.000000e+00 : f32
    %broadcast_in_dim3A_390 = vector.broadcast %broadcast_in_dim3A_389 : f32 to vector<16xf32>
    %swap3A_391 = arith.constant 57 : i32
    %swap3A_392 = arith.index_cast %swap3A_391 : i32 to index
    %swap3A_393 = arith.constant 0 : index
    %swap3A_394 = tpu.vector_load %arg5[%swap3A_392, %swap3A_393] {strides = array<i32>} : memref<128x16xf32, #tpu.memory_space<vmem>>, vector<16xf32>,
    tpu.vector_store %arg5[%swap3A_392, %swap3A_393], %broadcast_in_dim3A_390 {strides = array<i32>} : memref<128x16xf32, #tpu.memory_space<vmem>>, vector<16xf32>,
    %broadcast_in_dim3A_395 = arith.constant 1.000000e+00 : f32
    %broadcast_in_dim3A_396 = vector.broadcast %broadcast_in_dim3A_395 : f32 to vector<16xf32>
    %swap3A_397 = arith.constant 58 : i32
    %swap3A_398 = arith.index_cast %swap3A_397 : i32 to index
    %swap3A_399 = arith.constant 0 : index
    %swap3A_400 = tpu.vector_load %arg5[%swap3A_398, %swap3A_399] {strides = array<i32>} : memref<128x16xf32, #tpu.memory_space<vmem>>, vector<16xf32>,
    tpu.vector_store %arg5[%swap3A_398, %swap3A_399], %broadcast_in_dim3A_396 {strides = array<i32>} : memref<128x16xf32, #tpu.memory_space<vmem>>, vector<16xf32>,
    %broadcast_in_dim3A_401 = arith.constant 1.000000e+00 : f32
    %broadcast_in_dim3A_402 = vector.broadcast %broadcast_in_dim3A_401 : f32 to vector<16xf32>
    %swap3A_403 = arith.constant 59 : i32
    %swap3A_404 = arith.index_cast %swap3A_403 : i32 to index
    %swap3A_405 = arith.constant 0 : index
    %swap3A_406 = tpu.vector_load %arg5[%swap3A_404, %swap3A_405] {strides = array<i32>} : memref<128x16xf32, #tpu.memory_space<vmem>>, vector<16xf32>,
    tpu.vector_store %arg5[%swap3A_404, %swap3A_405], %broadcast_in_dim3A_402 {strides = array<i32>} : memref<128x16xf32, #tpu.memory_space<vmem>>, vector<16xf32>,
    %broadcast_in_dim3A_407 = arith.constant 1.000000e+00 : f32
    %broadcast_in_dim3A_408 = vector.broadcast %broadcast_in_dim3A_407 : f32 to vector<16xf32>
    %swap3A_409 = arith.constant 60 : i32
    %swap3A_410 = arith.index_cast %swap3A_409 : i32 to index
    %swap3A_411 = arith.constant 0 : index
    %swap3A_412 = tpu.vector_load %arg5[%swap3A_410, %swap3A_411] {strides = array<i32>} : memref<128x16xf32, #tpu.memory_space<vmem>>, vector<16xf32>,
    tpu.vector_store %arg5[%swap3A_410, %swap3A_411], %broadcast_in_dim3A_408 {strides = array<i32>} : memref<128x16xf32, #tpu.memory_space<vmem>>, vector<16xf32>,
    %broadcast_in_dim3A_413 = arith.constant 1.000000e+00 : f32
    %broadcast_in_dim3A_414 = vector.broadcast %broadcast_in_dim3A_413 : f32 to vector<16xf32>
    %swap3A_415 = arith.constant 61 : i32
    %swap3A_416 = arith.index_cast %swap3A_415 : i32 to index
    %swap3A_417 = arith.constant 0 : index
    %swap3A_418 = tpu.vector_load %arg5[%swap3A_416, %swap3A_417] {strides = array<i32>} : memref<128x16xf32, #tpu.memory_space<vmem>>, vector<16xf32>,
    tpu.vector_store %arg5[%swap3A_416, %swap3A_417], %broadcast_in_dim3A_414 {strides = array<i32>} : memref<128x16xf32, #tpu.memory_space<vmem>>, vector<16xf32>,
    %broadcast_in_dim3A_419 = arith.constant 1.000000e+00 : f32
    %broadcast_in_dim3A_420 = vector.broadcast %broadcast_in_dim3A_419 : f32 to vector<16xf32>
    %swap3A_421 = arith.constant 62 : i32
    %swap3A_422 = arith.index_cast %swap3A_421 : i32 to index
    %swap3A_423 = arith.constant 0 : index
    %swap3A_424 = tpu.vector_load %arg5[%swap3A_422, %swap3A_423] {strides = array<i32>} : memref<128x16xf32, #tpu.memory_space<vmem>>, vector<16xf32>,
    tpu.vector_store %arg5[%swap3A_422, %swap3A_423], %broadcast_in_dim3A_420 {strides = array<i32>} : memref<128x16xf32, #tpu.memory_space<vmem>>, vector<16xf32>,
    %broadcast_in_dim3A_425 = arith.constant 1.000000e+00 : f32
    %broadcast_in_dim3A_426 = vector.broadcast %broadcast_in_dim3A_425 : f32 to vector<16xf32>
    %swap3A_427 = arith.constant 63 : i32
    %swap3A_428 = arith.index_cast %swap3A_427 : i32 to index
    %swap3A_429 = arith.constant 0 : index
    %swap3A_430 = tpu.vector_load %arg5[%swap3A_428, %swap3A_429] {strides = array<i32>} : memref<128x16xf32, #tpu.memory_space<vmem>>, vector<16xf32>,
    tpu.vector_store %arg5[%swap3A_428, %swap3A_429], %broadcast_in_dim3A_426 {strides = array<i32>} : memref<128x16xf32, #tpu.memory_space<vmem>>, vector<16xf32>,
    %broadcast_in_dim3A_431 = arith.constant 1.000000e+00 : f32
    %broadcast_in_dim3A_432 = vector.broadcast %broadcast_in_dim3A_431 : f32 to vector<16xf32>
    %swap3A_433 = arith.constant 64 : i32
    %swap3A_434 = arith.index_cast %swap3A_433 : i32 to index
    %swap3A_435 = arith.constant 0 : index
    %swap3A_436 = tpu.vector_load %arg5[%swap3A_434, %swap3A_435] {strides = array<i32>} : memref<128x16xf32, #tpu.memory_space<vmem>>, vector<16xf32>,
    tpu.vector_store %arg5[%swap3A_434, %swap3A_435], %broadcast_in_dim3A_432 {strides = array<i32>} : memref<128x16xf32, #tpu.memory_space<vmem>>, vector<16xf32>,
    %broadcast_in_dim3A_437 = arith.constant 1.000000e+00 : f32
    %broadcast_in_dim3A_438 = vector.broadcast %broadcast_in_dim3A_437 : f32 to vector<16xf32>
    %swap3A_439 = arith.constant 65 : i32
    %swap3A_440 = arith.index_cast %swap3A_439 : i32 to index
    %swap3A_441 = arith.constant 0 : index
    %swap3A_442 = tpu.vector_load %arg5[%swap3A_440, %swap3A_441] {strides = array<i32>} : memref<128x16xf32, #tpu.memory_space<vmem>>, vector<16xf32>,
    tpu.vector_store %arg5[%swap3A_440, %swap3A_441], %broadcast_in_dim3A_438 {strides = array<i32>} : memref<128x16xf32, #tpu.memory_space<vmem>>, vector<16xf32>,
    %broadcast_in_dim3A_443 = arith.constant 1.000000e+00 : f32
    %broadcast_in_dim3A_444 = vector.broadcast %broadcast_in_dim3A_443 : f32 to vector<16xf32>
    %swap3A_445 = arith.constant 66 : i32
    %swap3A_446 = arith.index_cast %swap3A_445 : i32 to index
    %swap3A_447 = arith.constant 0 : index
    %swap3A_448 = tpu.vector_load %arg5[%swap3A_446, %swap3A_447] {strides = array<i32>} : memref<128x16xf32, #tpu.memory_space<vmem>>, vector<16xf32>,
    tpu.vector_store %arg5[%swap3A_446, %swap3A_447], %broadcast_in_dim3A_444 {strides = array<i32>} : memref<128x16xf32, #tpu.memory_space<vmem>>, vector<16xf32>,
    %broadcast_in_dim3A_449 = arith.constant 1.000000e+00 : f32
    %broadcast_in_dim3A_450 = vector.broadcast %broadcast_in_dim3A_449 : f32 to vector<16xf32>
    %swap3A_451 = arith.constant 67 : i32
    %swap3A_452 = arith.index_cast %swap3A_451 : i32 to index
    %swap3A_453 = arith.constant 0 : index
    %swap3A_454 = tpu.vector_load %arg5[%swap3A_452, %swap3A_453] {strides = array<i32>} : memref<128x16xf32, #tpu.memory_space<vmem>>, vector<16xf32>,
    tpu.vector_store %arg5[%swap3A_452, %swap3A_453], %broadcast_in_dim3A_450 {strides = array<i32>} : memref<128x16xf32, #tpu.memory_space<vmem>>, vector<16xf32>,
    %broadcast_in_dim3A_455 = arith.constant 1.000000e+00 : f32
    %broadcast_in_dim3A_456 = vector.broadcast %broadcast_in_dim3A_455 : f32 to vector<16xf32>
    %swap3A_457 = arith.constant 68 : i32
    %swap3A_458 = arith.index_cast %swap3A_457 : i32 to index
    %swap3A_459 = arith.constant 0 : index
    %swap3A_460 = tpu.vector_load %arg5[%swap3A_458, %swap3A_459] {strides = array<i32>} : memref<128x16xf32, #tpu.memory_space<vmem>>, vector<16xf32>,
    tpu.vector_store %arg5[%swap3A_458, %swap3A_459], %broadcast_in_dim3A_456 {strides = array<i32>} : memref<128x16xf32, #tpu.memory_space<vmem>>, vector<16xf32>,
    %broadcast_in_dim3A_461 = arith.constant 1.000000e+00 : f32
    %broadcast_in_dim3A_462 = vector.broadcast %broadcast_in_dim3A_461 : f32 to vector<16xf32>
    %swap3A_463 = arith.constant 69 : i32
    %swap3A_464 = arith.index_cast %swap3A_463 : i32 to index
    %swap3A_465 = arith.constant 0 : index
    %swap3A_466 = tpu.vector_load %arg5[%swap3A_464, %swap3A_465] {strides = array<i32>} : memref<128x16xf32, #tpu.memory_space<vmem>>, vector<16xf32>,
    tpu.vector_store %arg5[%swap3A_464, %swap3A_465], %broadcast_in_dim3A_462 {strides = array<i32>} : memref<128x16xf32, #tpu.memory_space<vmem>>, vector<16xf32>,
    %broadcast_in_dim3A_467 = arith.constant 1.000000e+00 : f32
    %broadcast_in_dim3A_468 = vector.broadcast %broadcast_in_dim3A_467 : f32 to vector<16xf32>
    %swap3A_469 = arith.constant 70 : i32
    %swap3A_470 = arith.index_cast %swap3A_469 : i32 to index
    %swap3A_471 = arith.constant 0 : index
    %swap3A_472 = tpu.vector_load %arg5[%swap3A_470, %swap3A_471] {strides = array<i32>} : memref<128x16xf32, #tpu.memory_space<vmem>>, vector<16xf32>,
    tpu.vector_store %arg5[%swap3A_470, %swap3A_471], %broadcast_in_dim3A_468 {strides = array<i32>} : memref<128x16xf32, #tpu.memory_space<vmem>>, vector<16xf32>,
    %broadcast_in_dim3A_473 = arith.constant 1.000000e+00 : f32
    %broadcast_in_dim3A_474 = vector.broadcast %broadcast_in_dim3A_473 : f32 to vector<16xf32>
    %swap3A_475 = arith.constant 71 : i32
    %swap3A_476 = arith.index_cast %swap3A_475 : i32 to index
    %swap3A_477 = arith.constant 0 : index
    %swap3A_478 = tpu.vector_load %arg5[%swap3A_476, %swap3A_477] {strides = array<i32>} : memref<128x16xf32, #tpu.memory_space<vmem>>, vector<16xf32>,
    tpu.vector_store %arg5[%swap3A_476, %swap3A_477], %broadcast_in_dim3A_474 {strides = array<i32>} : memref<128x16xf32, #tpu.memory_space<vmem>>, vector<16xf32>,
    %broadcast_in_dim3A_479 = arith.constant 1.000000e+00 : f32
    %broadcast_in_dim3A_480 = vector.broadcast %broadcast_in_dim3A_479 : f32 to vector<16xf32>
    %swap3A_481 = arith.constant 72 : i32
    %swap3A_482 = arith.index_cast %swap3A_481 : i32 to index
    %swap3A_483 = arith.constant 0 : index
    %swap3A_484 = tpu.vector_load %arg5[%swap3A_482, %swap3A_483] {strides = array<i32>} : memref<128x16xf32, #tpu.memory_space<vmem>>, vector<16xf32>,
    tpu.vector_store %arg5[%swap3A_482, %swap3A_483], %broadcast_in_dim3A_480 {strides = array<i32>} : memref<128x16xf32, #tpu.memory_space<vmem>>, vector<16xf32>,
    %broadcast_in_dim3A_485 = arith.constant 1.000000e+00 : f32
    %broadcast_in_dim3A_486 = vector.broadcast %broadcast_in_dim3A_485 : f32 to vector<16xf32>
    %swap3A_487 = arith.constant 73 : i32
    %swap3A_488 = arith.index_cast %swap3A_487 : i32 to index
    %swap3A_489 = arith.constant 0 : index
    %swap3A_490 = tpu.vector_load %arg5[%swap3A_488, %swap3A_489] {strides = array<i32>} : memref<128x16xf32, #tpu.memory_space<vmem>>, vector<16xf32>,
    tpu.vector_store %arg5[%swap3A_488, %swap3A_489], %broadcast_in_dim3A_486 {strides = array<i32>} : memref<128x16xf32, #tpu.memory_space<vmem>>, vector<16xf32>,
    %broadcast_in_dim3A_491 = arith.constant 1.000000e+00 : f32
    %broadcast_in_dim3A_492 = vector.broadcast %broadcast_in_dim3A_491 : f32 to vector<16xf32>
    %swap3A_493 = arith.constant 74 : i32
    %swap3A_494 = arith.index_cast %swap3A_493 : i32 to index
    %swap3A_495 = arith.constant 0 : index
    %swap3A_496 = tpu.vector_load %arg5[%swap3A_494, %swap3A_495] {strides = array<i32>} : memref<128x16xf32, #tpu.memory_space<vmem>>, vector<16xf32>,
    tpu.vector_store %arg5[%swap3A_494, %swap3A_495], %broadcast_in_dim3A_492 {strides = array<i32>} : memref<128x16xf32, #tpu.memory_space<vmem>>, vector<16xf32>,
    %broadcast_in_dim3A_497 = arith.constant 1.000000e+00 : f32
    %broadcast_in_dim3A_498 = vector.broadcast %broadcast_in_dim3A_497 : f32 to vector<16xf32>
    %swap3A_499 = arith.constant 75 : i32
    %swap3A_500 = arith.index_cast %swap3A_499 : i32 to index
    %swap3A_501 = arith.constant 0 : index
    %swap3A_502 = tpu.vector_load %arg5[%swap3A_500, %swap3A_501] {strides = array<i32>} : memref<128x16xf32, #tpu.memory_space<vmem>>, vector<16xf32>,
    tpu.vector_store %arg5[%swap3A_500, %swap3A_501], %broadcast_in_dim3A_498 {strides = array<i32>} : memref<128x16xf32, #tpu.memory_space<vmem>>, vector<16xf32>,
    %broadcast_in_dim3A_503 = arith.constant 1.000000e+00 : f32
    %broadcast_in_dim3A_504 = vector.broadcast %broadcast_in_dim3A_503 : f32 to vector<16xf32>
    %swap3A_505 = arith.constant 76 : i32
    %swap3A_506 = arith.index_cast %swap3A_505 : i32 to index
    %swap3A_507 = arith.constant 0 : index
    %swap3A_508 = tpu.vector_load %arg5[%swap3A_506, %swap3A_507] {strides = array<i32>} : memref<128x16xf32, #tpu.memory_space<vmem>>, vector<16xf32>,
    tpu.vector_store %arg5[%swap3A_506, %swap3A_507], %broadcast_in_dim3A_504 {strides = array<i32>} : memref<128x16xf32, #tpu.memory_space<vmem>>, vector<16xf32>,
    %broadcast_in_dim3A_509 = arith.constant 1.000000e+00 : f32
    %broadcast_in_dim3A_510 = vector.broadcast %broadcast_in_dim3A_509 : f32 to vector<16xf32>
    %swap3A_511 = arith.constant 77 : i32
    %swap3A_512 = arith.index_cast %swap3A_511 : i32 to index
    %swap3A_513 = arith.constant 0 : index
    %swap3A_514 = tpu.vector_load %arg5[%swap3A_512, %swap3A_513] {strides = array<i32>} : memref<128x16xf32, #tpu.memory_space<vmem>>, vector<16xf32>,
    tpu.vector_store %arg5[%swap3A_512, %swap3A_513], %broadcast_in_dim3A_510 {strides = array<i32>} : memref<128x16xf32, #tpu.memory_space<vmem>>, vector<16xf32>,
    %broadcast_in_dim3A_515 = arith.constant 1.000000e+00 : f32
    %broadcast_in_dim3A_516 = vector.broadcast %broadcast_in_dim3A_515 : f32 to vector<16xf32>
    %swap3A_517 = arith.constant 78 : i32
    %swap3A_518 = arith.index_cast %swap3A_517 : i32 to index
    %swap3A_519 = arith.constant 0 : index
    %swap3A_520 = tpu.vector_load %arg5[%swap3A_518, %swap3A_519] {strides = array<i32>} : memref<128x16xf32, #tpu.memory_space<vmem>>, vector<16xf32>,
    tpu.vector_store %arg5[%swap3A_518, %swap3A_519], %broadcast_in_dim3A_516 {strides = array<i32>} : memref<128x16xf32, #tpu.memory_space<vmem>>, vector<16xf32>,
    %broadcast_in_dim3A_521 = arith.constant 1.000000e+00 : f32
    %broadcast_in_dim3A_522 = vector.broadcast %broadcast_in_dim3A_521 : f32 to vector<16xf32>
    %swap3A_523 = arith.constant 79 : i32
    %swap3A_524 = arith.index_cast %swap3A_523 : i32 to index
    %swap3A_525 = arith.constant 0 : index
    %swap3A_526 = tpu.vector_load %arg5[%swap3A_524, %swap3A_525] {strides = array<i32>} : memref<128x16xf32, #tpu.memory_space<vmem>>, vector<16xf32>,
    tpu.vector_store %arg5[%swap3A_524, %swap3A_525], %broadcast_in_dim3A_522 {strides = array<i32>} : memref<128x16xf32, #tpu.memory_space<vmem>>, vector<16xf32>,
    %broadcast_in_dim3A_527 = arith.constant 1.000000e+00 : f32
    %broadcast_in_dim3A_528 = vector.broadcast %broadcast_in_dim3A_527 : f32 to vector<16xf32>
    %swap3A_529 = arith.constant 80 : i32
    %swap3A_530 = arith.index_cast %swap3A_529 : i32 to index
    %swap3A_531 = arith.constant 0 : index
    %swap3A_532 = tpu.vector_load %arg5[%swap3A_530, %swap3A_531] {strides = array<i32>} : memref<128x16xf32, #tpu.memory_space<vmem>>, vector<16xf32>,
    tpu.vector_store %arg5[%swap3A_530, %swap3A_531], %broadcast_in_dim3A_528 {strides = array<i32>} : memref<128x16xf32, #tpu.memory_space<vmem>>, vector<16xf32>,
    %broadcast_in_dim3A_533 = arith.constant 1.000000e+00 : f32
    %broadcast_in_dim3A_534 = vector.broadcast %broadcast_in_dim3A_533 : f32 to vector<16xf32>
    %swap3A_535 = arith.constant 81 : i32
    %swap3A_536 = arith.index_cast %swap3A_535 : i32 to index
    %swap3A_537 = arith.constant 0 : index
    %swap3A_538 = tpu.vector_load %arg5[%swap3A_536, %swap3A_537] {strides = array<i32>} : memref<128x16xf32, #tpu.memory_space<vmem>>, vector<16xf32>,
    tpu.vector_store %arg5[%swap3A_536, %swap3A_537], %broadcast_in_dim3A_534 {strides = array<i32>} : memref<128x16xf32, #tpu.memory_space<vmem>>, vector<16xf32>,
    %broadcast_in_dim3A_539 = arith.constant 1.000000e+00 : f32
    %broadcast_in_dim3A_540 = vector.broadcast %broadcast_in_dim3A_539 : f32 to vector<16xf32>
    %swap3A_541 = arith.constant 82 : i32
    %swap3A_542 = arith.index_cast %swap3A_541 : i32 to index
    %swap3A_543 = arith.constant 0 : index
    %swap3A_544 = tpu.vector_load %arg5[%swap3A_542, %swap3A_543] {strides = array<i32>} : memref<128x16xf32, #tpu.memory_space<vmem>>, vector<16xf32>,
    tpu.vector_store %arg5[%swap3A_542, %swap3A_543], %broadcast_in_dim3A_540 {strides = array<i32>} : memref<128x16xf32, #tpu.memory_space<vmem>>, vector<16xf32>,
    %broadcast_in_dim3A_545 = arith.constant 1.000000e+00 : f32
    %broadcast_in_dim3A_546 = vector.broadcast %broadcast_in_dim3A_545 : f32 to vector<16xf32>
    %swap3A_547 = arith.constant 83 : i32
    %swap3A_548 = arith.index_cast %swap3A_547 : i32 to index
    %swap3A_549 = arith.constant 0 : index
    %swap3A_550 = tpu.vector_load %arg5[%swap3A_548, %swap3A_549] {strides = array<i32>} : memref<128x16xf32, #tpu.memory_space<vmem>>, vector<16xf32>,
    tpu.vector_store %arg5[%swap3A_548, %swap3A_549], %broadcast_in_dim3A_546 {strides = array<i32>} : memref<128x16xf32, #tpu.memory_space<vmem>>, vector<16xf32>,
    %broadcast_in_dim3A_551 = arith.constant 1.000000e+00 : f32
    %broadcast_in_dim3A_552 = vector.broadcast %broadcast_in_dim3A_551 : f32 to vector<16xf32>
    %swap3A_553 = arith.constant 84 : i32
    %swap3A_554 = arith.index_cast %swap3A_553 : i32 to index
    %swap3A_555 = arith.constant 0 : index
    %swap3A_556 = tpu.vector_load %arg5[%swap3A_554, %swap3A_555] {strides = array<i32>} : memref<128x16xf32, #tpu.memory_space<vmem>>, vector<16xf32>,
    tpu.vector_store %arg5[%swap3A_554, %swap3A_555], %broadcast_in_dim3A_552 {strides = array<i32>} : memref<128x16xf32, #tpu.memory_space<vmem>>, vector<16xf32>,
    %broadcast_in_dim3A_557 = arith.constant 1.000000e+00 : f32
    %broadcast_in_dim3A_558 = vector.broadcast %broadcast_in_dim3A_557 : f32 to vector<16xf32>
    %swap3A_559 = arith.constant 85 : i32
    %swap3A_560 = arith.index_cast %swap3A_559 : i32 to index
    %swap3A_561 = arith.constant 0 : index
    %swap3A_562 = tpu.vector_load %arg5[%swap3A_560, %swap3A_561] {strides = array<i32>} : memref<128x16xf32, #tpu.memory_space<vmem>>, vector<16xf32>,
    tpu.vector_store %arg5[%swap3A_560, %swap3A_561], %broadcast_in_dim3A_558 {strides = array<i32>} : memref<128x16xf32, #tpu.memory_space<vmem>>, vector<16xf32>,
    %broadcast_in_dim3A_563 = arith.constant 1.000000e+00 : f32
    %broadcast_in_dim3A_564 = vector.broadcast %broadcast_in_dim3A_563 : f32 to vector<16xf32>
    %swap3A_565 = arith.constant 86 : i32
    %swap3A_566 = arith.index_cast %swap3A_565 : i32 to index
    %swap3A_567 = arith.constant 0 : index
    %swap3A_568 = tpu.vector_load %arg5[%swap3A_566, %swap3A_567] {strides = array<i32>} : memref<128x16xf32, #tpu.memory_space<vmem>>, vector<16xf32>,
    tpu.vector_store %arg5[%swap3A_566, %swap3A_567], %broadcast_in_dim3A_564 {strides = array<i32>} : memref<128x16xf32, #tpu.memory_space<vmem>>, vector<16xf32>,
    %broadcast_in_dim3A_569 = arith.constant 1.000000e+00 : f32
    %broadcast_in_dim3A_570 = vector.broadcast %broadcast_in_dim3A_569 : f32 to vector<16xf32>
    %swap3A_571 = arith.constant 87 : i32
    %swap3A_572 = arith.index_cast %swap3A_571 : i32 to index
    %swap3A_573 = arith.constant 0 : index
    %swap3A_574 = tpu.vector_load %arg5[%swap3A_572, %swap3A_573] {strides = array<i32>} : memref<128x16xf32, #tpu.memory_space<vmem>>, vector<16xf32>,
    tpu.vector_store %arg5[%swap3A_572, %swap3A_573], %broadcast_in_dim3A_570 {strides = array<i32>} : memref<128x16xf32, #tpu.memory_space<vmem>>, vector<16xf32>,
    %broadcast_in_dim3A_575 = arith.constant 1.000000e+00 : f32
    %broadcast_in_dim3A_576 = vector.broadcast %broadcast_in_dim3A_575 : f32 to vector<16xf32>
    %swap3A_577 = arith.constant 88 : i32
    %swap3A_578 = arith.index_cast %swap3A_577 : i32 to index
    %swap3A_579 = arith.constant 0 : index
    %swap3A_580 = tpu.vector_load %arg5[%swap3A_578, %swap3A_579] {strides = array<i32>} : memref<128x16xf32, #tpu.memory_space<vmem>>, vector<16xf32>,
    tpu.vector_store %arg5[%swap3A_578, %swap3A_579], %broadcast_in_dim3A_576 {strides = array<i32>} : memref<128x16xf32, #tpu.memory_space<vmem>>, vector<16xf32>,
    %broadcast_in_dim3A_581 = arith.constant 1.000000e+00 : f32
    %broadcast_in_dim3A_582 = vector.broadcast %broadcast_in_dim3A_581 : f32 to vector<16xf32>
    %swap3A_583 = arith.constant 89 : i32
    %swap3A_584 = arith.index_cast %swap3A_583 : i32 to index
    %swap3A_585 = arith.constant 0 : index
    %swap3A_586 = tpu.vector_load %arg5[%swap3A_584, %swap3A_585] {strides = array<i32>} : memref<128x16xf32, #tpu.memory_space<vmem>>, vector<16xf32>,
    tpu.vector_store %arg5[%swap3A_584, %swap3A_585], %broadcast_in_dim3A_582 {strides = array<i32>} : memref<128x16xf32, #tpu.memory_space<vmem>>, vector<16xf32>,
    %broadcast_in_dim3A_587 = arith.constant 1.000000e+00 : f32
    %broadcast_in_dim3A_588 = vector.broadcast %broadcast_in_dim3A_587 : f32 to vector<16xf32>
    %swap3A_589 = arith.constant 90 : i32
    %swap3A_590 = arith.index_cast %swap3A_589 : i32 to index
    %swap3A_591 = arith.constant 0 : index
    %swap3A_592 = tpu.vector_load %arg5[%swap3A_590, %swap3A_591] {strides = array<i32>} : memref<128x16xf32, #tpu.memory_space<vmem>>, vector<16xf32>,
    tpu.vector_store %arg5[%swap3A_590, %swap3A_591], %broadcast_in_dim3A_588 {strides = array<i32>} : memref<128x16xf32, #tpu.memory_space<vmem>>, vector<16xf32>,
    %broadcast_in_dim3A_593 = arith.constant 1.000000e+00 : f32
    %broadcast_in_dim3A_594 = vector.broadcast %broadcast_in_dim3A_593 : f32 to vector<16xf32>
    %swap3A_595 = arith.constant 91 : i32
    %swap3A_596 = arith.index_cast %swap3A_595 : i32 to index
    %swap3A_597 = arith.constant 0 : index
    %swap3A_598 = tpu.vector_load %arg5[%swap3A_596, %swap3A_597] {strides = array<i32>} : memref<128x16xf32, #tpu.memory_space<vmem>>, vector<16xf32>,
    tpu.vector_store %arg5[%swap3A_596, %swap3A_597], %broadcast_in_dim3A_594 {strides = array<i32>} : memref<128x16xf32, #tpu.memory_space<vmem>>, vector<16xf32>,
    %broadcast_in_dim3A_599 = arith.constant 1.000000e+00 : f32
    %broadcast_in_dim3A_600 = vector.broadcast %broadcast_in_dim3A_599 : f32 to vector<16xf32>
    %swap3A_601 = arith.constant 92 : i32
    %swap3A_602 = arith.index_cast %swap3A_601 : i32 to index
    %swap3A_603 = arith.constant 0 : index
    %swap3A_604 = tpu.vector_load %arg5[%swap3A_602, %swap3A_603] {strides = array<i32>} : memref<128x16xf32, #tpu.memory_space<vmem>>, vector<16xf32>,
    tpu.vector_store %arg5[%swap3A_602, %swap3A_603], %broadcast_in_dim3A_600 {strides = array<i32>} : memref<128x16xf32, #tpu.memory_space<vmem>>, vector<16xf32>,
    %broadcast_in_dim3A_605 = arith.constant 1.000000e+00 : f32
    %broadcast_in_dim3A_606 = vector.broadcast %broadcast_in_dim3A_605 : f32 to vector<16xf32>
    %swap3A_607 = arith.constant 93 : i32
    %swap3A_608 = arith.index_cast %swap3A_607 : i32 to index
    %swap3A_609 = arith.constant 0 : index
    %swap3A_610 = tpu.vector_load %arg5[%swap3A_608, %swap3A_609] {strides = array<i32>} : memref<128x16xf32, #tpu.memory_space<vmem>>, vector<16xf32>,
    tpu.vector_store %arg5[%swap3A_608, %swap3A_609], %broadcast_in_dim3A_606 {strides = array<i32>} : memref<128x16xf32, #tpu.memory_space<vmem>>, vector<16xf32>,
    %broadcast_in_dim3A_611 = arith.constant 1.000000e+00 : f32
    %broadcast_in_dim3A_612 = vector.broadcast %broadcast_in_dim3A_611 : f32 to vector<16xf32>
    %swap3A_613 = arith.constant 94 : i32
    %swap3A_614 = arith.index_cast %swap3A_613 : i32 to index
    %swap3A_615 = arith.constant 0 : index
    %swap3A_616 = tpu.vector_load %arg5[%swap3A_614, %swap3A_615] {strides = array<i32>} : memref<128x16xf32, #tpu.memory_space<vmem>>, vector<16xf32>,
    tpu.vector_store %arg5[%swap3A_614, %swap3A_615], %broadcast_in_dim3A_612 {strides = array<i32>} : memref<128x16xf32, #tpu.memory_space<vmem>>, vector<16xf32>,
    %broadcast_in_dim3A_617 = arith.constant 1.000000e+00 : f32
    %broadcast_in_dim3A_618 = vector.broadcast %broadcast_in_dim3A_617 : f32 to vector<16xf32>
    %swap3A_619 = arith.constant 95 : i32
    %swap3A_620 = arith.index_cast %swap3A_619 : i32 to index
    %swap3A_621 = arith.constant 0 : index
    %swap3A_622 = tpu.vector_load %arg5[%swap3A_620, %swap3A_621] {strides = array<i32>} : memref<128x16xf32, #tpu.memory_space<vmem>>, vector<16xf32>,
    tpu.vector_store %arg5[%swap3A_620, %swap3A_621], %broadcast_in_dim3A_618 {strides = array<i32>} : memref<128x16xf32, #tpu.memory_space<vmem>>, vector<16xf32>,
    %broadcast_in_dim3A_623 = arith.constant 1.000000e+00 : f32
    %broadcast_in_dim3A_624 = vector.broadcast %broadcast_in_dim3A_623 : f32 to vector<16xf32>
    %swap3A_625 = arith.constant 96 : i32
    %swap3A_626 = arith.index_cast %swap3A_625 : i32 to index
    %swap3A_627 = arith.constant 0 : index
    %swap3A_628 = tpu.vector_load %arg5[%swap3A_626, %swap3A_627] {strides = array<i32>} : memref<128x16xf32, #tpu.memory_space<vmem>>, vector<16xf32>,
    tpu.vector_store %arg5[%swap3A_626, %swap3A_627], %broadcast_in_dim3A_624 {strides = array<i32>} : memref<128x16xf32, #tpu.memory_space<vmem>>, vector<16xf32>,
    %broadcast_in_dim3A_629 = arith.constant 1.000000e+00 : f32
    %broadcast_in_dim3A_630 = vector.broadcast %broadcast_in_dim3A_629 : f32 to vector<16xf32>
    %swap3A_631 = arith.constant 97 : i32
    %swap3A_632 = arith.index_cast %swap3A_631 : i32 to index
    %swap3A_633 = arith.constant 0 : index
    %swap3A_634 = tpu.vector_load %arg5[%swap3A_632, %swap3A_633] {strides = array<i32>} : memref<128x16xf32, #tpu.memory_space<vmem>>, vector<16xf32>,
    tpu.vector_store %arg5[%swap3A_632, %swap3A_633], %broadcast_in_dim3A_630 {strides = array<i32>} : memref<128x16xf32, #tpu.memory_space<vmem>>, vector<16xf32>,
    %broadcast_in_dim3A_635 = arith.constant 1.000000e+00 : f32
    %broadcast_in_dim3A_636 = vector.broadcast %broadcast_in_dim3A_635 : f32 to vector<16xf32>
    %swap3A_637 = arith.constant 98 : i32
    %swap3A_638 = arith.index_cast %swap3A_637 : i32 to index
    %swap3A_639 = arith.constant 0 : index
    %swap3A_640 = tpu.vector_load %arg5[%swap3A_638, %swap3A_639] {strides = array<i32>} : memref<128x16xf32, #tpu.memory_space<vmem>>, vector<16xf32>,
    tpu.vector_store %arg5[%swap3A_638, %swap3A_639], %broadcast_in_dim3A_636 {strides = array<i32>} : memref<128x16xf32, #tpu.memory_space<vmem>>, vector<16xf32>,
    %broadcast_in_dim3A_641 = arith.constant 1.000000e+00 : f32
    %broadcast_in_dim3A_642 = vector.broadcast %broadcast_in_dim3A_641 : f32 to vector<16xf32>
    %swap3A_643 = arith.constant 99 : i32
    %swap3A_644 = arith.index_cast %swap3A_643 : i32 to index
    %swap3A_645 = arith.constant 0 : index
    %swap3A_646 = tpu.vector_load %arg5[%swap3A_644, %swap3A_645] {strides = array<i32>} : memref<128x16xf32, #tpu.memory_space<vmem>>, vector<16xf32>,
    tpu.vector_store %arg5[%swap3A_644, %swap3A_645], %broadcast_in_dim3A_642 {strides = array<i32>} : memref<128x16xf32, #tpu.memory_space<vmem>>, vector<16xf32>,
    %broadcast_in_dim3A_647 = arith.constant 1.000000e+00 : f32
    %broadcast_in_dim3A_648 = vector.broadcast %broadcast_in_dim3A_647 : f32 to vector<16xf32>
    %swap3A_649 = arith.constant 100 : i32
    %swap3A_650 = arith.index_cast %swap3A_649 : i32 to index
    %swap3A_651 = arith.constant 0 : index
    %swap3A_652 = tpu.vector_load %arg5[%swap3A_650, %swap3A_651] {strides = array<i32>} : memref<128x16xf32, #tpu.memory_space<vmem>>, vector<16xf32>,
    tpu.vector_store %arg5[%swap3A_650, %swap3A_651], %broadcast_in_dim3A_648 {strides = array<i32>} : memref<128x16xf32, #tpu.memory_space<vmem>>, vector<16xf32>,
    %broadcast_in_dim3A_653 = arith.constant 1.000000e+00 : f32
    %broadcast_in_dim3A_654 = vector.broadcast %broadcast_in_dim3A_653 : f32 to vector<16xf32>
    %swap3A_655 = arith.constant 101 : i32
    %swap3A_656 = arith.index_cast %swap3A_655 : i32 to index
    %swap3A_657 = arith.constant 0 : index
    %swap3A_658 = tpu.vector_load %arg5[%swap3A_656, %swap3A_657] {strides = array<i32>} : memref<128x16xf32, #tpu.memory_space<vmem>>, vector<16xf32>,
    tpu.vector_store %arg5[%swap3A_656, %swap3A_657], %broadcast_in_dim3A_654 {strides = array<i32>} : memref<128x16xf32, #tpu.memory_space<vmem>>, vector<16xf32>,
    %broadcast_in_dim3A_659 = arith.constant 1.000000e+00 : f32
    %broadcast_in_dim3A_660 = vector.broadcast %broadcast_in_dim3A_659 : f32 to vector<16xf32>
    %swap3A_661 = arith.constant 102 : i32
    %swap3A_662 = arith.index_cast %swap3A_661 : i32 to index
    %swap3A_663 = arith.constant 0 : index
    %swap3A_664 = tpu.vector_load %arg5[%swap3A_662, %swap3A_663] {strides = array<i32>} : memref<128x16xf32, #tpu.memory_space<vmem>>, vector<16xf32>,
    tpu.vector_store %arg5[%swap3A_662, %swap3A_663], %broadcast_in_dim3A_660 {strides = array<i32>} : memref<128x16xf32, #tpu.memory_space<vmem>>, vector<16xf32>,
    %broadcast_in_dim3A_665 = arith.constant 1.000000e+00 : f32
    %broadcast_in_dim3A_666 = vector.broadcast %broadcast_in_dim3A_665 : f32 to vector<16xf32>
    %swap3A_667 = arith.constant 103 : i32
    %swap3A_668 = arith.index_cast %swap3A_667 : i32 to index
    %swap3A_669 = arith.constant 0 : index
    %swap3A_670 = tpu.vector_load %arg5[%swap3A_668, %swap3A_669] {strides = array<i32>} : memref<128x16xf32, #tpu.memory_space<vmem>>, vector<16xf32>,
    tpu.vector_store %arg5[%swap3A_668, %swap3A_669], %broadcast_in_dim3A_666 {strides = array<i32>} : memref<128x16xf32, #tpu.memory_space<vmem>>, vector<16xf32>,
    %broadcast_in_dim3A_671 = arith.constant 1.000000e+00 : f32
    %broadcast_in_dim3A_672 = vector.broadcast %broadcast_in_dim3A_671 : f32 to vector<16xf32>
    %swap3A_673 = arith.constant 104 : i32
    %swap3A_674 = arith.index_cast %swap3A_673 : i32 to index
    %swap3A_675 = arith.constant 0 : index
    %swap3A_676 = tpu.vector_load %arg5[%swap3A_674, %swap3A_675] {strides = array<i32>} : memref<128x16xf32, #tpu.memory_space<vmem>>, vector<16xf32>,
    tpu.vector_store %arg5[%swap3A_674, %swap3A_675], %broadcast_in_dim3A_672 {strides = array<i32>} : memref<128x16xf32, #tpu.memory_space<vmem>>, vector<16xf32>,
    %broadcast_in_dim3A_677 = arith.constant 1.000000e+00 : f32
    %broadcast_in_dim3A_678 = vector.broadcast %broadcast_in_dim3A_677 : f32 to vector<16xf32>
    %swap3A_679 = arith.constant 105 : i32
    %swap3A_680 = arith.index_cast %swap3A_679 : i32 to index
    %swap3A_681 = arith.constant 0 : index
    %swap3A_682 = tpu.vector_load %arg5[%swap3A_680, %swap3A_681] {strides = array<i32>} : memref<128x16xf32, #tpu.memory_space<vmem>>, vector<16xf32>,
    tpu.vector_store %arg5[%swap3A_680, %swap3A_681], %broadcast_in_dim3A_678 {strides = array<i32>} : memref<128x16xf32, #tpu.memory_space<vmem>>, vector<16xf32>,
    %broadcast_in_dim3A_683 = arith.constant 1.000000e+00 : f32
    %broadcast_in_dim3A_684 = vector.broadcast %broadcast_in_dim3A_683 : f32 to vector<16xf32>
    %swap3A_685 = arith.constant 106 : i32
    %swap3A_686 = arith.index_cast %swap3A_685 : i32 to index
    %swap3A_687 = arith.constant 0 : index
    %swap3A_688 = tpu.vector_load %arg5[%swap3A_686, %swap3A_687] {strides = array<i32>} : memref<128x16xf32, #tpu.memory_space<vmem>>, vector<16xf32>,
    tpu.vector_store %arg5[%swap3A_686, %swap3A_687], %broadcast_in_dim3A_684 {strides = array<i32>} : memref<128x16xf32, #tpu.memory_space<vmem>>, vector<16xf32>,
    %broadcast_in_dim3A_689 = arith.constant 1.000000e+00 : f32
    %broadcast_in_dim3A_690 = vector.broadcast %broadcast_in_dim3A_689 : f32 to vector<16xf32>
    %swap3A_691 = arith.constant 107 : i32
    %swap3A_692 = arith.index_cast %swap3A_691 : i32 to index
    %swap3A_693 = arith.constant 0 : index
    %swap3A_694 = tpu.vector_load %arg5[%swap3A_692, %swap3A_693] {strides = array<i32>} : memref<128x16xf32, #tpu.memory_space<vmem>>, vector<16xf32>,
    tpu.vector_store %arg5[%swap3A_692, %swap3A_693], %broadcast_in_dim3A_690 {strides = array<i32>} : memref<128x16xf32, #tpu.memory_space<vmem>>, vector<16xf32>,
    %broadcast_in_dim3A_695 = arith.constant 1.000000e+00 : f32
    %broadcast_in_dim3A_696 = vector.broadcast %broadcast_in_dim3A_695 : f32 to vector<16xf32>
    %swap3A_697 = arith.constant 108 : i32
    %swap3A_698 = arith.index_cast %swap3A_697 : i32 to index
    %swap3A_699 = arith.constant 0 : index
    %swap3A_700 = tpu.vector_load %arg5[%swap3A_698, %swap3A_699] {strides = array<i32>} : memref<128x16xf32, #tpu.memory_space<vmem>>, vector<16xf32>,
    tpu.vector_store %arg5[%swap3A_698, %swap3A_699], %broadcast_in_dim3A_696 {strides = array<i32>} : memref<128x16xf32, #tpu.memory_space<vmem>>, vector<16xf32>,
    %broadcast_in_dim3A_701 = arith.constant 1.000000e+00 : f32
    %broadcast_in_dim3A_702 = vector.broadcast %broadcast_in_dim3A_701 : f32 to vector<16xf32>
    %swap3A_703 = arith.constant 109 : i32
    %swap3A_704 = arith.index_cast %swap3A_703 : i32 to index
    %swap3A_705 = arith.constant 0 : index
    %swap3A_706 = tpu.vector_load %arg5[%swap3A_704, %swap3A_705] {strides = array<i32>} : memref<128x16xf32, #tpu.memory_space<vmem>>, vector<16xf32>,
    tpu.vector_store %arg5[%swap3A_704, %swap3A_705], %broadcast_in_dim3A_702 {strides = array<i32>} : memref<128x16xf32, #tpu.memory_space<vmem>>, vector<16xf32>,
    %broadcast_in_dim3A_707 = arith.constant 1.000000e+00 : f32
    %broadcast_in_dim3A_708 = vector.broadcast %broadcast_in_dim3A_707 : f32 to vector<16xf32>
    %swap3A_709 = arith.constant 110 : i32
    %swap3A_710 = arith.index_cast %swap3A_709 : i32 to index
    %swap3A_711 = arith.constant 0 : index
    %swap3A_712 = tpu.vector_load %arg5[%swap3A_710, %swap3A_711] {strides = array<i32>} : memref<128x16xf32, #tpu.memory_space<vmem>>, vector<16xf32>,
    tpu.vector_store %arg5[%swap3A_710, %swap3A_711], %broadcast_in_dim3A_708 {strides = array<i32>} : memref<128x16xf32, #tpu.memory_space<vmem>>, vector<16xf32>,
    %broadcast_in_dim3A_713 = arith.constant 1.000000e+00 : f32
    %broadcast_in_dim3A_714 = vector.broadcast %broadcast_in_dim3A_713 : f32 to vector<16xf32>
    %swap3A_715 = arith.constant 111 : i32
    %swap3A_716 = arith.index_cast %swap3A_715 : i32 to index
    %swap3A_717 = arith.constant 0 : index
    %swap3A_718 = tpu.vector_load %arg5[%swap3A_716, %swap3A_717] {strides = array<i32>} : memref<128x16xf32, #tpu.memory_space<vmem>>, vector<16xf32>,
    tpu.vector_store %arg5[%swap3A_716, %swap3A_717], %broadcast_in_dim3A_714 {strides = array<i32>} : memref<128x16xf32, #tpu.memory_space<vmem>>, vector<16xf32>,
    %broadcast_in_dim3A_719 = arith.constant 1.000000e+00 : f32
    %broadcast_in_dim3A_720 = vector.broadcast %broadcast_in_dim3A_719 : f32 to vector<16xf32>
    %swap3A_721 = arith.constant 112 : i32
    %swap3A_722 = arith.index_cast %swap3A_721 : i32 to index
    %swap3A_723 = arith.constant 0 : index
    %swap3A_724 = tpu.vector_load %arg5[%swap3A_722, %swap3A_723] {strides = array<i32>} : memref<128x16xf32, #tpu.memory_space<vmem>>, vector<16xf32>,
    tpu.vector_store %arg5[%swap3A_722, %swap3A_723], %broadcast_in_dim3A_720 {strides = array<i32>} : memref<128x16xf32, #tpu.memory_space<vmem>>, vector<16xf32>,
    %broadcast_in_dim3A_725 = arith.constant 1.000000e+00 : f32
    %broadcast_in_dim3A_726 = vector.broadcast %broadcast_in_dim3A_725 : f32 to vector<16xf32>
    %swap3A_727 = arith.constant 113 : i32
    %swap3A_728 = arith.index_cast %swap3A_727 : i32 to index
    %swap3A_729 = arith.constant 0 : index
    %swap3A_730 = tpu.vector_load %arg5[%swap3A_728, %swap3A_729] {strides = array<i32>} : memref<128x16xf32, #tpu.memory_space<vmem>>, vector<16xf32>,
    tpu.vector_store %arg5[%swap3A_728, %swap3A_729], %broadcast_in_dim3A_726 {strides = array<i32>} : memref<128x16xf32, #tpu.memory_space<vmem>>, vector<16xf32>,
    %broadcast_in_dim3A_731 = arith.constant 1.000000e+00 : f32
    %broadcast_in_dim3A_732 = vector.broadcast %broadcast_in_dim3A_731 : f32 to vector<16xf32>
    %swap3A_733 = arith.constant 114 : i32
    %swap3A_734 = arith.index_cast %swap3A_733 : i32 to index
    %swap3A_735 = arith.constant 0 : index
    %swap3A_736 = tpu.vector_load %arg5[%swap3A_734, %swap3A_735] {strides = array<i32>} : memref<128x16xf32, #tpu.memory_space<vmem>>, vector<16xf32>,
    tpu.vector_store %arg5[%swap3A_734, %swap3A_735], %broadcast_in_dim3A_732 {strides = array<i32>} : memref<128x16xf32, #tpu.memory_space<vmem>>, vector<16xf32>,
    %broadcast_in_dim3A_737 = arith.constant 1.000000e+00 : f32
    %broadcast_in_dim3A_738 = vector.broadcast %broadcast_in_dim3A_737 : f32 to vector<16xf32>
    %swap3A_739 = arith.constant 115 : i32
    %swap3A_740 = arith.index_cast %swap3A_739 : i32 to index
    %swap3A_741 = arith.constant 0 : index
    %swap3A_742 = tpu.vector_load %arg5[%swap3A_740, %swap3A_741] {strides = array<i32>} : memref<128x16xf32, #tpu.memory_space<vmem>>, vector<16xf32>,
    tpu.vector_store %arg5[%swap3A_740, %swap3A_741], %broadcast_in_dim3A_738 {strides = array<i32>} : memref<128x16xf32, #tpu.memory_space<vmem>>, vector<16xf32>,
    %broadcast_in_dim3A_743 = arith.constant 1.000000e+00 : f32
    %broadcast_in_dim3A_744 = vector.broadcast %broadcast_in_dim3A_743 : f32 to vector<16xf32>
    %swap3A_745 = arith.constant 116 : i32
    %swap3A_746 = arith.index_cast %swap3A_745 : i32 to index
    %swap3A_747 = arith.constant 0 : index
    %swap3A_748 = tpu.vector_load %arg5[%swap3A_746, %swap3A_747] {strides = array<i32>} : memref<128x16xf32, #tpu.memory_space<vmem>>, vector<16xf32>,
    tpu.vector_store %arg5[%swap3A_746, %swap3A_747], %broadcast_in_dim3A_744 {strides = array<i32>} : memref<128x16xf32, #tpu.memory_space<vmem>>, vector<16xf32>,
    %broadcast_in_dim3A_749 = arith.constant 1.000000e+00 : f32
    %broadcast_in_dim3A_750 = vector.broadcast %broadcast_in_dim3A_749 : f32 to vector<16xf32>
    %swap3A_751 = arith.constant 117 : i32
    %swap3A_752 = arith.index_cast %swap3A_751 : i32 to index
    %swap3A_753 = arith.constant 0 : index
    %swap3A_754 = tpu.vector_load %arg5[%swap3A_752, %swap3A_753] {strides = array<i32>} : memref<128x16xf32, #tpu.memory_space<vmem>>, vector<16xf32>,
    tpu.vector_store %arg5[%swap3A_752, %swap3A_753], %broadcast_in_dim3A_750 {strides = array<i32>} : memref<128x16xf32, #tpu.memory_space<vmem>>, vector<16xf32>,
    %broadcast_in_dim3A_755 = arith.constant 1.000000e+00 : f32
    %broadcast_in_dim3A_756 = vector.broadcast %broadcast_in_dim3A_755 : f32 to vector<16xf32>
    %swap3A_757 = arith.constant 118 : i32
    %swap3A_758 = arith.index_cast %swap3A_757 : i32 to index
    %swap3A_759 = arith.constant 0 : index
    %swap3A_760 = tpu.vector_load %arg5[%swap3A_758, %swap3A_759] {strides = array<i32>} : memref<128x16xf32, #tpu.memory_space<vmem>>, vector<16xf32>,
    tpu.vector_store %arg5[%swap3A_758, %swap3A_759], %broadcast_in_dim3A_756 {strides = array<i32>} : memref<128x16xf32, #tpu.memory_space<vmem>>, vector<16xf32>,
    %broadcast_in_dim3A_761 = arith.constant 1.000000e+00 : f32
    %broadcast_in_dim3A_762 = vector.broadcast %broadcast_in_dim3A_761 : f32 to vector<16xf32>
    %swap3A_763 = arith.constant 119 : i32
    %swap3A_764 = arith.index_cast %swap3A_763 : i32 to index
    %swap3A_765 = arith.constant 0 : index
    %swap3A_766 = tpu.vector_load %arg5[%swap3A_764, %swap3A_765] {strides = array<i32>} : memref<128x16xf32, #tpu.memory_space<vmem>>, vector<16xf32>,
    tpu.vector_store %arg5[%swap3A_764, %swap3A_765], %broadcast_in_dim3A_762 {strides = array<i32>} : memref<128x16xf32, #tpu.memory_space<vmem>>, vector<16xf32>,
    %broadcast_in_dim3A_767 = arith.constant 1.000000e+00 : f32
    %broadcast_in_dim3A_768 = vector.broadcast %broadcast_in_dim3A_767 : f32 to vector<16xf32>
    %swap3A_769 = arith.constant 120 : i32
    %swap3A_770 = arith.index_cast %swap3A_769 : i32 to index
    %swap3A_771 = arith.constant 0 : index
    %swap3A_772 = tpu.vector_load %arg5[%swap3A_770, %swap3A_771] {strides = array<i32>} : memref<128x16xf32, #tpu.memory_space<vmem>>, vector<16xf32>,
    tpu.vector_store %arg5[%swap3A_770, %swap3A_771], %broadcast_in_dim3A_768 {strides = array<i32>} : memref<128x16xf32, #tpu.memory_space<vmem>>, vector<16xf32>,
    %broadcast_in_dim3A_773 = arith.constant 1.000000e+00 : f32
    %broadcast_in_dim3A_774 = vector.broadcast %broadcast_in_dim3A_773 : f32 to vector<16xf32>
    %swap3A_775 = arith.constant 121 : i32
    %swap3A_776 = arith.index_cast %swap3A_775 : i32 to index
    %swap3A_777 = arith.constant 0 : index
    %swap3A_778 = tpu.vector_load %arg5[%swap3A_776, %swap3A_777] {strides = array<i32>} : memref<128x16xf32, #tpu.memory_space<vmem>>, vector<16xf32>,
    tpu.vector_store %arg5[%swap3A_776, %swap3A_777], %broadcast_in_dim3A_774 {strides = array<i32>} : memref<128x16xf32, #tpu.memory_space<vmem>>, vector<16xf32>,
    %broadcast_in_dim3A_779 = arith.constant 1.000000e+00 : f32
    %broadcast_in_dim3A_780 = vector.broadcast %broadcast_in_dim3A_779 : f32 to vector<16xf32>
    %swap3A_781 = arith.constant 122 : i32
    %swap3A_782 = arith.index_cast %swap3A_781 : i32 to index
    %swap3A_783 = arith.constant 0 : index
    %swap3A_784 = tpu.vector_load %arg5[%swap3A_782, %swap3A_783] {strides = array<i32>} : memref<128x16xf32, #tpu.memory_space<vmem>>, vector<16xf32>,
    tpu.vector_store %arg5[%swap3A_782, %swap3A_783], %broadcast_in_dim3A_780 {strides = array<i32>} : memref<128x16xf32, #tpu.memory_space<vmem>>, vector<16xf32>,
    %broadcast_in_dim3A_785 = arith.constant 1.000000e+00 : f32
    %broadcast_in_dim3A_786 = vector.broadcast %broadcast_in_dim3A_785 : f32 to vector<16xf32>
    %swap3A_787 = arith.constant 123 : i32
    %swap3A_788 = arith.index_cast %swap3A_787 : i32 to index
    %swap3A_789 = arith.constant 0 : index
    %swap3A_790 = tpu.vector_load %arg5[%swap3A_788, %swap3A_789] {strides = array<i32>} : memref<128x16xf32, #tpu.memory_space<vmem>>, vector<16xf32>,
    tpu.vector_store %arg5[%swap3A_788, %swap3A_789], %broadcast_in_dim3A_786 {strides = array<i32>} : memref<128x16xf32, #tpu.memory_space<vmem>>, vector<16xf32>,
    %broadcast_in_dim3A_791 = arith.constant 1.000000e+00 : f32
    %broadcast_in_dim3A_792 = vector.broadcast %broadcast_in_dim3A_791 : f32 to vector<16xf32>
    %swap3A_793 = arith.constant 124 : i32
    %swap3A_794 = arith.index_cast %swap3A_793 : i32 to index
    %swap3A_795 = arith.constant 0 : index
    %swap3A_796 = tpu.vector_load %arg5[%swap3A_794, %swap3A_795] {strides = array<i32>} : memref<128x16xf32, #tpu.memory_space<vmem>>, vector<16xf32>,
    tpu.vector_store %arg5[%swap3A_794, %swap3A_795], %broadcast_in_dim3A_792 {strides = array<i32>} : memref<128x16xf32, #tpu.memory_space<vmem>>, vector<16xf32>,
    %broadcast_in_dim3A_797 = arith.constant 1.000000e+00 : f32
    %broadcast_in_dim3A_798 = vector.broadcast %broadcast_in_dim3A_797 : f32 to vector<16xf32>
    %swap3A_799 = arith.constant 125 : i32
    %swap3A_800 = arith.index_cast %swap3A_799 : i32 to index
    %swap3A_801 = arith.constant 0 : index
    %swap3A_802 = tpu.vector_load %arg5[%swap3A_800, %swap3A_801] {strides = array<i32>} : memref<128x16xf32, #tpu.memory_space<vmem>>, vector<16xf32>,
    tpu.vector_store %arg5[%swap3A_800, %swap3A_801], %broadcast_in_dim3A_798 {strides = array<i32>} : memref<128x16xf32, #tpu.memory_space<vmem>>, vector<16xf32>,
    %broadcast_in_dim3A_803 = arith.constant 1.000000e+00 : f32
    %broadcast_in_dim3A_804 = vector.broadcast %broadcast_in_dim3A_803 : f32 to vector<16xf32>
    %swap3A_805 = arith.constant 126 : i32
    %swap3A_806 = arith.index_cast %swap3A_805 : i32 to index
    %swap3A_807 = arith.constant 0 : index
    %swap3A_808 = tpu.vector_load %arg5[%swap3A_806, %swap3A_807] {strides = array<i32>} : memref<128x16xf32, #tpu.memory_space<vmem>>, vector<16xf32>,
    tpu.vector_store %arg5[%swap3A_806, %swap3A_807], %broadcast_in_dim3A_804 {strides = array<i32>} : memref<128x16xf32, #tpu.memory_space<vmem>>, vector<16xf32>,
    %broadcast_in_dim3A_809 = arith.constant 1.000000e+00 : f32
    %broadcast_in_dim3A_810 = vector.broadcast %broadcast_in_dim3A_809 : f32 to vector<16xf32>
    %swap3A_811 = arith.constant 127 : i32
    %swap3A_812 = arith.index_cast %swap3A_811 : i32 to index
    %swap3A_813 = arith.constant 0 : index
    %swap3A_814 = tpu.vector_load %arg5[%swap3A_812, %swap3A_813] {strides = array<i32>} : memref<128x16xf32, #tpu.memory_space<vmem>>, vector<16xf32>,
    tpu.vector_store %arg5[%swap3A_812, %swap3A_813], %broadcast_in_dim3A_810 {strides = array<i32>} : memref<128x16xf32, #tpu.memory_space<vmem>>, vector<16xf32>,
    %mul3A_815 = arith.constant 632 : i32
    %mul3A_816 = arith.muli %arg1, %mul3A_815 : i32
    %scan3A = arith.constant 0 : i32
    %scan3A_817 = arith.constant 79 : i32
    %scan3A_818 = arith.addi %scan3A, %scan3A_817 : i32
    %scan3A_819 = arith.constant 1 : i32
    scf.for %scan3A_850 = %scan3A to %scan3A_818 step %scan3A_819  : i32 {
      %mul3A_851 = arith.constant 8 : i32
      %mul3A_852 = arith.muli %scan3A_850, %mul3A_851 : i32
      %add3A_853 = arith.addi %mul3A_816, %mul3A_852 : i32
      "tpu.region"() ({
        %run_scoped3A_854 = tpu.sem_alloc : memref<!tpu.dma_semaphore, #tpu.memory_space<semaphore_mem>>
        %dma_start3A = arith.constant 0 : i32
        %dma_start3A_855 = tpu.memref_slice %arg9[%add3A_853, %dma_start3A] : memref<10112x16xf32, #tpu.memory_space<vmem_shared>> -> memref<8x16xf32, #tpu.memory_space<vmem_shared>>
        %dma_start3A_856 = arith.constant 0 : i32
        %dma_start3A_857 = tpu.memref_slice %arg9[%add3A_853, %dma_start3A_856] : memref<10112x16xf32, #tpu.memory_space<vmem_shared>> -> memref<8x16xf32, #tpu.memory_space<vmem_shared>>
        tpu.enqueue_dma source(%arg6 : memref<8x16xf32, #tpu.memory_space<vmem>>) target(%dma_start3A_857 : memref<8x16xf32, #tpu.memory_space<vmem_shared>>) target_semaphore(%run_scoped3A_854 : memref<!tpu.dma_semaphore, #tpu.memory_space<semaphore_mem>>)
        %dma_wait3A = arith.constant 0 : i32
        %dma_wait3A_858 = tpu.memref_slice %arg9[%add3A_853, %dma_wait3A] : memref<10112x16xf32, #tpu.memory_space<vmem_shared>> -> memref<8x16xf32, #tpu.memory_space<vmem_shared>>
        %dma_wait3A_859 = arith.constant 0 : i32
        %dma_wait3A_860 = tpu.memref_slice %arg9[%add3A_853, %dma_wait3A_859] : memref<10112x16xf32, #tpu.memory_space<vmem_shared>> -> memref<8x16xf32, #tpu.memory_space<vmem_shared>>
        tpu.wait_dma2 semaphore(%run_scoped3A_854 : memref<!tpu.dma_semaphore, #tpu.memory_space<semaphore_mem>>) src(%arg6 : memref<8x16xf32, #tpu.memory_space<vmem>>) dst(%dma_wait3A_860 : memref<8x16xf32, #tpu.memory_space<vmem_shared>>)
        tpu.yield
      }) : () -> ()
    }
    %scan3A_820 = arith.constant 79 : i32
    %mul3A_821 = arith.constant 78 : i32
    %mul3A_822 = arith.muli %add3A, %mul3A_821 : i32
    %run_scoped3A = arith.constant 1 : i32
    "tpu.region"() ({
      %run_scoped3A_850 = tpu.sem_alloc : memref<!tpu.dma_semaphore, #tpu.memory_space<semaphore_mem>>
      %dma_start3A = arith.constant 0 : i32
      %dma_start3A_851 = arith.constant 0 : i32
      %dma_start3A_852 = tpu.memref_slice %arg4[%dma_start3A, %dma_start3A_851] : memref<79x128xi32, #tpu.memory_space<vmem>> -> memref<78x128xi32, #tpu.memory_space<vmem>>
      %dma_start3A_853 = arith.constant 0 : i32
      %dma_start3A_854 = tpu.memref_slice %arg2[%run_scoped3A, %mul3A_822, %dma_start3A_853] : memref<2x2500x128xi32, #tpu.memory_space<hbm>> -> memref<1x78x128xi32, #tpu.memory_space<hbm>>
      %dma_start3A_855 = tpu.memref_squeeze %dma_start3A_854 : memref<1x78x128xi32, #tpu.memory_space<hbm>> -> memref<78x128xi32, #tpu.memory_space<hbm>>
      %dma_start3A_856 = arith.constant 0 : i32
      %dma_start3A_857 = arith.constant 0 : i32
      %dma_start3A_858 = tpu.memref_slice %arg4[%dma_start3A_856, %dma_start3A_857] : memref<79x128xi32, #tpu.memory_space<vmem>> -> memref<78x128xi32, #tpu.memory_space<vmem>>
      %dma_start3A_859 = arith.constant 0 : i32
      %dma_start3A_860 = tpu.memref_slice %arg2[%run_scoped3A, %mul3A_822, %dma_start3A_859] : memref<2x2500x128xi32, #tpu.memory_space<hbm>> -> memref<1x78x128xi32, #tpu.memory_space<hbm>>
      %dma_start3A_861 = tpu.memref_squeeze %dma_start3A_860 : memref<1x78x128xi32, #tpu.memory_space<hbm>> -> memref<78x128xi32, #tpu.memory_space<hbm>>
      tpu.enqueue_dma source(%dma_start3A_861 : memref<78x128xi32, #tpu.memory_space<hbm>>) target(%dma_start3A_858 : memref<78x128xi32, #tpu.memory_space<vmem>>) target_semaphore(%run_scoped3A_850 : memref<!tpu.dma_semaphore, #tpu.memory_space<semaphore_mem>>)
      %dma_wait3A = arith.constant 0 : i32
      %dma_wait3A_862 = arith.constant 0 : i32
      %dma_wait3A_863 = tpu.memref_slice %arg4[%dma_wait3A, %dma_wait3A_862] : memref<79x128xi32, #tpu.memory_space<vmem>> -> memref<78x128xi32, #tpu.memory_space<vmem>>
      %dma_wait3A_864 = arith.constant 0 : i32
      %dma_wait3A_865 = tpu.memref_slice %arg2[%run_scoped3A, %mul3A_822, %dma_wait3A_864] : memref<2x2500x128xi32, #tpu.memory_space<hbm>> -> memref<1x78x128xi32, #tpu.memory_space<hbm>>
      %dma_wait3A_866 = tpu.memref_squeeze %dma_wait3A_865 : memref<1x78x128xi32, #tpu.memory_space<hbm>> -> memref<78x128xi32, #tpu.memory_space<hbm>>
      %dma_wait3A_867 = arith.constant 0 : i32
      %dma_wait3A_868 = arith.constant 0 : i32
      %dma_wait3A_869 = tpu.memref_slice %arg4[%dma_wait3A_867, %dma_wait3A_868] : memref<79x128xi32, #tpu.memory_space<vmem>> -> memref<78x128xi32, #tpu.memory_space<vmem>>
      %dma_wait3A_870 = arith.constant 0 : i32
      %dma_wait3A_871 = tpu.memref_slice %arg2[%run_scoped3A, %mul3A_822, %dma_wait3A_870] : memref<2x2500x128xi32, #tpu.memory_space<hbm>> -> memref<1x78x128xi32, #tpu.memory_space<hbm>>
      %dma_wait3A_872 = tpu.memref_squeeze %dma_wait3A_871 : memref<1x78x128xi32, #tpu.memory_space<hbm>> -> memref<78x128xi32, #tpu.memory_space<hbm>>
      tpu.wait_dma2 semaphore(%run_scoped3A_850 : memref<!tpu.dma_semaphore, #tpu.memory_space<semaphore_mem>>) src(%dma_wait3A_872 : memref<78x128xi32, #tpu.memory_space<hbm>>) dst(%dma_wait3A_869 : memref<78x128xi32, #tpu.memory_space<vmem>>)
      tpu.yield
    }) : () -> ()
    %lt3A = arith.constant 4 : i32
    %lt3A_823 = arith.cmpi slt, %add3A, %lt3A : i32
    %convert_element_type3A = arith.extui %lt3A_823 : i1 to i32
    %cond3A = arith.constant 0 : i32
    %cond3A_824 = arith.cmpi ne, %convert_element_type3A, %cond3A : i32
    scf.if %cond3A_824 {
      %add3A_850 = arith.constant 2496 : i32
      %add3A_851 = arith.addi %add3A_850, %add3A : i32
      %run_scoped3A_852 = arith.constant 1 : i32
      "tpu.region"() ({
        %run_scoped3A_853 = tpu.sem_alloc : memref<!tpu.dma_semaphore, #tpu.memory_space<semaphore_mem>>
        %dma_start3A = arith.constant 78 : i32
        %dma_start3A_854 = arith.constant 0 : i32
        %dma_start3A_855 = tpu.memref_slice %arg4[%dma_start3A, %dma_start3A_854] : memref<79x128xi32, #tpu.memory_space<vmem>> -> memref<1x128xi32, #tpu.memory_space<vmem>>
        %dma_start3A_856 = arith.constant 0 : i32
        %dma_start3A_857 = tpu.memref_slice %arg2[%run_scoped3A_852, %add3A_851, %dma_start3A_856] : memref<2x2500x128xi32, #tpu.memory_space<hbm>> -> memref<1x1x128xi32, #tpu.memory_space<hbm>>
        %dma_start3A_858 = tpu.memref_squeeze %dma_start3A_857 : memref<1x1x128xi32, #tpu.memory_space<hbm>> -> memref<1x128xi32, #tpu.memory_space<hbm>>
        %dma_start3A_859 = arith.constant 78 : i32
        %dma_start3A_860 = arith.constant 0 : i32
        %dma_start3A_861 = tpu.memref_slice %arg4[%dma_start3A_859, %dma_start3A_860] : memref<79x128xi32, #tpu.memory_space<vmem>> -> memref<1x128xi32, #tpu.memory_space<vmem>>
        %dma_start3A_862 = arith.constant 0 : i32
        %dma_start3A_863 = tpu.memref_slice %arg2[%run_scoped3A_852, %add3A_851, %dma_start3A_862] : memref<2x2500x128xi32, #tpu.memory_space<hbm>> -> memref<1x1x128xi32, #tpu.memory_space<hbm>>
        %dma_start3A_864 = tpu.memref_squeeze %dma_start3A_863 : memref<1x1x128xi32, #tpu.memory_space<hbm>> -> memref<1x128xi32, #tpu.memory_space<hbm>>
        tpu.enqueue_dma source(%dma_start3A_864 : memref<1x128xi32, #tpu.memory_space<hbm>>) target(%dma_start3A_861 : memref<1x128xi32, #tpu.memory_space<vmem>>) target_semaphore(%run_scoped3A_853 : memref<!tpu.dma_semaphore, #tpu.memory_space<semaphore_mem>>)
        %dma_wait3A = arith.constant 78 : i32
        %dma_wait3A_865 = arith.constant 0 : i32
        %dma_wait3A_866 = tpu.memref_slice %arg4[%dma_wait3A, %dma_wait3A_865] : memref<79x128xi32, #tpu.memory_space<vmem>> -> memref<1x128xi32, #tpu.memory_space<vmem>>
        %dma_wait3A_867 = arith.constant 0 : i32
        %dma_wait3A_868 = tpu.memref_slice %arg2[%run_scoped3A_852, %add3A_851, %dma_wait3A_867] : memref<2x2500x128xi32, #tpu.memory_space<hbm>> -> memref<1x1x128xi32, #tpu.memory_space<hbm>>
        %dma_wait3A_869 = tpu.memref_squeeze %dma_wait3A_868 : memref<1x1x128xi32, #tpu.memory_space<hbm>> -> memref<1x128xi32, #tpu.memory_space<hbm>>
        %dma_wait3A_870 = arith.constant 78 : i32
        %dma_wait3A_871 = arith.constant 0 : i32
        %dma_wait3A_872 = tpu.memref_slice %arg4[%dma_wait3A_870, %dma_wait3A_871] : memref<79x128xi32, #tpu.memory_space<vmem>> -> memref<1x128xi32, #tpu.memory_space<vmem>>
        %dma_wait3A_873 = arith.constant 0 : i32
        %dma_wait3A_874 = tpu.memref_slice %arg2[%run_scoped3A_852, %add3A_851, %dma_wait3A_873] : memref<2x2500x128xi32, #tpu.memory_space<hbm>> -> memref<1x1x128xi32, #tpu.memory_space<hbm>>
        %dma_wait3A_875 = tpu.memref_squeeze %dma_wait3A_874 : memref<1x1x128xi32, #tpu.memory_space<hbm>> -> memref<1x128xi32, #tpu.memory_space<hbm>>
        tpu.wait_dma2 semaphore(%run_scoped3A_853 : memref<!tpu.dma_semaphore, #tpu.memory_space<semaphore_mem>>) src(%dma_wait3A_875 : memref<1x128xi32, #tpu.memory_space<hbm>>) dst(%dma_wait3A_872 : memref<1x128xi32, #tpu.memory_space<vmem>>)
        tpu.yield
      }) : () -> ()
    } else {
    }
    %barrier3A = arith.constant 0 : index
    tpu.barrier barrier_id(%barrier3A)
    %scan3A_825 = arith.constant 0 : i32
    %scan3A_826 = arith.constant 78 : i32
    %scan3A_827 = arith.addi %scan3A_825, %scan3A_826 : i32
    %scan3A_828 = arith.constant 1 : i32
    scf.for %scan3A_850 = %scan3A_825 to %scan3A_827 step %scan3A_828  : i32 {
      "tpu.region"() ({
        %run_scoped3A_851 = tpu.sem_alloc : memref<!tpu.dma_semaphore, #tpu.memory_space<semaphore_mem>>
        %dma_start3A = arith.constant 0 : i32
        %dma_start3A_852 = tpu.memref_slice %arg4[%scan3A_850, %dma_start3A] : memref<79x128xi32, #tpu.memory_space<vmem>> -> memref<1x128xi32, #tpu.memory_space<vmem>>
        %dma_start3A_853 = tpu.memref_squeeze %dma_start3A_852 : memref<1x128xi32, #tpu.memory_space<vmem>> -> memref<128xi32, #tpu.memory_space<vmem>>
        %dma_start3A_854 = arith.constant 0 : i32
        %dma_start3A_855 = arith.constant 0 : i32
        %dma_start3A_856 = tpu.memref_slice %arg9[%dma_start3A_854, %dma_start3A_855] : memref<10112x16xf32, #tpu.memory_space<vmem_shared>> -> memref<10112x16xf32, #tpu.memory_space<vmem_shared>>
        tpu.enqueue_indirect_dma source(%arg5 : memref<128x16xf32, #tpu.memory_space<vmem>>) target(%dma_start3A_856 : memref<10112x16xf32, #tpu.memory_space<vmem_shared>>) offsets(%dma_start3A_853 : memref<128xi32, #tpu.memory_space<vmem>>) semaphore(%run_scoped3A_851 : memref<!tpu.dma_semaphore, #tpu.memory_space<semaphore_mem>>) {add = true}
        %dma_wait3A = arith.constant 0 : i32
        %dma_wait3A_857 = tpu.memref_slice %arg4[%scan3A_850, %dma_wait3A] : memref<79x128xi32, #tpu.memory_space<vmem>> -> memref<1x128xi32, #tpu.memory_space<vmem>>
        %dma_wait3A_858 = tpu.memref_squeeze %dma_wait3A_857 : memref<1x128xi32, #tpu.memory_space<vmem>> -> memref<128xi32, #tpu.memory_space<vmem>>
        %dma_wait3A_859 = arith.constant 0 : i32
        %dma_wait3A_860 = arith.constant 0 : i32
        %dma_wait3A_861 = tpu.memref_slice %arg9[%dma_wait3A_859, %dma_wait3A_860] : memref<10112x16xf32, #tpu.memory_space<vmem_shared>> -> memref<10112x16xf32, #tpu.memory_space<vmem_shared>>
        tpu.wait_indirect_dma semaphore(%run_scoped3A_851 : memref<!tpu.dma_semaphore, #tpu.memory_space<semaphore_mem>>) src(%arg5 : memref<128x16xf32, #tpu.memory_space<vmem>>) dst(%dma_wait3A_861 : memref<10112x16xf32, #tpu.memory_space<vmem_shared>>)
        tpu.yield
      }) : () -> ()
    }
    %scan3A_829 = arith.constant 78 : i32
    %lt3A_830 = arith.constant 4 : i32
    %lt3A_831 = arith.cmpi slt, %add3A, %lt3A_830 : i32
    %convert_element_type3A_832 = arith.extui %lt3A_831 : i1 to i32
    %cond3A_833 = arith.constant 0 : i32
    %cond3A_834 = arith.cmpi ne, %convert_element_type3A_832, %cond3A_833 : i32
    scf.if %cond3A_834 {
      %run_scoped3A_850 = arith.constant 78 : i32
      "tpu.region"() ({
        %run_scoped3A_851 = tpu.sem_alloc : memref<!tpu.dma_semaphore, #tpu.memory_space<semaphore_mem>>
        %dma_start3A = arith.constant 0 : i32
        %dma_start3A_852 = tpu.memref_slice %arg4[%run_scoped3A_850, %dma_start3A] : memref<79x128xi32, #tpu.memory_space<vmem>> -> memref<1x128xi32, #tpu.memory_space<vmem>>
        %dma_start3A_853 = tpu.memref_squeeze %dma_start3A_852 : memref<1x128xi32, #tpu.memory_space<vmem>> -> memref<128xi32, #tpu.memory_space<vmem>>
        %dma_start3A_854 = arith.constant 0 : i32
        %dma_start3A_855 = arith.constant 0 : i32
        %dma_start3A_856 = tpu.memref_slice %arg9[%dma_start3A_854, %dma_start3A_855] : memref<10112x16xf32, #tpu.memory_space<vmem_shared>> -> memref<10112x16xf32, #tpu.memory_space<vmem_shared>>
        tpu.enqueue_indirect_dma source(%arg5 : memref<128x16xf32, #tpu.memory_space<vmem>>) target(%dma_start3A_856 : memref<10112x16xf32, #tpu.memory_space<vmem_shared>>) offsets(%dma_start3A_853 : memref<128xi32, #tpu.memory_space<vmem>>) semaphore(%run_scoped3A_851 : memref<!tpu.dma_semaphore, #tpu.memory_space<semaphore_mem>>) {add = true}
        %dma_wait3A = arith.constant 0 : i32
        %dma_wait3A_857 = tpu.memref_slice %arg4[%run_scoped3A_850, %dma_wait3A] : memref<79x128xi32, #tpu.memory_space<vmem>> -> memref<1x128xi32, #tpu.memory_space<vmem>>
        %dma_wait3A_858 = tpu.memref_squeeze %dma_wait3A_857 : memref<1x128xi32, #tpu.memory_space<vmem>> -> memref<128xi32, #tpu.memory_space<vmem>>
        %dma_wait3A_859 = arith.constant 0 : i32
        %dma_wait3A_860 = arith.constant 0 : i32
        %dma_wait3A_861 = tpu.memref_slice %arg9[%dma_wait3A_859, %dma_wait3A_860] : memref<10112x16xf32, #tpu.memory_space<vmem_shared>> -> memref<10112x16xf32, #tpu.memory_space<vmem_shared>>
        tpu.wait_indirect_dma semaphore(%run_scoped3A_851 : memref<!tpu.dma_semaphore, #tpu.memory_space<semaphore_mem>>) src(%arg5 : memref<128x16xf32, #tpu.memory_space<vmem>>) dst(%dma_wait3A_861 : memref<10112x16xf32, #tpu.memory_space<vmem_shared>>)
        tpu.yield
      }) : () -> ()
    } else {
    }
    %barrier3A_835 = arith.constant 0 : index
    tpu.barrier barrier_id(%barrier3A_835)
    %mul3A_836 = arith.constant 632 : i32
    %mul3A_837 = arith.muli %arg1, %mul3A_836 : i32
    "tpu.region"() ({
      %run_scoped3A_850 = tpu.sem_alloc : memref<!tpu.dma_semaphore, #tpu.memory_space<semaphore_mem>>
      %dma_start3A = arith.constant 0 : i32
      %dma_start3A_851 = arith.constant 0 : i32
      %dma_start3A_852 = tpu.memref_slice %arg7[%dma_start3A, %dma_start3A_851] : memref<640x16xf32, #tpu.memory_space<vmem>> -> memref<632x16xf32, #tpu.memory_space<vmem>>
      %dma_start3A_853 = arith.constant 0 : i32
      %dma_start3A_854 = tpu.memref_slice %arg9[%mul3A_837, %dma_start3A_853] : memref<10112x16xf32, #tpu.memory_space<vmem_shared>> -> memref<632x16xf32, #tpu.memory_space<vmem_shared>>
      %dma_start3A_855 = arith.constant 0 : i32
      %dma_start3A_856 = arith.constant 0 : i32
      %dma_start3A_857 = tpu.memref_slice %arg7[%dma_start3A_855, %dma_start3A_856] : memref<640x16xf32, #tpu.memory_space<vmem>> -> memref<632x16xf32, #tpu.memory_space<vmem>>
      %dma_start3A_858 = arith.constant 0 : i32
      %dma_start3A_859 = tpu.memref_slice %arg9[%mul3A_837, %dma_start3A_858] : memref<10112x16xf32, #tpu.memory_space<vmem_shared>> -> memref<632x16xf32, #tpu.memory_space<vmem_shared>>
      tpu.enqueue_dma source(%dma_start3A_859 : memref<632x16xf32, #tpu.memory_space<vmem_shared>>) target(%dma_start3A_857 : memref<632x16xf32, #tpu.memory_space<vmem>>) target_semaphore(%run_scoped3A_850 : memref<!tpu.dma_semaphore, #tpu.memory_space<semaphore_mem>>)
      %dma_wait3A = arith.constant 0 : i32
      %dma_wait3A_860 = arith.constant 0 : i32
      %dma_wait3A_861 = tpu.memref_slice %arg7[%dma_wait3A, %dma_wait3A_860] : memref<640x16xf32, #tpu.memory_space<vmem>> -> memref<632x16xf32, #tpu.memory_space<vmem>>
      %dma_wait3A_862 = arith.constant 0 : i32
      %dma_wait3A_863 = tpu.memref_slice %arg9[%mul3A_837, %dma_wait3A_862] : memref<10112x16xf32, #tpu.memory_space<vmem_shared>> -> memref<632x16xf32, #tpu.memory_space<vmem_shared>>
      %dma_wait3A_864 = arith.constant 0 : i32
      %dma_wait3A_865 = arith.constant 0 : i32
      %dma_wait3A_866 = tpu.memref_slice %arg7[%dma_wait3A_864, %dma_wait3A_865] : memref<640x16xf32, #tpu.memory_space<vmem>> -> memref<632x16xf32, #tpu.memory_space<vmem>>
      %dma_wait3A_867 = arith.constant 0 : i32
      %dma_wait3A_868 = tpu.memref_slice %arg9[%mul3A_837, %dma_wait3A_867] : memref<10112x16xf32, #tpu.memory_space<vmem_shared>> -> memref<632x16xf32, #tpu.memory_space<vmem_shared>>
      tpu.wait_dma2 semaphore(%run_scoped3A_850 : memref<!tpu.dma_semaphore, #tpu.memory_space<semaphore_mem>>) src(%dma_wait3A_868 : memref<632x16xf32, #tpu.memory_space<vmem_shared>>) dst(%dma_wait3A_866 : memref<632x16xf32, #tpu.memory_space<vmem>>)
      tpu.yield
    }) : () -> ()
    %broadcast_in_dim3A_838 = arith.constant 0 : i32
    %broadcast_in_dim3A_839 = vector.broadcast %broadcast_in_dim3A_838 : i32 to vector<16xi32>
    %scan3A_840 = arith.constant 0 : i32
    %scan3A_841 = arith.constant 40 : i32
    %scan3A_842 = arith.addi %scan3A_840, %scan3A_841 : i32
    %scan3A_843 = arith.constant 1 : i32
    scf.for %scan3A_850 = %scan3A_840 to %scan3A_842 step %scan3A_843  : i32 {
      %mul3A_851 = arith.constant 16 : i32
      %mul3A_852 = arith.muli %scan3A_850, %mul3A_851 : i32
      %iota3A = tpu.iota {dimensions = array<i32: 0>} : vector<16xi32>
      %add3A_853 = vector.broadcast %mul3A_852 : i32 to vector<16xi32>
      %add3A_854 = arith.addi %add3A_853, %iota3A : vector<16xi32>
      %gather3A = tpu.vector_load_idx %arg7[%add3A_854, %broadcast_in_dim3A_839] : memref<640x16xf32, #tpu.memory_space<vmem>>[vector<16xi32>, vector<16xi32>], vector<16xf32>,
      %mul3A_855 = arith.constant 16 : i32
      %mul3A_856 = arith.muli %scan3A_850, %mul3A_855 : i32
      %swap3A_857 = arith.index_cast %mul3A_856 : i32 to index
      %swap3A_858 = tpu.vector_load %arg8[%swap3A_857] {strides = array<i32>} : memref<640xf32, #tpu.memory_space<vmem>>, vector<16xf32>,
      tpu.vector_store %arg8[%swap3A_857], %gather3A {strides = array<i32>} : memref<640xf32, #tpu.memory_space<vmem>>, vector<16xf32>,
    }
    %scan3A_844 = arith.constant 40 : i32
    %mul3A_845 = arith.constant 10112 : i32
    %mul3A_846 = arith.muli %arg0, %mul3A_845 : i32
    %mul3A_847 = arith.constant 632 : i32
    %mul3A_848 = arith.muli %arg1, %mul3A_847 : i32
    %add3A_849 = arith.addi %mul3A_846, %mul3A_848 : i32
    "tpu.region"() ({
      %run_scoped3A_850 = tpu.sem_alloc : memref<!tpu.dma_semaphore, #tpu.memory_space<semaphore_mem>>
      %dma_start3A = arith.constant 0 : i32
      %dma_start3A_851 = tpu.memref_slice %arg8[%dma_start3A] : memref<640xf32, #tpu.memory_space<vmem>> -> memref<632xf32, #tpu.memory_space<vmem>>
      %dma_start3A_852 = tpu.memref_slice %arg3[%add3A_849] : memref<20224xf32, #tpu.memory_space<hbm>> -> memref<632xf32, #tpu.memory_space<hbm>>
      %dma_start3A_853 = tpu.memref_slice %arg3[%add3A_849] : memref<20224xf32, #tpu.memory_space<hbm>> -> memref<632xf32, #tpu.memory_space<hbm>>
      %dma_start3A_854 = arith.constant 0 : i32
      %dma_start3A_855 = tpu.memref_slice %arg8[%dma_start3A_854] : memref<640xf32, #tpu.memory_space<vmem>> -> memref<632xf32, #tpu.memory_space<vmem>>
      tpu.enqueue_dma source(%dma_start3A_855 : memref<632xf32, #tpu.memory_space<vmem>>) target(%dma_start3A_853 : memref<632xf32, #tpu.memory_space<hbm>>) target_semaphore(%run_scoped3A_850 : memref<!tpu.dma_semaphore, #tpu.memory_space<semaphore_mem>>)
      %dma_wait3A = arith.constant 0 : i32
      %dma_wait3A_856 = tpu.memref_slice %arg8[%dma_wait3A] : memref<640xf32, #tpu.memory_space<vmem>> -> memref<632xf32, #tpu.memory_space<vmem>>
      %dma_wait3A_857 = tpu.memref_slice %arg3[%add3A_849] : memref<20224xf32, #tpu.memory_space<hbm>> -> memref<632xf32, #tpu.memory_space<hbm>>
      %dma_wait3A_858 = tpu.memref_slice %arg3[%add3A_849] : memref<20224xf32, #tpu.memory_space<hbm>> -> memref<632xf32, #tpu.memory_space<hbm>>
      %dma_wait3A_859 = arith.constant 0 : i32
      %dma_wait3A_860 = tpu.memref_slice %arg8[%dma_wait3A_859] : memref<640xf32, #tpu.memory_space<vmem>> -> memref<632xf32, #tpu.memory_space<vmem>>
      tpu.wait_dma2 semaphore(%run_scoped3A_850 : memref<!tpu.dma_semaphore, #tpu.memory_space<semaphore_mem>>) src(%dma_wait3A_860 : memref<632xf32, #tpu.memory_space<vmem>>) dst(%dma_wait3A_858 : memref<632xf32, #tpu.memory_space<hbm>>)
      tpu.yield
    }) : () -> ()
    return
  }
}

#map = affine_map<(d0, d1) -> (0, 0, 0)>
module attributes {stable_mosaic.version = 14 : i64} {
  func.func @_sc_aggregate(%arg0: i32, %arg1: i32, %arg2: memref<2x2500x128xi32, #tpu.memory_space<hbm>>, %arg3: memref<2x10112x32xf32, #tpu.memory_space<hbm>>, %arg4: memref<2x10112x32xf32, #tpu.memory_space<hbm>>, %arg5: memref<157x128xi32, #tpu.memory_space<vmem>>, %arg6: memref<157x128xi32, #tpu.memory_space<vmem>>, %arg7: memref<128x32xf32, #tpu.memory_space<vmem>>, %arg8: memref<128x32xf32, #tpu.memory_space<vmem>>, %arg9: memref<8x32xf32, #tpu.memory_space<vmem>>, %arg10: memref<10112x32xf32, #tpu.memory_space<vmem_shared>>, %arg11: memref<10112x32xf32, #tpu.memory_space<vmem_shared>>, %arg12: memref<!tpu.dma_semaphore, #tpu.memory_space<semaphore_mem>>, %arg13: memref<!tpu.dma_semaphore, #tpu.memory_space<semaphore_mem>>, %arg14: memref<!tpu.dma_semaphore, #tpu.memory_space<semaphore_mem>>, %arg15: memref<!tpu.dma_semaphore, #tpu.memory_space<semaphore_mem>>) attributes {dimension_semantics = [#tpu.dimension_semantics<core_parallel>, #tpu.dimension_semantics<subcore_parallel>], iteration_bounds = array<i64: 2, 16>, scalar_prefetch = 0 : i64, scratch_operands = 11 : i64, tpu.core_type = #tpu.core_type<sc_vector_subcore>, window_params = [{transform_indices = #map}, {transform_indices = #map}, {transform_indices = #map}]} {
    %broadcast_in_dim3A = arith.constant 0.000000e+00 : f32
    %broadcast_in_dim3A_0 = vector.broadcast %broadcast_in_dim3A : f32 to vector<16xf32>
    %swap3A = arith.constant 0 : i32
    %swap3A_1 = arith.index_cast %swap3A : i32 to index
    %swap3A_2 = arith.constant 0 : index
    %swap3A_3 = tpu.vector_load %arg9[%swap3A_1, %swap3A_2] {strides = array<i32>} : memref<8x32xf32, #tpu.memory_space<vmem>>, vector<16xf32>,
    tpu.vector_store %arg9[%swap3A_1, %swap3A_2], %broadcast_in_dim3A_0 {strides = array<i32>} : memref<8x32xf32, #tpu.memory_space<vmem>>, vector<16xf32>,
    %broadcast_in_dim3A_4 = arith.constant 0.000000e+00 : f32
    %broadcast_in_dim3A_5 = vector.broadcast %broadcast_in_dim3A_4 : f32 to vector<16xf32>
    %swap3A_6 = arith.constant 0 : i32
    %swap3A_7 = arith.index_cast %swap3A_6 : i32 to index
    %swap3A_8 = arith.constant 16 : index
    %swap3A_9 = tpu.vector_load %arg9[%swap3A_7, %swap3A_8] {strides = array<i32>} : memref<8x32xf32, #tpu.memory_space<vmem>>, vector<16xf32>,
    tpu.vector_store %arg9[%swap3A_7, %swap3A_8], %broadcast_in_dim3A_5 {strides = array<i32>} : memref<8x32xf32, #tpu.memory_space<vmem>>, vector<16xf32>,
    %broadcast_in_dim3A_10 = arith.constant 0.000000e+00 : f32
    %broadcast_in_dim3A_11 = vector.broadcast %broadcast_in_dim3A_10 : f32 to vector<16xf32>
    %swap3A_12 = arith.constant 1 : i32
    %swap3A_13 = arith.index_cast %swap3A_12 : i32 to index
    %swap3A_14 = arith.constant 0 : index
    %swap3A_15 = tpu.vector_load %arg9[%swap3A_13, %swap3A_14] {strides = array<i32>} : memref<8x32xf32, #tpu.memory_space<vmem>>, vector<16xf32>,
    tpu.vector_store %arg9[%swap3A_13, %swap3A_14], %broadcast_in_dim3A_11 {strides = array<i32>} : memref<8x32xf32, #tpu.memory_space<vmem>>, vector<16xf32>,
    %broadcast_in_dim3A_16 = arith.constant 0.000000e+00 : f32
    %broadcast_in_dim3A_17 = vector.broadcast %broadcast_in_dim3A_16 : f32 to vector<16xf32>
    %swap3A_18 = arith.constant 1 : i32
    %swap3A_19 = arith.index_cast %swap3A_18 : i32 to index
    %swap3A_20 = arith.constant 16 : index
    %swap3A_21 = tpu.vector_load %arg9[%swap3A_19, %swap3A_20] {strides = array<i32>} : memref<8x32xf32, #tpu.memory_space<vmem>>, vector<16xf32>,
    tpu.vector_store %arg9[%swap3A_19, %swap3A_20], %broadcast_in_dim3A_17 {strides = array<i32>} : memref<8x32xf32, #tpu.memory_space<vmem>>, vector<16xf32>,
    %broadcast_in_dim3A_22 = arith.constant 0.000000e+00 : f32
    %broadcast_in_dim3A_23 = vector.broadcast %broadcast_in_dim3A_22 : f32 to vector<16xf32>
    %swap3A_24 = arith.constant 2 : i32
    %swap3A_25 = arith.index_cast %swap3A_24 : i32 to index
    %swap3A_26 = arith.constant 0 : index
    %swap3A_27 = tpu.vector_load %arg9[%swap3A_25, %swap3A_26] {strides = array<i32>} : memref<8x32xf32, #tpu.memory_space<vmem>>, vector<16xf32>,
    tpu.vector_store %arg9[%swap3A_25, %swap3A_26], %broadcast_in_dim3A_23 {strides = array<i32>} : memref<8x32xf32, #tpu.memory_space<vmem>>, vector<16xf32>,
    %broadcast_in_dim3A_28 = arith.constant 0.000000e+00 : f32
    %broadcast_in_dim3A_29 = vector.broadcast %broadcast_in_dim3A_28 : f32 to vector<16xf32>
    %swap3A_30 = arith.constant 2 : i32
    %swap3A_31 = arith.index_cast %swap3A_30 : i32 to index
    %swap3A_32 = arith.constant 16 : index
    %swap3A_33 = tpu.vector_load %arg9[%swap3A_31, %swap3A_32] {strides = array<i32>} : memref<8x32xf32, #tpu.memory_space<vmem>>, vector<16xf32>,
    tpu.vector_store %arg9[%swap3A_31, %swap3A_32], %broadcast_in_dim3A_29 {strides = array<i32>} : memref<8x32xf32, #tpu.memory_space<vmem>>, vector<16xf32>,
    %broadcast_in_dim3A_34 = arith.constant 0.000000e+00 : f32
    %broadcast_in_dim3A_35 = vector.broadcast %broadcast_in_dim3A_34 : f32 to vector<16xf32>
    %swap3A_36 = arith.constant 3 : i32
    %swap3A_37 = arith.index_cast %swap3A_36 : i32 to index
    %swap3A_38 = arith.constant 0 : index
    %swap3A_39 = tpu.vector_load %arg9[%swap3A_37, %swap3A_38] {strides = array<i32>} : memref<8x32xf32, #tpu.memory_space<vmem>>, vector<16xf32>,
    tpu.vector_store %arg9[%swap3A_37, %swap3A_38], %broadcast_in_dim3A_35 {strides = array<i32>} : memref<8x32xf32, #tpu.memory_space<vmem>>, vector<16xf32>,
    %broadcast_in_dim3A_40 = arith.constant 0.000000e+00 : f32
    %broadcast_in_dim3A_41 = vector.broadcast %broadcast_in_dim3A_40 : f32 to vector<16xf32>
    %swap3A_42 = arith.constant 3 : i32
    %swap3A_43 = arith.index_cast %swap3A_42 : i32 to index
    %swap3A_44 = arith.constant 16 : index
    %swap3A_45 = tpu.vector_load %arg9[%swap3A_43, %swap3A_44] {strides = array<i32>} : memref<8x32xf32, #tpu.memory_space<vmem>>, vector<16xf32>,
    tpu.vector_store %arg9[%swap3A_43, %swap3A_44], %broadcast_in_dim3A_41 {strides = array<i32>} : memref<8x32xf32, #tpu.memory_space<vmem>>, vector<16xf32>,
    %broadcast_in_dim3A_46 = arith.constant 0.000000e+00 : f32
    %broadcast_in_dim3A_47 = vector.broadcast %broadcast_in_dim3A_46 : f32 to vector<16xf32>
    %swap3A_48 = arith.constant 4 : i32
    %swap3A_49 = arith.index_cast %swap3A_48 : i32 to index
    %swap3A_50 = arith.constant 0 : index
    %swap3A_51 = tpu.vector_load %arg9[%swap3A_49, %swap3A_50] {strides = array<i32>} : memref<8x32xf32, #tpu.memory_space<vmem>>, vector<16xf32>,
    tpu.vector_store %arg9[%swap3A_49, %swap3A_50], %broadcast_in_dim3A_47 {strides = array<i32>} : memref<8x32xf32, #tpu.memory_space<vmem>>, vector<16xf32>,
    %broadcast_in_dim3A_52 = arith.constant 0.000000e+00 : f32
    %broadcast_in_dim3A_53 = vector.broadcast %broadcast_in_dim3A_52 : f32 to vector<16xf32>
    %swap3A_54 = arith.constant 4 : i32
    %swap3A_55 = arith.index_cast %swap3A_54 : i32 to index
    %swap3A_56 = arith.constant 16 : index
    %swap3A_57 = tpu.vector_load %arg9[%swap3A_55, %swap3A_56] {strides = array<i32>} : memref<8x32xf32, #tpu.memory_space<vmem>>, vector<16xf32>,
    tpu.vector_store %arg9[%swap3A_55, %swap3A_56], %broadcast_in_dim3A_53 {strides = array<i32>} : memref<8x32xf32, #tpu.memory_space<vmem>>, vector<16xf32>,
    %broadcast_in_dim3A_58 = arith.constant 0.000000e+00 : f32
    %broadcast_in_dim3A_59 = vector.broadcast %broadcast_in_dim3A_58 : f32 to vector<16xf32>
    %swap3A_60 = arith.constant 5 : i32
    %swap3A_61 = arith.index_cast %swap3A_60 : i32 to index
    %swap3A_62 = arith.constant 0 : index
    %swap3A_63 = tpu.vector_load %arg9[%swap3A_61, %swap3A_62] {strides = array<i32>} : memref<8x32xf32, #tpu.memory_space<vmem>>, vector<16xf32>,
    tpu.vector_store %arg9[%swap3A_61, %swap3A_62], %broadcast_in_dim3A_59 {strides = array<i32>} : memref<8x32xf32, #tpu.memory_space<vmem>>, vector<16xf32>,
    %broadcast_in_dim3A_64 = arith.constant 0.000000e+00 : f32
    %broadcast_in_dim3A_65 = vector.broadcast %broadcast_in_dim3A_64 : f32 to vector<16xf32>
    %swap3A_66 = arith.constant 5 : i32
    %swap3A_67 = arith.index_cast %swap3A_66 : i32 to index
    %swap3A_68 = arith.constant 16 : index
    %swap3A_69 = tpu.vector_load %arg9[%swap3A_67, %swap3A_68] {strides = array<i32>} : memref<8x32xf32, #tpu.memory_space<vmem>>, vector<16xf32>,
    tpu.vector_store %arg9[%swap3A_67, %swap3A_68], %broadcast_in_dim3A_65 {strides = array<i32>} : memref<8x32xf32, #tpu.memory_space<vmem>>, vector<16xf32>,
    %broadcast_in_dim3A_70 = arith.constant 0.000000e+00 : f32
    %broadcast_in_dim3A_71 = vector.broadcast %broadcast_in_dim3A_70 : f32 to vector<16xf32>
    %swap3A_72 = arith.constant 6 : i32
    %swap3A_73 = arith.index_cast %swap3A_72 : i32 to index
    %swap3A_74 = arith.constant 0 : index
    %swap3A_75 = tpu.vector_load %arg9[%swap3A_73, %swap3A_74] {strides = array<i32>} : memref<8x32xf32, #tpu.memory_space<vmem>>, vector<16xf32>,
    tpu.vector_store %arg9[%swap3A_73, %swap3A_74], %broadcast_in_dim3A_71 {strides = array<i32>} : memref<8x32xf32, #tpu.memory_space<vmem>>, vector<16xf32>,
    %broadcast_in_dim3A_76 = arith.constant 0.000000e+00 : f32
    %broadcast_in_dim3A_77 = vector.broadcast %broadcast_in_dim3A_76 : f32 to vector<16xf32>
    %swap3A_78 = arith.constant 6 : i32
    %swap3A_79 = arith.index_cast %swap3A_78 : i32 to index
    %swap3A_80 = arith.constant 16 : index
    %swap3A_81 = tpu.vector_load %arg9[%swap3A_79, %swap3A_80] {strides = array<i32>} : memref<8x32xf32, #tpu.memory_space<vmem>>, vector<16xf32>,
    tpu.vector_store %arg9[%swap3A_79, %swap3A_80], %broadcast_in_dim3A_77 {strides = array<i32>} : memref<8x32xf32, #tpu.memory_space<vmem>>, vector<16xf32>,
    %broadcast_in_dim3A_82 = arith.constant 0.000000e+00 : f32
    %broadcast_in_dim3A_83 = vector.broadcast %broadcast_in_dim3A_82 : f32 to vector<16xf32>
    %swap3A_84 = arith.constant 7 : i32
    %swap3A_85 = arith.index_cast %swap3A_84 : i32 to index
    %swap3A_86 = arith.constant 0 : index
    %swap3A_87 = tpu.vector_load %arg9[%swap3A_85, %swap3A_86] {strides = array<i32>} : memref<8x32xf32, #tpu.memory_space<vmem>>, vector<16xf32>,
    tpu.vector_store %arg9[%swap3A_85, %swap3A_86], %broadcast_in_dim3A_83 {strides = array<i32>} : memref<8x32xf32, #tpu.memory_space<vmem>>, vector<16xf32>,
    %broadcast_in_dim3A_88 = arith.constant 0.000000e+00 : f32
    %broadcast_in_dim3A_89 = vector.broadcast %broadcast_in_dim3A_88 : f32 to vector<16xf32>
    %swap3A_90 = arith.constant 7 : i32
    %swap3A_91 = arith.index_cast %swap3A_90 : i32 to index
    %swap3A_92 = arith.constant 16 : index
    %swap3A_93 = tpu.vector_load %arg9[%swap3A_91, %swap3A_92] {strides = array<i32>} : memref<8x32xf32, #tpu.memory_space<vmem>>, vector<16xf32>,
    tpu.vector_store %arg9[%swap3A_91, %swap3A_92], %broadcast_in_dim3A_89 {strides = array<i32>} : memref<8x32xf32, #tpu.memory_space<vmem>>, vector<16xf32>,
    %mul3A = arith.constant 632 : i32
    %mul3A_94 = arith.muli %arg1, %mul3A : i32
    "tpu.region"() ({
      %run_scoped3A_131 = tpu.sem_alloc : memref<!tpu.dma_semaphore, #tpu.memory_space<semaphore_mem>>
      %dma_start3A_132 = arith.constant 0 : i32
      %dma_start3A_133 = tpu.memref_slice %arg11[%mul3A_94, %dma_start3A_132] : memref<10112x32xf32, #tpu.memory_space<vmem_shared>> -> memref<632x32xf32, #tpu.memory_space<vmem_shared>>
      %dma_start3A_134 = arith.constant 0 : i32
      %dma_start3A_135 = tpu.memref_slice %arg3[%arg0, %mul3A_94, %dma_start3A_134] : memref<2x10112x32xf32, #tpu.memory_space<hbm>> -> memref<1x632x32xf32, #tpu.memory_space<hbm>>
      %dma_start3A_136 = tpu.memref_squeeze %dma_start3A_135 : memref<1x632x32xf32, #tpu.memory_space<hbm>> -> memref<632x32xf32, #tpu.memory_space<hbm>>
      tpu.enqueue_dma source(%dma_start3A_136 : memref<632x32xf32, #tpu.memory_space<hbm>>) target(%dma_start3A_133 : memref<632x32xf32, #tpu.memory_space<vmem_shared>>) target_semaphore(%run_scoped3A_131 : memref<!tpu.dma_semaphore, #tpu.memory_space<semaphore_mem>>)
      %dma_wait3A_137 = arith.constant 0 : i32
      %dma_wait3A_138 = tpu.memref_slice %arg11[%mul3A_94, %dma_wait3A_137] : memref<10112x32xf32, #tpu.memory_space<vmem_shared>> -> memref<632x32xf32, #tpu.memory_space<vmem_shared>>
      %dma_wait3A_139 = arith.constant 0 : i32
      %dma_wait3A_140 = tpu.memref_slice %arg3[%arg0, %mul3A_94, %dma_wait3A_139] : memref<2x10112x32xf32, #tpu.memory_space<hbm>> -> memref<1x632x32xf32, #tpu.memory_space<hbm>>
      %dma_wait3A_141 = tpu.memref_squeeze %dma_wait3A_140 : memref<1x632x32xf32, #tpu.memory_space<hbm>> -> memref<632x32xf32, #tpu.memory_space<hbm>>
      tpu.wait_dma2 semaphore(%run_scoped3A_131 : memref<!tpu.dma_semaphore, #tpu.memory_space<semaphore_mem>>) src(%dma_wait3A_141 : memref<632x32xf32, #tpu.memory_space<hbm>>) dst(%dma_wait3A_138 : memref<632x32xf32, #tpu.memory_space<vmem_shared>>)
      tpu.yield
    }) : () -> ()
    %scan3A = arith.constant 0 : i32
    %scan3A_95 = arith.constant 79 : i32
    %scan3A_96 = arith.addi %scan3A, %scan3A_95 : i32
    %scan3A_97 = arith.constant 1 : i32
    scf.for %scan3A_131 = %scan3A to %scan3A_96 step %scan3A_97  : i32 {
      %mul3A_132 = arith.constant 8 : i32
      %mul3A_133 = arith.muli %scan3A_131, %mul3A_132 : i32
      %add3A = arith.addi %mul3A_94, %mul3A_133 : i32
      "tpu.region"() ({
        %run_scoped3A_134 = tpu.sem_alloc : memref<!tpu.dma_semaphore, #tpu.memory_space<semaphore_mem>>
        %dma_start3A_135 = arith.constant 0 : i32
        %dma_start3A_136 = tpu.memref_slice %arg10[%add3A, %dma_start3A_135] : memref<10112x32xf32, #tpu.memory_space<vmem_shared>> -> memref<8x32xf32, #tpu.memory_space<vmem_shared>>
        %dma_start3A_137 = arith.constant 0 : i32
        %dma_start3A_138 = tpu.memref_slice %arg10[%add3A, %dma_start3A_137] : memref<10112x32xf32, #tpu.memory_space<vmem_shared>> -> memref<8x32xf32, #tpu.memory_space<vmem_shared>>
        tpu.enqueue_dma source(%arg9 : memref<8x32xf32, #tpu.memory_space<vmem>>) target(%dma_start3A_138 : memref<8x32xf32, #tpu.memory_space<vmem_shared>>) target_semaphore(%run_scoped3A_134 : memref<!tpu.dma_semaphore, #tpu.memory_space<semaphore_mem>>)
        %dma_wait3A_139 = arith.constant 0 : i32
        %dma_wait3A_140 = tpu.memref_slice %arg10[%add3A, %dma_wait3A_139] : memref<10112x32xf32, #tpu.memory_space<vmem_shared>> -> memref<8x32xf32, #tpu.memory_space<vmem_shared>>
        %dma_wait3A_141 = arith.constant 0 : i32
        %dma_wait3A_142 = tpu.memref_slice %arg10[%add3A, %dma_wait3A_141] : memref<10112x32xf32, #tpu.memory_space<vmem_shared>> -> memref<8x32xf32, #tpu.memory_space<vmem_shared>>
        tpu.wait_dma2 semaphore(%run_scoped3A_134 : memref<!tpu.dma_semaphore, #tpu.memory_space<semaphore_mem>>) src(%arg9 : memref<8x32xf32, #tpu.memory_space<vmem>>) dst(%dma_wait3A_142 : memref<8x32xf32, #tpu.memory_space<vmem_shared>>)
        tpu.yield
      }) : () -> ()
    }
    %scan3A_98 = arith.constant 79 : i32
    %mul3A_99 = arith.constant 156 : i32
    %mul3A_100 = arith.muli %arg1, %mul3A_99 : i32
    %run_scoped3A = arith.constant 0 : i32
    "tpu.region"() ({
      %run_scoped3A_131 = tpu.sem_alloc : memref<!tpu.dma_semaphore, #tpu.memory_space<semaphore_mem>>
      %dma_start3A_132 = arith.constant 0 : i32
      %dma_start3A_133 = arith.constant 0 : i32
      %dma_start3A_134 = tpu.memref_slice %arg5[%dma_start3A_132, %dma_start3A_133] : memref<157x128xi32, #tpu.memory_space<vmem>> -> memref<156x128xi32, #tpu.memory_space<vmem>>
      %dma_start3A_135 = arith.constant 0 : i32
      %dma_start3A_136 = tpu.memref_slice %arg2[%run_scoped3A, %mul3A_100, %dma_start3A_135] : memref<2x2500x128xi32, #tpu.memory_space<hbm>> -> memref<1x156x128xi32, #tpu.memory_space<hbm>>
      %dma_start3A_137 = tpu.memref_squeeze %dma_start3A_136 : memref<1x156x128xi32, #tpu.memory_space<hbm>> -> memref<156x128xi32, #tpu.memory_space<hbm>>
      %dma_start3A_138 = arith.constant 0 : i32
      %dma_start3A_139 = arith.constant 0 : i32
      %dma_start3A_140 = tpu.memref_slice %arg5[%dma_start3A_138, %dma_start3A_139] : memref<157x128xi32, #tpu.memory_space<vmem>> -> memref<156x128xi32, #tpu.memory_space<vmem>>
      %dma_start3A_141 = arith.constant 0 : i32
      %dma_start3A_142 = tpu.memref_slice %arg2[%run_scoped3A, %mul3A_100, %dma_start3A_141] : memref<2x2500x128xi32, #tpu.memory_space<hbm>> -> memref<1x156x128xi32, #tpu.memory_space<hbm>>
      %dma_start3A_143 = tpu.memref_squeeze %dma_start3A_142 : memref<1x156x128xi32, #tpu.memory_space<hbm>> -> memref<156x128xi32, #tpu.memory_space<hbm>>
      tpu.enqueue_dma source(%dma_start3A_143 : memref<156x128xi32, #tpu.memory_space<hbm>>) target(%dma_start3A_140 : memref<156x128xi32, #tpu.memory_space<vmem>>) target_semaphore(%run_scoped3A_131 : memref<!tpu.dma_semaphore, #tpu.memory_space<semaphore_mem>>)
      %dma_wait3A_144 = arith.constant 0 : i32
      %dma_wait3A_145 = arith.constant 0 : i32
      %dma_wait3A_146 = tpu.memref_slice %arg5[%dma_wait3A_144, %dma_wait3A_145] : memref<157x128xi32, #tpu.memory_space<vmem>> -> memref<156x128xi32, #tpu.memory_space<vmem>>
      %dma_wait3A_147 = arith.constant 0 : i32
      %dma_wait3A_148 = tpu.memref_slice %arg2[%run_scoped3A, %mul3A_100, %dma_wait3A_147] : memref<2x2500x128xi32, #tpu.memory_space<hbm>> -> memref<1x156x128xi32, #tpu.memory_space<hbm>>
      %dma_wait3A_149 = tpu.memref_squeeze %dma_wait3A_148 : memref<1x156x128xi32, #tpu.memory_space<hbm>> -> memref<156x128xi32, #tpu.memory_space<hbm>>
      %dma_wait3A_150 = arith.constant 0 : i32
      %dma_wait3A_151 = arith.constant 0 : i32
      %dma_wait3A_152 = tpu.memref_slice %arg5[%dma_wait3A_150, %dma_wait3A_151] : memref<157x128xi32, #tpu.memory_space<vmem>> -> memref<156x128xi32, #tpu.memory_space<vmem>>
      %dma_wait3A_153 = arith.constant 0 : i32
      %dma_wait3A_154 = tpu.memref_slice %arg2[%run_scoped3A, %mul3A_100, %dma_wait3A_153] : memref<2x2500x128xi32, #tpu.memory_space<hbm>> -> memref<1x156x128xi32, #tpu.memory_space<hbm>>
      %dma_wait3A_155 = tpu.memref_squeeze %dma_wait3A_154 : memref<1x156x128xi32, #tpu.memory_space<hbm>> -> memref<156x128xi32, #tpu.memory_space<hbm>>
      tpu.wait_dma2 semaphore(%run_scoped3A_131 : memref<!tpu.dma_semaphore, #tpu.memory_space<semaphore_mem>>) src(%dma_wait3A_155 : memref<156x128xi32, #tpu.memory_space<hbm>>) dst(%dma_wait3A_152 : memref<156x128xi32, #tpu.memory_space<vmem>>)
      tpu.yield
    }) : () -> ()
    %run_scoped3A_101 = arith.constant 1 : i32
    "tpu.region"() ({
      %run_scoped3A_131 = tpu.sem_alloc : memref<!tpu.dma_semaphore, #tpu.memory_space<semaphore_mem>>
      %dma_start3A_132 = arith.constant 0 : i32
      %dma_start3A_133 = arith.constant 0 : i32
      %dma_start3A_134 = tpu.memref_slice %arg6[%dma_start3A_132, %dma_start3A_133] : memref<157x128xi32, #tpu.memory_space<vmem>> -> memref<156x128xi32, #tpu.memory_space<vmem>>
      %dma_start3A_135 = arith.constant 0 : i32
      %dma_start3A_136 = tpu.memref_slice %arg2[%run_scoped3A_101, %mul3A_100, %dma_start3A_135] : memref<2x2500x128xi32, #tpu.memory_space<hbm>> -> memref<1x156x128xi32, #tpu.memory_space<hbm>>
      %dma_start3A_137 = tpu.memref_squeeze %dma_start3A_136 : memref<1x156x128xi32, #tpu.memory_space<hbm>> -> memref<156x128xi32, #tpu.memory_space<hbm>>
      %dma_start3A_138 = arith.constant 0 : i32
      %dma_start3A_139 = arith.constant 0 : i32
      %dma_start3A_140 = tpu.memref_slice %arg6[%dma_start3A_138, %dma_start3A_139] : memref<157x128xi32, #tpu.memory_space<vmem>> -> memref<156x128xi32, #tpu.memory_space<vmem>>
      %dma_start3A_141 = arith.constant 0 : i32
      %dma_start3A_142 = tpu.memref_slice %arg2[%run_scoped3A_101, %mul3A_100, %dma_start3A_141] : memref<2x2500x128xi32, #tpu.memory_space<hbm>> -> memref<1x156x128xi32, #tpu.memory_space<hbm>>
      %dma_start3A_143 = tpu.memref_squeeze %dma_start3A_142 : memref<1x156x128xi32, #tpu.memory_space<hbm>> -> memref<156x128xi32, #tpu.memory_space<hbm>>
      tpu.enqueue_dma source(%dma_start3A_143 : memref<156x128xi32, #tpu.memory_space<hbm>>) target(%dma_start3A_140 : memref<156x128xi32, #tpu.memory_space<vmem>>) target_semaphore(%run_scoped3A_131 : memref<!tpu.dma_semaphore, #tpu.memory_space<semaphore_mem>>)
      %dma_wait3A_144 = arith.constant 0 : i32
      %dma_wait3A_145 = arith.constant 0 : i32
      %dma_wait3A_146 = tpu.memref_slice %arg6[%dma_wait3A_144, %dma_wait3A_145] : memref<157x128xi32, #tpu.memory_space<vmem>> -> memref<156x128xi32, #tpu.memory_space<vmem>>
      %dma_wait3A_147 = arith.constant 0 : i32
      %dma_wait3A_148 = tpu.memref_slice %arg2[%run_scoped3A_101, %mul3A_100, %dma_wait3A_147] : memref<2x2500x128xi32, #tpu.memory_space<hbm>> -> memref<1x156x128xi32, #tpu.memory_space<hbm>>
      %dma_wait3A_149 = tpu.memref_squeeze %dma_wait3A_148 : memref<1x156x128xi32, #tpu.memory_space<hbm>> -> memref<156x128xi32, #tpu.memory_space<hbm>>
      %dma_wait3A_150 = arith.constant 0 : i32
      %dma_wait3A_151 = arith.constant 0 : i32
      %dma_wait3A_152 = tpu.memref_slice %arg6[%dma_wait3A_150, %dma_wait3A_151] : memref<157x128xi32, #tpu.memory_space<vmem>> -> memref<156x128xi32, #tpu.memory_space<vmem>>
      %dma_wait3A_153 = arith.constant 0 : i32
      %dma_wait3A_154 = tpu.memref_slice %arg2[%run_scoped3A_101, %mul3A_100, %dma_wait3A_153] : memref<2x2500x128xi32, #tpu.memory_space<hbm>> -> memref<1x156x128xi32, #tpu.memory_space<hbm>>
      %dma_wait3A_155 = tpu.memref_squeeze %dma_wait3A_154 : memref<1x156x128xi32, #tpu.memory_space<hbm>> -> memref<156x128xi32, #tpu.memory_space<hbm>>
      tpu.wait_dma2 semaphore(%run_scoped3A_131 : memref<!tpu.dma_semaphore, #tpu.memory_space<semaphore_mem>>) src(%dma_wait3A_155 : memref<156x128xi32, #tpu.memory_space<hbm>>) dst(%dma_wait3A_152 : memref<156x128xi32, #tpu.memory_space<vmem>>)
      tpu.yield
    }) : () -> ()
    %lt3A = arith.constant 4 : i32
    %lt3A_102 = arith.cmpi slt, %arg1, %lt3A : i32
    %convert_element_type3A = arith.extui %lt3A_102 : i1 to i32
    %cond3A = arith.constant 0 : i32
    %cond3A_103 = arith.cmpi ne, %convert_element_type3A, %cond3A : i32
    scf.if %cond3A_103 {
      %add3A = arith.constant 2496 : i32
      %add3A_131 = arith.addi %add3A, %arg1 : i32
      %run_scoped3A_132 = arith.constant 0 : i32
      "tpu.region"() ({
        %run_scoped3A_136 = tpu.sem_alloc : memref<!tpu.dma_semaphore, #tpu.memory_space<semaphore_mem>>
        %dma_start3A_137 = arith.constant 156 : i32
        %dma_start3A_138 = arith.constant 0 : i32
        %dma_start3A_139 = tpu.memref_slice %arg5[%dma_start3A_137, %dma_start3A_138] : memref<157x128xi32, #tpu.memory_space<vmem>> -> memref<1x128xi32, #tpu.memory_space<vmem>>
        %dma_start3A_140 = arith.constant 0 : i32
        %dma_start3A_141 = tpu.memref_slice %arg2[%run_scoped3A_132, %add3A_131, %dma_start3A_140] : memref<2x2500x128xi32, #tpu.memory_space<hbm>> -> memref<1x1x128xi32, #tpu.memory_space<hbm>>
        %dma_start3A_142 = tpu.memref_squeeze %dma_start3A_141 : memref<1x1x128xi32, #tpu.memory_space<hbm>> -> memref<1x128xi32, #tpu.memory_space<hbm>>
        %dma_start3A_143 = arith.constant 156 : i32
        %dma_start3A_144 = arith.constant 0 : i32
        %dma_start3A_145 = tpu.memref_slice %arg5[%dma_start3A_143, %dma_start3A_144] : memref<157x128xi32, #tpu.memory_space<vmem>> -> memref<1x128xi32, #tpu.memory_space<vmem>>
        %dma_start3A_146 = arith.constant 0 : i32
        %dma_start3A_147 = tpu.memref_slice %arg2[%run_scoped3A_132, %add3A_131, %dma_start3A_146] : memref<2x2500x128xi32, #tpu.memory_space<hbm>> -> memref<1x1x128xi32, #tpu.memory_space<hbm>>
        %dma_start3A_148 = tpu.memref_squeeze %dma_start3A_147 : memref<1x1x128xi32, #tpu.memory_space<hbm>> -> memref<1x128xi32, #tpu.memory_space<hbm>>
        tpu.enqueue_dma source(%dma_start3A_148 : memref<1x128xi32, #tpu.memory_space<hbm>>) target(%dma_start3A_145 : memref<1x128xi32, #tpu.memory_space<vmem>>) target_semaphore(%run_scoped3A_136 : memref<!tpu.dma_semaphore, #tpu.memory_space<semaphore_mem>>)
        %dma_wait3A_149 = arith.constant 156 : i32
        %dma_wait3A_150 = arith.constant 0 : i32
        %dma_wait3A_151 = tpu.memref_slice %arg5[%dma_wait3A_149, %dma_wait3A_150] : memref<157x128xi32, #tpu.memory_space<vmem>> -> memref<1x128xi32, #tpu.memory_space<vmem>>
        %dma_wait3A_152 = arith.constant 0 : i32
        %dma_wait3A_153 = tpu.memref_slice %arg2[%run_scoped3A_132, %add3A_131, %dma_wait3A_152] : memref<2x2500x128xi32, #tpu.memory_space<hbm>> -> memref<1x1x128xi32, #tpu.memory_space<hbm>>
        %dma_wait3A_154 = tpu.memref_squeeze %dma_wait3A_153 : memref<1x1x128xi32, #tpu.memory_space<hbm>> -> memref<1x128xi32, #tpu.memory_space<hbm>>
        %dma_wait3A_155 = arith.constant 156 : i32
        %dma_wait3A_156 = arith.constant 0 : i32
        %dma_wait3A_157 = tpu.memref_slice %arg5[%dma_wait3A_155, %dma_wait3A_156] : memref<157x128xi32, #tpu.memory_space<vmem>> -> memref<1x128xi32, #tpu.memory_space<vmem>>
        %dma_wait3A_158 = arith.constant 0 : i32
        %dma_wait3A_159 = tpu.memref_slice %arg2[%run_scoped3A_132, %add3A_131, %dma_wait3A_158] : memref<2x2500x128xi32, #tpu.memory_space<hbm>> -> memref<1x1x128xi32, #tpu.memory_space<hbm>>
        %dma_wait3A_160 = tpu.memref_squeeze %dma_wait3A_159 : memref<1x1x128xi32, #tpu.memory_space<hbm>> -> memref<1x128xi32, #tpu.memory_space<hbm>>
        tpu.wait_dma2 semaphore(%run_scoped3A_136 : memref<!tpu.dma_semaphore, #tpu.memory_space<semaphore_mem>>) src(%dma_wait3A_160 : memref<1x128xi32, #tpu.memory_space<hbm>>) dst(%dma_wait3A_157 : memref<1x128xi32, #tpu.memory_space<vmem>>)
        tpu.yield
      }) : () -> ()
      %add3A_133 = arith.constant 2496 : i32
      %add3A_134 = arith.addi %add3A_133, %arg1 : i32
      %run_scoped3A_135 = arith.constant 1 : i32
      "tpu.region"() ({
        %run_scoped3A_136 = tpu.sem_alloc : memref<!tpu.dma_semaphore, #tpu.memory_space<semaphore_mem>>
        %dma_start3A_137 = arith.constant 156 : i32
        %dma_start3A_138 = arith.constant 0 : i32
        %dma_start3A_139 = tpu.memref_slice %arg6[%dma_start3A_137, %dma_start3A_138] : memref<157x128xi32, #tpu.memory_space<vmem>> -> memref<1x128xi32, #tpu.memory_space<vmem>>
        %dma_start3A_140 = arith.constant 0 : i32
        %dma_start3A_141 = tpu.memref_slice %arg2[%run_scoped3A_135, %add3A_134, %dma_start3A_140] : memref<2x2500x128xi32, #tpu.memory_space<hbm>> -> memref<1x1x128xi32, #tpu.memory_space<hbm>>
        %dma_start3A_142 = tpu.memref_squeeze %dma_start3A_141 : memref<1x1x128xi32, #tpu.memory_space<hbm>> -> memref<1x128xi32, #tpu.memory_space<hbm>>
        %dma_start3A_143 = arith.constant 156 : i32
        %dma_start3A_144 = arith.constant 0 : i32
        %dma_start3A_145 = tpu.memref_slice %arg6[%dma_start3A_143, %dma_start3A_144] : memref<157x128xi32, #tpu.memory_space<vmem>> -> memref<1x128xi32, #tpu.memory_space<vmem>>
        %dma_start3A_146 = arith.constant 0 : i32
        %dma_start3A_147 = tpu.memref_slice %arg2[%run_scoped3A_135, %add3A_134, %dma_start3A_146] : memref<2x2500x128xi32, #tpu.memory_space<hbm>> -> memref<1x1x128xi32, #tpu.memory_space<hbm>>
        %dma_start3A_148 = tpu.memref_squeeze %dma_start3A_147 : memref<1x1x128xi32, #tpu.memory_space<hbm>> -> memref<1x128xi32, #tpu.memory_space<hbm>>
        tpu.enqueue_dma source(%dma_start3A_148 : memref<1x128xi32, #tpu.memory_space<hbm>>) target(%dma_start3A_145 : memref<1x128xi32, #tpu.memory_space<vmem>>) target_semaphore(%run_scoped3A_136 : memref<!tpu.dma_semaphore, #tpu.memory_space<semaphore_mem>>)
        %dma_wait3A_149 = arith.constant 156 : i32
        %dma_wait3A_150 = arith.constant 0 : i32
        %dma_wait3A_151 = tpu.memref_slice %arg6[%dma_wait3A_149, %dma_wait3A_150] : memref<157x128xi32, #tpu.memory_space<vmem>> -> memref<1x128xi32, #tpu.memory_space<vmem>>
        %dma_wait3A_152 = arith.constant 0 : i32
        %dma_wait3A_153 = tpu.memref_slice %arg2[%run_scoped3A_135, %add3A_134, %dma_wait3A_152] : memref<2x2500x128xi32, #tpu.memory_space<hbm>> -> memref<1x1x128xi32, #tpu.memory_space<hbm>>
        %dma_wait3A_154 = tpu.memref_squeeze %dma_wait3A_153 : memref<1x1x128xi32, #tpu.memory_space<hbm>> -> memref<1x128xi32, #tpu.memory_space<hbm>>
        %dma_wait3A_155 = arith.constant 156 : i32
        %dma_wait3A_156 = arith.constant 0 : i32
        %dma_wait3A_157 = tpu.memref_slice %arg6[%dma_wait3A_155, %dma_wait3A_156] : memref<157x128xi32, #tpu.memory_space<vmem>> -> memref<1x128xi32, #tpu.memory_space<vmem>>
        %dma_wait3A_158 = arith.constant 0 : i32
        %dma_wait3A_159 = tpu.memref_slice %arg2[%run_scoped3A_135, %add3A_134, %dma_wait3A_158] : memref<2x2500x128xi32, #tpu.memory_space<hbm>> -> memref<1x1x128xi32, #tpu.memory_space<hbm>>
        %dma_wait3A_160 = tpu.memref_squeeze %dma_wait3A_159 : memref<1x1x128xi32, #tpu.memory_space<hbm>> -> memref<1x128xi32, #tpu.memory_space<hbm>>
        tpu.wait_dma2 semaphore(%run_scoped3A_136 : memref<!tpu.dma_semaphore, #tpu.memory_space<semaphore_mem>>) src(%dma_wait3A_160 : memref<1x128xi32, #tpu.memory_space<hbm>>) dst(%dma_wait3A_157 : memref<1x128xi32, #tpu.memory_space<vmem>>)
        tpu.yield
      }) : () -> ()
    } else {
    }
    %barrier3A = arith.constant 0 : index
    tpu.barrier barrier_id(%barrier3A)
    %dma_start3A = arith.constant 0 : i32
    %dma_start3A_104 = arith.constant 0 : i32
    %dma_start3A_105 = tpu.memref_slice %arg5[%dma_start3A, %dma_start3A_104] : memref<157x128xi32, #tpu.memory_space<vmem>> -> memref<1x128xi32, #tpu.memory_space<vmem>>
    %dma_start3A_106 = tpu.memref_squeeze %dma_start3A_105 : memref<1x128xi32, #tpu.memory_space<vmem>> -> memref<128xi32, #tpu.memory_space<vmem>>
    %dma_start3A_107 = arith.constant 0 : i32
    %dma_start3A_108 = arith.constant 0 : i32
    %dma_start3A_109 = tpu.memref_slice %arg11[%dma_start3A_107, %dma_start3A_108] : memref<10112x32xf32, #tpu.memory_space<vmem_shared>> -> memref<10112x32xf32, #tpu.memory_space<vmem_shared>>
    tpu.enqueue_indirect_dma source(%dma_start3A_109 : memref<10112x32xf32, #tpu.memory_space<vmem_shared>>) target(%arg7 : memref<128x32xf32, #tpu.memory_space<vmem>>) offsets(%dma_start3A_106 : memref<128xi32, #tpu.memory_space<vmem>>) semaphore(%arg12 : memref<!tpu.dma_semaphore, #tpu.memory_space<semaphore_mem>>)
    %scan3A_110 = arith.constant 0 : i32
    %scan3A_111 = arith.constant 78 : i32
    %scan3A_112 = arith.addi %scan3A_110, %scan3A_111 : i32
    %scan3A_113 = arith.constant 1 : i32
    scf.for %scan3A_131 = %scan3A_110 to %scan3A_112 step %scan3A_113  : i32 {
      %mul3A_132 = arith.constant 2 : i32
      %mul3A_133 = arith.muli %mul3A_132, %scan3A_131 : i32
      %add3A = arith.constant 0 : i32
      %add3A_134 = arith.addi %mul3A_133, %add3A : i32
      %gt3A = arith.constant 0 : i32
      %gt3A_135 = arith.cmpi sgt, %add3A_134, %gt3A : i32
      %convert_element_type3A_136 = arith.extui %gt3A_135 : i1 to i32
      %cond3A_137 = arith.constant 0 : i32
      %cond3A_138 = arith.cmpi ne, %convert_element_type3A_136, %cond3A_137 : i32
      scf.if %cond3A_138 {
        %sub3A_189 = arith.constant 1 : i32
        %sub3A_190 = arith.subi %add3A_134, %sub3A_189 : i32
        %dma_wait3A_191 = arith.constant 0 : i32
        %dma_wait3A_192 = tpu.memref_slice %arg6[%sub3A_190, %dma_wait3A_191] : memref<157x128xi32, #tpu.memory_space<vmem>> -> memref<1x128xi32, #tpu.memory_space<vmem>>
        %dma_wait3A_193 = tpu.memref_squeeze %dma_wait3A_192 : memref<1x128xi32, #tpu.memory_space<vmem>> -> memref<128xi32, #tpu.memory_space<vmem>>
        %dma_wait3A_194 = arith.constant 0 : i32
        %dma_wait3A_195 = arith.constant 0 : i32
        %dma_wait3A_196 = tpu.memref_slice %arg10[%dma_wait3A_194, %dma_wait3A_195] : memref<10112x32xf32, #tpu.memory_space<vmem_shared>> -> memref<10112x32xf32, #tpu.memory_space<vmem_shared>>
        tpu.wait_indirect_dma semaphore(%arg15 : memref<!tpu.dma_semaphore, #tpu.memory_space<semaphore_mem>>) src(%arg8 : memref<128x32xf32, #tpu.memory_space<vmem>>) dst(%dma_wait3A_196 : memref<10112x32xf32, #tpu.memory_space<vmem_shared>>)
      } else {
      }
      %add3A_139 = arith.constant 1 : i32
      %add3A_140 = arith.addi %add3A_134, %add3A_139 : i32
      %dma_start3A_141 = arith.constant 0 : i32
      %dma_start3A_142 = tpu.memref_slice %arg5[%add3A_140, %dma_start3A_141] : memref<157x128xi32, #tpu.memory_space<vmem>> -> memref<1x128xi32, #tpu.memory_space<vmem>>
      %dma_start3A_143 = tpu.memref_squeeze %dma_start3A_142 : memref<1x128xi32, #tpu.memory_space<vmem>> -> memref<128xi32, #tpu.memory_space<vmem>>
      %dma_start3A_144 = arith.constant 0 : i32
      %dma_start3A_145 = arith.constant 0 : i32
      %dma_start3A_146 = tpu.memref_slice %arg11[%dma_start3A_144, %dma_start3A_145] : memref<10112x32xf32, #tpu.memory_space<vmem_shared>> -> memref<10112x32xf32, #tpu.memory_space<vmem_shared>>
      tpu.enqueue_indirect_dma source(%dma_start3A_146 : memref<10112x32xf32, #tpu.memory_space<vmem_shared>>) target(%arg8 : memref<128x32xf32, #tpu.memory_space<vmem>>) offsets(%dma_start3A_143 : memref<128xi32, #tpu.memory_space<vmem>>) semaphore(%arg13 : memref<!tpu.dma_semaphore, #tpu.memory_space<semaphore_mem>>)
      %dma_wait3A_147 = arith.constant 0 : i32
      %dma_wait3A_148 = tpu.memref_slice %arg5[%add3A_134, %dma_wait3A_147] : memref<157x128xi32, #tpu.memory_space<vmem>> -> memref<1x128xi32, #tpu.memory_space<vmem>>
      %dma_wait3A_149 = tpu.memref_squeeze %dma_wait3A_148 : memref<1x128xi32, #tpu.memory_space<vmem>> -> memref<128xi32, #tpu.memory_space<vmem>>
      %dma_wait3A_150 = arith.constant 0 : i32
      %dma_wait3A_151 = arith.constant 0 : i32
      %dma_wait3A_152 = tpu.memref_slice %arg11[%dma_wait3A_150, %dma_wait3A_151] : memref<10112x32xf32, #tpu.memory_space<vmem_shared>> -> memref<10112x32xf32, #tpu.memory_space<vmem_shared>>
      tpu.wait_indirect_dma semaphore(%arg12 : memref<!tpu.dma_semaphore, #tpu.memory_space<semaphore_mem>>) src(%dma_wait3A_152 : memref<10112x32xf32, #tpu.memory_space<vmem_shared>>) dst(%arg7 : memref<128x32xf32, #tpu.memory_space<vmem>>)
      %dma_start3A_153 = arith.constant 0 : i32
      %dma_start3A_154 = tpu.memref_slice %arg6[%add3A_134, %dma_start3A_153] : memref<157x128xi32, #tpu.memory_space<vmem>> -> memref<1x128xi32, #tpu.memory_space<vmem>>
      %dma_start3A_155 = tpu.memref_squeeze %dma_start3A_154 : memref<1x128xi32, #tpu.memory_space<vmem>> -> memref<128xi32, #tpu.memory_space<vmem>>
      %dma_start3A_156 = arith.constant 0 : i32
      %dma_start3A_157 = arith.constant 0 : i32
      %dma_start3A_158 = tpu.memref_slice %arg10[%dma_start3A_156, %dma_start3A_157] : memref<10112x32xf32, #tpu.memory_space<vmem_shared>> -> memref<10112x32xf32, #tpu.memory_space<vmem_shared>>
      tpu.enqueue_indirect_dma source(%arg7 : memref<128x32xf32, #tpu.memory_space<vmem>>) target(%dma_start3A_158 : memref<10112x32xf32, #tpu.memory_space<vmem_shared>>) offsets(%dma_start3A_155 : memref<128xi32, #tpu.memory_space<vmem>>) semaphore(%arg14 : memref<!tpu.dma_semaphore, #tpu.memory_space<semaphore_mem>>) {add = true}
      %mul3A_159 = arith.constant 2 : i32
      %mul3A_160 = arith.muli %mul3A_159, %scan3A_131 : i32
      %add3A_161 = arith.constant 1 : i32
      %add3A_162 = arith.addi %mul3A_160, %add3A_161 : i32
      %sub3A = arith.constant 1 : i32
      %sub3A_163 = arith.subi %add3A_162, %sub3A : i32
      %dma_wait3A_164 = arith.constant 0 : i32
      %dma_wait3A_165 = tpu.memref_slice %arg6[%sub3A_163, %dma_wait3A_164] : memref<157x128xi32, #tpu.memory_space<vmem>> -> memref<1x128xi32, #tpu.memory_space<vmem>>
      %dma_wait3A_166 = tpu.memref_squeeze %dma_wait3A_165 : memref<1x128xi32, #tpu.memory_space<vmem>> -> memref<128xi32, #tpu.memory_space<vmem>>
      %dma_wait3A_167 = arith.constant 0 : i32
      %dma_wait3A_168 = arith.constant 0 : i32
      %dma_wait3A_169 = tpu.memref_slice %arg10[%dma_wait3A_167, %dma_wait3A_168] : memref<10112x32xf32, #tpu.memory_space<vmem_shared>> -> memref<10112x32xf32, #tpu.memory_space<vmem_shared>>
      tpu.wait_indirect_dma semaphore(%arg14 : memref<!tpu.dma_semaphore, #tpu.memory_space<semaphore_mem>>) src(%arg7 : memref<128x32xf32, #tpu.memory_space<vmem>>) dst(%dma_wait3A_169 : memref<10112x32xf32, #tpu.memory_space<vmem_shared>>)
      %add3A_170 = arith.constant 1 : i32
      %add3A_171 = arith.addi %add3A_162, %add3A_170 : i32
      %lt3A_172 = arith.constant 156 : i32
      %lt3A_173 = arith.cmpi slt, %add3A_171, %lt3A_172 : i32
      %convert_element_type3A_174 = arith.extui %lt3A_173 : i1 to i32
      %cond3A_175 = arith.constant 0 : i32
      %cond3A_176 = arith.cmpi ne, %convert_element_type3A_174, %cond3A_175 : i32
      scf.if %cond3A_176 {
        %add3A_189 = arith.constant 1 : i32
        %add3A_190 = arith.addi %add3A_162, %add3A_189 : i32
        %dma_start3A_191 = arith.constant 0 : i32
        %dma_start3A_192 = tpu.memref_slice %arg5[%add3A_190, %dma_start3A_191] : memref<157x128xi32, #tpu.memory_space<vmem>> -> memref<1x128xi32, #tpu.memory_space<vmem>>
        %dma_start3A_193 = tpu.memref_squeeze %dma_start3A_192 : memref<1x128xi32, #tpu.memory_space<vmem>> -> memref<128xi32, #tpu.memory_space<vmem>>
        %dma_start3A_194 = arith.constant 0 : i32
        %dma_start3A_195 = arith.constant 0 : i32
        %dma_start3A_196 = tpu.memref_slice %arg11[%dma_start3A_194, %dma_start3A_195] : memref<10112x32xf32, #tpu.memory_space<vmem_shared>> -> memref<10112x32xf32, #tpu.memory_space<vmem_shared>>
        tpu.enqueue_indirect_dma source(%dma_start3A_196 : memref<10112x32xf32, #tpu.memory_space<vmem_shared>>) target(%arg7 : memref<128x32xf32, #tpu.memory_space<vmem>>) offsets(%dma_start3A_193 : memref<128xi32, #tpu.memory_space<vmem>>) semaphore(%arg12 : memref<!tpu.dma_semaphore, #tpu.memory_space<semaphore_mem>>)
      } else {
      }
      %dma_wait3A_177 = arith.constant 0 : i32
      %dma_wait3A_178 = tpu.memref_slice %arg5[%add3A_162, %dma_wait3A_177] : memref<157x128xi32, #tpu.memory_space<vmem>> -> memref<1x128xi32, #tpu.memory_space<vmem>>
      %dma_wait3A_179 = tpu.memref_squeeze %dma_wait3A_178 : memref<1x128xi32, #tpu.memory_space<vmem>> -> memref<128xi32, #tpu.memory_space<vmem>>
      %dma_wait3A_180 = arith.constant 0 : i32
      %dma_wait3A_181 = arith.constant 0 : i32
      %dma_wait3A_182 = tpu.memref_slice %arg11[%dma_wait3A_180, %dma_wait3A_181] : memref<10112x32xf32, #tpu.memory_space<vmem_shared>> -> memref<10112x32xf32, #tpu.memory_space<vmem_shared>>
      tpu.wait_indirect_dma semaphore(%arg13 : memref<!tpu.dma_semaphore, #tpu.memory_space<semaphore_mem>>) src(%dma_wait3A_182 : memref<10112x32xf32, #tpu.memory_space<vmem_shared>>) dst(%arg8 : memref<128x32xf32, #tpu.memory_space<vmem>>)
      %dma_start3A_183 = arith.constant 0 : i32
      %dma_start3A_184 = tpu.memref_slice %arg6[%add3A_162, %dma_start3A_183] : memref<157x128xi32, #tpu.memory_space<vmem>> -> memref<1x128xi32, #tpu.memory_space<vmem>>
      %dma_start3A_185 = tpu.memref_squeeze %dma_start3A_184 : memref<1x128xi32, #tpu.memory_space<vmem>> -> memref<128xi32, #tpu.memory_space<vmem>>
      %dma_start3A_186 = arith.constant 0 : i32
      %dma_start3A_187 = arith.constant 0 : i32
      %dma_start3A_188 = tpu.memref_slice %arg10[%dma_start3A_186, %dma_start3A_187] : memref<10112x32xf32, #tpu.memory_space<vmem_shared>> -> memref<10112x32xf32, #tpu.memory_space<vmem_shared>>
      tpu.enqueue_indirect_dma source(%arg8 : memref<128x32xf32, #tpu.memory_space<vmem>>) target(%dma_start3A_188 : memref<10112x32xf32, #tpu.memory_space<vmem_shared>>) offsets(%dma_start3A_185 : memref<128xi32, #tpu.memory_space<vmem>>) semaphore(%arg15 : memref<!tpu.dma_semaphore, #tpu.memory_space<semaphore_mem>>) {add = true}
    }
    %scan3A_114 = arith.constant 78 : i32
    %dma_wait3A = arith.constant 155 : i32
    %dma_wait3A_115 = arith.constant 0 : i32
    %dma_wait3A_116 = tpu.memref_slice %arg6[%dma_wait3A, %dma_wait3A_115] : memref<157x128xi32, #tpu.memory_space<vmem>> -> memref<1x128xi32, #tpu.memory_space<vmem>>
    %dma_wait3A_117 = tpu.memref_squeeze %dma_wait3A_116 : memref<1x128xi32, #tpu.memory_space<vmem>> -> memref<128xi32, #tpu.memory_space<vmem>>
    %dma_wait3A_118 = arith.constant 0 : i32
    %dma_wait3A_119 = arith.constant 0 : i32
    %dma_wait3A_120 = tpu.memref_slice %arg10[%dma_wait3A_118, %dma_wait3A_119] : memref<10112x32xf32, #tpu.memory_space<vmem_shared>> -> memref<10112x32xf32, #tpu.memory_space<vmem_shared>>
    tpu.wait_indirect_dma semaphore(%arg15 : memref<!tpu.dma_semaphore, #tpu.memory_space<semaphore_mem>>) src(%arg8 : memref<128x32xf32, #tpu.memory_space<vmem>>) dst(%dma_wait3A_120 : memref<10112x32xf32, #tpu.memory_space<vmem_shared>>)
    %lt3A_121 = arith.constant 4 : i32
    %lt3A_122 = arith.cmpi slt, %arg1, %lt3A_121 : i32
    %convert_element_type3A_123 = arith.extui %lt3A_122 : i1 to i32
    %cond3A_124 = arith.constant 0 : i32
    %cond3A_125 = arith.cmpi ne, %convert_element_type3A_123, %cond3A_124 : i32
    scf.if %cond3A_125 {
      %dma_start3A_131 = arith.constant 156 : i32
      %dma_start3A_132 = arith.constant 0 : i32
      %dma_start3A_133 = tpu.memref_slice %arg5[%dma_start3A_131, %dma_start3A_132] : memref<157x128xi32, #tpu.memory_space<vmem>> -> memref<1x128xi32, #tpu.memory_space<vmem>>
      %dma_start3A_134 = tpu.memref_squeeze %dma_start3A_133 : memref<1x128xi32, #tpu.memory_space<vmem>> -> memref<128xi32, #tpu.memory_space<vmem>>
      %dma_start3A_135 = arith.constant 0 : i32
      %dma_start3A_136 = arith.constant 0 : i32
      %dma_start3A_137 = tpu.memref_slice %arg11[%dma_start3A_135, %dma_start3A_136] : memref<10112x32xf32, #tpu.memory_space<vmem_shared>> -> memref<10112x32xf32, #tpu.memory_space<vmem_shared>>
      tpu.enqueue_indirect_dma source(%dma_start3A_137 : memref<10112x32xf32, #tpu.memory_space<vmem_shared>>) target(%arg8 : memref<128x32xf32, #tpu.memory_space<vmem>>) offsets(%dma_start3A_134 : memref<128xi32, #tpu.memory_space<vmem>>) semaphore(%arg13 : memref<!tpu.dma_semaphore, #tpu.memory_space<semaphore_mem>>)
      %dma_wait3A_138 = arith.constant 156 : i32
      %dma_wait3A_139 = arith.constant 0 : i32
      %dma_wait3A_140 = tpu.memref_slice %arg5[%dma_wait3A_138, %dma_wait3A_139] : memref<157x128xi32, #tpu.memory_space<vmem>> -> memref<1x128xi32, #tpu.memory_space<vmem>>
      %dma_wait3A_141 = tpu.memref_squeeze %dma_wait3A_140 : memref<1x128xi32, #tpu.memory_space<vmem>> -> memref<128xi32, #tpu.memory_space<vmem>>
      %dma_wait3A_142 = arith.constant 0 : i32
      %dma_wait3A_143 = arith.constant 0 : i32
      %dma_wait3A_144 = tpu.memref_slice %arg11[%dma_wait3A_142, %dma_wait3A_143] : memref<10112x32xf32, #tpu.memory_space<vmem_shared>> -> memref<10112x32xf32, #tpu.memory_space<vmem_shared>>
      tpu.wait_indirect_dma semaphore(%arg13 : memref<!tpu.dma_semaphore, #tpu.memory_space<semaphore_mem>>) src(%dma_wait3A_144 : memref<10112x32xf32, #tpu.memory_space<vmem_shared>>) dst(%arg8 : memref<128x32xf32, #tpu.memory_space<vmem>>)
      %run_scoped3A_145 = arith.constant 156 : i32
      "tpu.region"() ({
        %run_scoped3A_146 = tpu.sem_alloc : memref<!tpu.dma_semaphore, #tpu.memory_space<semaphore_mem>>
        %dma_start3A_147 = arith.constant 0 : i32
        %dma_start3A_148 = tpu.memref_slice %arg6[%run_scoped3A_145, %dma_start3A_147] : memref<157x128xi32, #tpu.memory_space<vmem>> -> memref<1x128xi32, #tpu.memory_space<vmem>>
        %dma_start3A_149 = tpu.memref_squeeze %dma_start3A_148 : memref<1x128xi32, #tpu.memory_space<vmem>> -> memref<128xi32, #tpu.memory_space<vmem>>
        %dma_start3A_150 = arith.constant 0 : i32
        %dma_start3A_151 = arith.constant 0 : i32
        %dma_start3A_152 = tpu.memref_slice %arg10[%dma_start3A_150, %dma_start3A_151] : memref<10112x32xf32, #tpu.memory_space<vmem_shared>> -> memref<10112x32xf32, #tpu.memory_space<vmem_shared>>
        tpu.enqueue_indirect_dma source(%arg8 : memref<128x32xf32, #tpu.memory_space<vmem>>) target(%dma_start3A_152 : memref<10112x32xf32, #tpu.memory_space<vmem_shared>>) offsets(%dma_start3A_149 : memref<128xi32, #tpu.memory_space<vmem>>) semaphore(%run_scoped3A_146 : memref<!tpu.dma_semaphore, #tpu.memory_space<semaphore_mem>>) {add = true}
        %dma_wait3A_153 = arith.constant 0 : i32
        %dma_wait3A_154 = tpu.memref_slice %arg6[%run_scoped3A_145, %dma_wait3A_153] : memref<157x128xi32, #tpu.memory_space<vmem>> -> memref<1x128xi32, #tpu.memory_space<vmem>>
        %dma_wait3A_155 = tpu.memref_squeeze %dma_wait3A_154 : memref<1x128xi32, #tpu.memory_space<vmem>> -> memref<128xi32, #tpu.memory_space<vmem>>
        %dma_wait3A_156 = arith.constant 0 : i32
        %dma_wait3A_157 = arith.constant 0 : i32
        %dma_wait3A_158 = tpu.memref_slice %arg10[%dma_wait3A_156, %dma_wait3A_157] : memref<10112x32xf32, #tpu.memory_space<vmem_shared>> -> memref<10112x32xf32, #tpu.memory_space<vmem_shared>>
        tpu.wait_indirect_dma semaphore(%run_scoped3A_146 : memref<!tpu.dma_semaphore, #tpu.memory_space<semaphore_mem>>) src(%arg8 : memref<128x32xf32, #tpu.memory_space<vmem>>) dst(%dma_wait3A_158 : memref<10112x32xf32, #tpu.memory_space<vmem_shared>>)
        tpu.yield
      }) : () -> ()
    } else {
    }
    %barrier3A_126 = arith.constant 0 : index
    tpu.barrier barrier_id(%barrier3A_126)
    %mul3A_127 = arith.constant 632 : i32
    %mul3A_128 = arith.muli %arg1, %mul3A_127 : i32
    %mul3A_129 = arith.constant 632 : i32
    %mul3A_130 = arith.muli %arg1, %mul3A_129 : i32
    "tpu.region"() ({
      %run_scoped3A_131 = tpu.sem_alloc : memref<!tpu.dma_semaphore, #tpu.memory_space<semaphore_mem>>
      %dma_start3A_132 = arith.constant 0 : i32
      %dma_start3A_133 = tpu.memref_slice %arg4[%arg0, %mul3A_130, %dma_start3A_132] : memref<2x10112x32xf32, #tpu.memory_space<hbm>> -> memref<1x632x32xf32, #tpu.memory_space<hbm>>
      %dma_start3A_134 = tpu.memref_squeeze %dma_start3A_133 : memref<1x632x32xf32, #tpu.memory_space<hbm>> -> memref<632x32xf32, #tpu.memory_space<hbm>>
      %dma_start3A_135 = arith.constant 0 : i32
      %dma_start3A_136 = tpu.memref_slice %arg10[%mul3A_128, %dma_start3A_135] : memref<10112x32xf32, #tpu.memory_space<vmem_shared>> -> memref<632x32xf32, #tpu.memory_space<vmem_shared>>
      tpu.enqueue_dma source(%dma_start3A_136 : memref<632x32xf32, #tpu.memory_space<vmem_shared>>) target(%dma_start3A_134 : memref<632x32xf32, #tpu.memory_space<hbm>>) target_semaphore(%run_scoped3A_131 : memref<!tpu.dma_semaphore, #tpu.memory_space<semaphore_mem>>)
      %dma_wait3A_137 = arith.constant 0 : i32
      %dma_wait3A_138 = tpu.memref_slice %arg4[%arg0, %mul3A_130, %dma_wait3A_137] : memref<2x10112x32xf32, #tpu.memory_space<hbm>> -> memref<1x632x32xf32, #tpu.memory_space<hbm>>
      %dma_wait3A_139 = tpu.memref_squeeze %dma_wait3A_138 : memref<1x632x32xf32, #tpu.memory_space<hbm>> -> memref<632x32xf32, #tpu.memory_space<hbm>>
      %dma_wait3A_140 = arith.constant 0 : i32
      %dma_wait3A_141 = tpu.memref_slice %arg10[%mul3A_128, %dma_wait3A_140] : memref<10112x32xf32, #tpu.memory_space<vmem_shared>> -> memref<632x32xf32, #tpu.memory_space<vmem_shared>>
      tpu.wait_dma2 semaphore(%run_scoped3A_131 : memref<!tpu.dma_semaphore, #tpu.memory_space<semaphore_mem>>) src(%dma_wait3A_141 : memref<632x32xf32, #tpu.memory_space<vmem_shared>>) dst(%dma_wait3A_139 : memref<632x32xf32, #tpu.memory_space<hbm>>)
      tpu.yield
    }) : () -> ()
    return
  }
}

#map = affine_map<(d0, d1) -> (0, 0, 0)>
module attributes {stable_mosaic.version = 14 : i64} {
  func.func @_sc_aggregate(%arg0: i32, %arg1: i32, %arg2: memref<2x2500x128xi32, #tpu.memory_space<hbm>>, %arg3: memref<2x10112x32xf32, #tpu.memory_space<hbm>>, %arg4: memref<2x10112x32xf32, #tpu.memory_space<hbm>>, %arg5: memref<157x128xi32, #tpu.memory_space<vmem>>, %arg6: memref<157x128xi32, #tpu.memory_space<vmem>>, %arg7: memref<128x32xf32, #tpu.memory_space<vmem>>, %arg8: memref<128x32xf32, #tpu.memory_space<vmem>>, %arg9: memref<8x32xf32, #tpu.memory_space<vmem>>, %arg10: memref<10112x32xf32, #tpu.memory_space<vmem_shared>>, %arg11: memref<10112x32xf32, #tpu.memory_space<vmem_shared>>, %arg12: memref<!tpu.dma_semaphore, #tpu.memory_space<semaphore_mem>>, %arg13: memref<!tpu.dma_semaphore, #tpu.memory_space<semaphore_mem>>, %arg14: memref<!tpu.dma_semaphore, #tpu.memory_space<semaphore_mem>>, %arg15: memref<!tpu.dma_semaphore, #tpu.memory_space<semaphore_mem>>) attributes {dimension_semantics = [#tpu.dimension_semantics<core_parallel>, #tpu.dimension_semantics<subcore_parallel>], iteration_bounds = array<i64: 2, 16>, scalar_prefetch = 0 : i64, scratch_operands = 11 : i64, tpu.core_type = #tpu.core_type<sc_vector_subcore>, window_params = [{transform_indices = #map}, {transform_indices = #map}, {transform_indices = #map}]} {
    %broadcast_in_dim3A = arith.constant 0.000000e+00 : f32
    %broadcast_in_dim3A_0 = vector.broadcast %broadcast_in_dim3A : f32 to vector<16xf32>
    %swap3A = arith.constant 0 : i32
    %swap3A_1 = arith.index_cast %swap3A : i32 to index
    %swap3A_2 = arith.constant 0 : index
    %swap3A_3 = tpu.vector_load %arg9[%swap3A_1, %swap3A_2] {strides = array<i32>} : memref<8x32xf32, #tpu.memory_space<vmem>>, vector<16xf32>,
    tpu.vector_store %arg9[%swap3A_1, %swap3A_2], %broadcast_in_dim3A_0 {strides = array<i32>} : memref<8x32xf32, #tpu.memory_space<vmem>>, vector<16xf32>,
    %broadcast_in_dim3A_4 = arith.constant 0.000000e+00 : f32
    %broadcast_in_dim3A_5 = vector.broadcast %broadcast_in_dim3A_4 : f32 to vector<16xf32>
    %swap3A_6 = arith.constant 0 : i32
    %swap3A_7 = arith.index_cast %swap3A_6 : i32 to index
    %swap3A_8 = arith.constant 16 : index
    %swap3A_9 = tpu.vector_load %arg9[%swap3A_7, %swap3A_8] {strides = array<i32>} : memref<8x32xf32, #tpu.memory_space<vmem>>, vector<16xf32>,
    tpu.vector_store %arg9[%swap3A_7, %swap3A_8], %broadcast_in_dim3A_5 {strides = array<i32>} : memref<8x32xf32, #tpu.memory_space<vmem>>, vector<16xf32>,
    %broadcast_in_dim3A_10 = arith.constant 0.000000e+00 : f32
    %broadcast_in_dim3A_11 = vector.broadcast %broadcast_in_dim3A_10 : f32 to vector<16xf32>
    %swap3A_12 = arith.constant 1 : i32
    %swap3A_13 = arith.index_cast %swap3A_12 : i32 to index
    %swap3A_14 = arith.constant 0 : index
    %swap3A_15 = tpu.vector_load %arg9[%swap3A_13, %swap3A_14] {strides = array<i32>} : memref<8x32xf32, #tpu.memory_space<vmem>>, vector<16xf32>,
    tpu.vector_store %arg9[%swap3A_13, %swap3A_14], %broadcast_in_dim3A_11 {strides = array<i32>} : memref<8x32xf32, #tpu.memory_space<vmem>>, vector<16xf32>,
    %broadcast_in_dim3A_16 = arith.constant 0.000000e+00 : f32
    %broadcast_in_dim3A_17 = vector.broadcast %broadcast_in_dim3A_16 : f32 to vector<16xf32>
    %swap3A_18 = arith.constant 1 : i32
    %swap3A_19 = arith.index_cast %swap3A_18 : i32 to index
    %swap3A_20 = arith.constant 16 : index
    %swap3A_21 = tpu.vector_load %arg9[%swap3A_19, %swap3A_20] {strides = array<i32>} : memref<8x32xf32, #tpu.memory_space<vmem>>, vector<16xf32>,
    tpu.vector_store %arg9[%swap3A_19, %swap3A_20], %broadcast_in_dim3A_17 {strides = array<i32>} : memref<8x32xf32, #tpu.memory_space<vmem>>, vector<16xf32>,
    %broadcast_in_dim3A_22 = arith.constant 0.000000e+00 : f32
    %broadcast_in_dim3A_23 = vector.broadcast %broadcast_in_dim3A_22 : f32 to vector<16xf32>
    %swap3A_24 = arith.constant 2 : i32
    %swap3A_25 = arith.index_cast %swap3A_24 : i32 to index
    %swap3A_26 = arith.constant 0 : index
    %swap3A_27 = tpu.vector_load %arg9[%swap3A_25, %swap3A_26] {strides = array<i32>} : memref<8x32xf32, #tpu.memory_space<vmem>>, vector<16xf32>,
    tpu.vector_store %arg9[%swap3A_25, %swap3A_26], %broadcast_in_dim3A_23 {strides = array<i32>} : memref<8x32xf32, #tpu.memory_space<vmem>>, vector<16xf32>,
    %broadcast_in_dim3A_28 = arith.constant 0.000000e+00 : f32
    %broadcast_in_dim3A_29 = vector.broadcast %broadcast_in_dim3A_28 : f32 to vector<16xf32>
    %swap3A_30 = arith.constant 2 : i32
    %swap3A_31 = arith.index_cast %swap3A_30 : i32 to index
    %swap3A_32 = arith.constant 16 : index
    %swap3A_33 = tpu.vector_load %arg9[%swap3A_31, %swap3A_32] {strides = array<i32>} : memref<8x32xf32, #tpu.memory_space<vmem>>, vector<16xf32>,
    tpu.vector_store %arg9[%swap3A_31, %swap3A_32], %broadcast_in_dim3A_29 {strides = array<i32>} : memref<8x32xf32, #tpu.memory_space<vmem>>, vector<16xf32>,
    %broadcast_in_dim3A_34 = arith.constant 0.000000e+00 : f32
    %broadcast_in_dim3A_35 = vector.broadcast %broadcast_in_dim3A_34 : f32 to vector<16xf32>
    %swap3A_36 = arith.constant 3 : i32
    %swap3A_37 = arith.index_cast %swap3A_36 : i32 to index
    %swap3A_38 = arith.constant 0 : index
    %swap3A_39 = tpu.vector_load %arg9[%swap3A_37, %swap3A_38] {strides = array<i32>} : memref<8x32xf32, #tpu.memory_space<vmem>>, vector<16xf32>,
    tpu.vector_store %arg9[%swap3A_37, %swap3A_38], %broadcast_in_dim3A_35 {strides = array<i32>} : memref<8x32xf32, #tpu.memory_space<vmem>>, vector<16xf32>,
    %broadcast_in_dim3A_40 = arith.constant 0.000000e+00 : f32
    %broadcast_in_dim3A_41 = vector.broadcast %broadcast_in_dim3A_40 : f32 to vector<16xf32>
    %swap3A_42 = arith.constant 3 : i32
    %swap3A_43 = arith.index_cast %swap3A_42 : i32 to index
    %swap3A_44 = arith.constant 16 : index
    %swap3A_45 = tpu.vector_load %arg9[%swap3A_43, %swap3A_44] {strides = array<i32>} : memref<8x32xf32, #tpu.memory_space<vmem>>, vector<16xf32>,
    tpu.vector_store %arg9[%swap3A_43, %swap3A_44], %broadcast_in_dim3A_41 {strides = array<i32>} : memref<8x32xf32, #tpu.memory_space<vmem>>, vector<16xf32>,
    %broadcast_in_dim3A_46 = arith.constant 0.000000e+00 : f32
    %broadcast_in_dim3A_47 = vector.broadcast %broadcast_in_dim3A_46 : f32 to vector<16xf32>
    %swap3A_48 = arith.constant 4 : i32
    %swap3A_49 = arith.index_cast %swap3A_48 : i32 to index
    %swap3A_50 = arith.constant 0 : index
    %swap3A_51 = tpu.vector_load %arg9[%swap3A_49, %swap3A_50] {strides = array<i32>} : memref<8x32xf32, #tpu.memory_space<vmem>>, vector<16xf32>,
    tpu.vector_store %arg9[%swap3A_49, %swap3A_50], %broadcast_in_dim3A_47 {strides = array<i32>} : memref<8x32xf32, #tpu.memory_space<vmem>>, vector<16xf32>,
    %broadcast_in_dim3A_52 = arith.constant 0.000000e+00 : f32
    %broadcast_in_dim3A_53 = vector.broadcast %broadcast_in_dim3A_52 : f32 to vector<16xf32>
    %swap3A_54 = arith.constant 4 : i32
    %swap3A_55 = arith.index_cast %swap3A_54 : i32 to index
    %swap3A_56 = arith.constant 16 : index
    %swap3A_57 = tpu.vector_load %arg9[%swap3A_55, %swap3A_56] {strides = array<i32>} : memref<8x32xf32, #tpu.memory_space<vmem>>, vector<16xf32>,
    tpu.vector_store %arg9[%swap3A_55, %swap3A_56], %broadcast_in_dim3A_53 {strides = array<i32>} : memref<8x32xf32, #tpu.memory_space<vmem>>, vector<16xf32>,
    %broadcast_in_dim3A_58 = arith.constant 0.000000e+00 : f32
    %broadcast_in_dim3A_59 = vector.broadcast %broadcast_in_dim3A_58 : f32 to vector<16xf32>
    %swap3A_60 = arith.constant 5 : i32
    %swap3A_61 = arith.index_cast %swap3A_60 : i32 to index
    %swap3A_62 = arith.constant 0 : index
    %swap3A_63 = tpu.vector_load %arg9[%swap3A_61, %swap3A_62] {strides = array<i32>} : memref<8x32xf32, #tpu.memory_space<vmem>>, vector<16xf32>,
    tpu.vector_store %arg9[%swap3A_61, %swap3A_62], %broadcast_in_dim3A_59 {strides = array<i32>} : memref<8x32xf32, #tpu.memory_space<vmem>>, vector<16xf32>,
    %broadcast_in_dim3A_64 = arith.constant 0.000000e+00 : f32
    %broadcast_in_dim3A_65 = vector.broadcast %broadcast_in_dim3A_64 : f32 to vector<16xf32>
    %swap3A_66 = arith.constant 5 : i32
    %swap3A_67 = arith.index_cast %swap3A_66 : i32 to index
    %swap3A_68 = arith.constant 16 : index
    %swap3A_69 = tpu.vector_load %arg9[%swap3A_67, %swap3A_68] {strides = array<i32>} : memref<8x32xf32, #tpu.memory_space<vmem>>, vector<16xf32>,
    tpu.vector_store %arg9[%swap3A_67, %swap3A_68], %broadcast_in_dim3A_65 {strides = array<i32>} : memref<8x32xf32, #tpu.memory_space<vmem>>, vector<16xf32>,
    %broadcast_in_dim3A_70 = arith.constant 0.000000e+00 : f32
    %broadcast_in_dim3A_71 = vector.broadcast %broadcast_in_dim3A_70 : f32 to vector<16xf32>
    %swap3A_72 = arith.constant 6 : i32
    %swap3A_73 = arith.index_cast %swap3A_72 : i32 to index
    %swap3A_74 = arith.constant 0 : index
    %swap3A_75 = tpu.vector_load %arg9[%swap3A_73, %swap3A_74] {strides = array<i32>} : memref<8x32xf32, #tpu.memory_space<vmem>>, vector<16xf32>,
    tpu.vector_store %arg9[%swap3A_73, %swap3A_74], %broadcast_in_dim3A_71 {strides = array<i32>} : memref<8x32xf32, #tpu.memory_space<vmem>>, vector<16xf32>,
    %broadcast_in_dim3A_76 = arith.constant 0.000000e+00 : f32
    %broadcast_in_dim3A_77 = vector.broadcast %broadcast_in_dim3A_76 : f32 to vector<16xf32>
    %swap3A_78 = arith.constant 6 : i32
    %swap3A_79 = arith.index_cast %swap3A_78 : i32 to index
    %swap3A_80 = arith.constant 16 : index
    %swap3A_81 = tpu.vector_load %arg9[%swap3A_79, %swap3A_80] {strides = array<i32>} : memref<8x32xf32, #tpu.memory_space<vmem>>, vector<16xf32>,
    tpu.vector_store %arg9[%swap3A_79, %swap3A_80], %broadcast_in_dim3A_77 {strides = array<i32>} : memref<8x32xf32, #tpu.memory_space<vmem>>, vector<16xf32>,
    %broadcast_in_dim3A_82 = arith.constant 0.000000e+00 : f32
    %broadcast_in_dim3A_83 = vector.broadcast %broadcast_in_dim3A_82 : f32 to vector<16xf32>
    %swap3A_84 = arith.constant 7 : i32
    %swap3A_85 = arith.index_cast %swap3A_84 : i32 to index
    %swap3A_86 = arith.constant 0 : index
    %swap3A_87 = tpu.vector_load %arg9[%swap3A_85, %swap3A_86] {strides = array<i32>} : memref<8x32xf32, #tpu.memory_space<vmem>>, vector<16xf32>,
    tpu.vector_store %arg9[%swap3A_85, %swap3A_86], %broadcast_in_dim3A_83 {strides = array<i32>} : memref<8x32xf32, #tpu.memory_space<vmem>>, vector<16xf32>,
    %broadcast_in_dim3A_88 = arith.constant 0.000000e+00 : f32
    %broadcast_in_dim3A_89 = vector.broadcast %broadcast_in_dim3A_88 : f32 to vector<16xf32>
    %swap3A_90 = arith.constant 7 : i32
    %swap3A_91 = arith.index_cast %swap3A_90 : i32 to index
    %swap3A_92 = arith.constant 16 : index
    %swap3A_93 = tpu.vector_load %arg9[%swap3A_91, %swap3A_92] {strides = array<i32>} : memref<8x32xf32, #tpu.memory_space<vmem>>, vector<16xf32>,
    tpu.vector_store %arg9[%swap3A_91, %swap3A_92], %broadcast_in_dim3A_89 {strides = array<i32>} : memref<8x32xf32, #tpu.memory_space<vmem>>, vector<16xf32>,
    %mul3A = arith.constant 632 : i32
    %mul3A_94 = arith.muli %arg1, %mul3A : i32
    "tpu.region"() ({
      %run_scoped3A_131 = tpu.sem_alloc : memref<!tpu.dma_semaphore, #tpu.memory_space<semaphore_mem>>
      %dma_start3A_132 = arith.constant 0 : i32
      %dma_start3A_133 = tpu.memref_slice %arg11[%mul3A_94, %dma_start3A_132] : memref<10112x32xf32, #tpu.memory_space<vmem_shared>> -> memref<632x32xf32, #tpu.memory_space<vmem_shared>>
      %dma_start3A_134 = arith.constant 0 : i32
      %dma_start3A_135 = tpu.memref_slice %arg3[%arg0, %mul3A_94, %dma_start3A_134] : memref<2x10112x32xf32, #tpu.memory_space<hbm>> -> memref<1x632x32xf32, #tpu.memory_space<hbm>>
      %dma_start3A_136 = tpu.memref_squeeze %dma_start3A_135 : memref<1x632x32xf32, #tpu.memory_space<hbm>> -> memref<632x32xf32, #tpu.memory_space<hbm>>
      tpu.enqueue_dma source(%dma_start3A_136 : memref<632x32xf32, #tpu.memory_space<hbm>>) target(%dma_start3A_133 : memref<632x32xf32, #tpu.memory_space<vmem_shared>>) target_semaphore(%run_scoped3A_131 : memref<!tpu.dma_semaphore, #tpu.memory_space<semaphore_mem>>)
      %dma_wait3A_137 = arith.constant 0 : i32
      %dma_wait3A_138 = tpu.memref_slice %arg11[%mul3A_94, %dma_wait3A_137] : memref<10112x32xf32, #tpu.memory_space<vmem_shared>> -> memref<632x32xf32, #tpu.memory_space<vmem_shared>>
      %dma_wait3A_139 = arith.constant 0 : i32
      %dma_wait3A_140 = tpu.memref_slice %arg3[%arg0, %mul3A_94, %dma_wait3A_139] : memref<2x10112x32xf32, #tpu.memory_space<hbm>> -> memref<1x632x32xf32, #tpu.memory_space<hbm>>
      %dma_wait3A_141 = tpu.memref_squeeze %dma_wait3A_140 : memref<1x632x32xf32, #tpu.memory_space<hbm>> -> memref<632x32xf32, #tpu.memory_space<hbm>>
      tpu.wait_dma2 semaphore(%run_scoped3A_131 : memref<!tpu.dma_semaphore, #tpu.memory_space<semaphore_mem>>) src(%dma_wait3A_141 : memref<632x32xf32, #tpu.memory_space<hbm>>) dst(%dma_wait3A_138 : memref<632x32xf32, #tpu.memory_space<vmem_shared>>)
      tpu.yield
    }) : () -> ()
    %scan3A = arith.constant 0 : i32
    %scan3A_95 = arith.constant 79 : i32
    %scan3A_96 = arith.addi %scan3A, %scan3A_95 : i32
    %scan3A_97 = arith.constant 1 : i32
    scf.for %scan3A_131 = %scan3A to %scan3A_96 step %scan3A_97  : i32 {
      %mul3A_132 = arith.constant 8 : i32
      %mul3A_133 = arith.muli %scan3A_131, %mul3A_132 : i32
      %add3A = arith.addi %mul3A_94, %mul3A_133 : i32
      "tpu.region"() ({
        %run_scoped3A_134 = tpu.sem_alloc : memref<!tpu.dma_semaphore, #tpu.memory_space<semaphore_mem>>
        %dma_start3A_135 = arith.constant 0 : i32
        %dma_start3A_136 = tpu.memref_slice %arg10[%add3A, %dma_start3A_135] : memref<10112x32xf32, #tpu.memory_space<vmem_shared>> -> memref<8x32xf32, #tpu.memory_space<vmem_shared>>
        %dma_start3A_137 = arith.constant 0 : i32
        %dma_start3A_138 = tpu.memref_slice %arg10[%add3A, %dma_start3A_137] : memref<10112x32xf32, #tpu.memory_space<vmem_shared>> -> memref<8x32xf32, #tpu.memory_space<vmem_shared>>
        tpu.enqueue_dma source(%arg9 : memref<8x32xf32, #tpu.memory_space<vmem>>) target(%dma_start3A_138 : memref<8x32xf32, #tpu.memory_space<vmem_shared>>) target_semaphore(%run_scoped3A_134 : memref<!tpu.dma_semaphore, #tpu.memory_space<semaphore_mem>>)
        %dma_wait3A_139 = arith.constant 0 : i32
        %dma_wait3A_140 = tpu.memref_slice %arg10[%add3A, %dma_wait3A_139] : memref<10112x32xf32, #tpu.memory_space<vmem_shared>> -> memref<8x32xf32, #tpu.memory_space<vmem_shared>>
        %dma_wait3A_141 = arith.constant 0 : i32
        %dma_wait3A_142 = tpu.memref_slice %arg10[%add3A, %dma_wait3A_141] : memref<10112x32xf32, #tpu.memory_space<vmem_shared>> -> memref<8x32xf32, #tpu.memory_space<vmem_shared>>
        tpu.wait_dma2 semaphore(%run_scoped3A_134 : memref<!tpu.dma_semaphore, #tpu.memory_space<semaphore_mem>>) src(%arg9 : memref<8x32xf32, #tpu.memory_space<vmem>>) dst(%dma_wait3A_142 : memref<8x32xf32, #tpu.memory_space<vmem_shared>>)
        tpu.yield
      }) : () -> ()
    }
    %scan3A_98 = arith.constant 79 : i32
    %mul3A_99 = arith.constant 156 : i32
    %mul3A_100 = arith.muli %arg1, %mul3A_99 : i32
    %run_scoped3A = arith.constant 0 : i32
    "tpu.region"() ({
      %run_scoped3A_131 = tpu.sem_alloc : memref<!tpu.dma_semaphore, #tpu.memory_space<semaphore_mem>>
      %dma_start3A_132 = arith.constant 0 : i32
      %dma_start3A_133 = arith.constant 0 : i32
      %dma_start3A_134 = tpu.memref_slice %arg5[%dma_start3A_132, %dma_start3A_133] : memref<157x128xi32, #tpu.memory_space<vmem>> -> memref<156x128xi32, #tpu.memory_space<vmem>>
      %dma_start3A_135 = arith.constant 0 : i32
      %dma_start3A_136 = tpu.memref_slice %arg2[%run_scoped3A, %mul3A_100, %dma_start3A_135] : memref<2x2500x128xi32, #tpu.memory_space<hbm>> -> memref<1x156x128xi32, #tpu.memory_space<hbm>>
      %dma_start3A_137 = tpu.memref_squeeze %dma_start3A_136 : memref<1x156x128xi32, #tpu.memory_space<hbm>> -> memref<156x128xi32, #tpu.memory_space<hbm>>
      %dma_start3A_138 = arith.constant 0 : i32
      %dma_start3A_139 = arith.constant 0 : i32
      %dma_start3A_140 = tpu.memref_slice %arg5[%dma_start3A_138, %dma_start3A_139] : memref<157x128xi32, #tpu.memory_space<vmem>> -> memref<156x128xi32, #tpu.memory_space<vmem>>
      %dma_start3A_141 = arith.constant 0 : i32
      %dma_start3A_142 = tpu.memref_slice %arg2[%run_scoped3A, %mul3A_100, %dma_start3A_141] : memref<2x2500x128xi32, #tpu.memory_space<hbm>> -> memref<1x156x128xi32, #tpu.memory_space<hbm>>
      %dma_start3A_143 = tpu.memref_squeeze %dma_start3A_142 : memref<1x156x128xi32, #tpu.memory_space<hbm>> -> memref<156x128xi32, #tpu.memory_space<hbm>>
      tpu.enqueue_dma source(%dma_start3A_143 : memref<156x128xi32, #tpu.memory_space<hbm>>) target(%dma_start3A_140 : memref<156x128xi32, #tpu.memory_space<vmem>>) target_semaphore(%run_scoped3A_131 : memref<!tpu.dma_semaphore, #tpu.memory_space<semaphore_mem>>)
      %dma_wait3A_144 = arith.constant 0 : i32
      %dma_wait3A_145 = arith.constant 0 : i32
      %dma_wait3A_146 = tpu.memref_slice %arg5[%dma_wait3A_144, %dma_wait3A_145] : memref<157x128xi32, #tpu.memory_space<vmem>> -> memref<156x128xi32, #tpu.memory_space<vmem>>
      %dma_wait3A_147 = arith.constant 0 : i32
      %dma_wait3A_148 = tpu.memref_slice %arg2[%run_scoped3A, %mul3A_100, %dma_wait3A_147] : memref<2x2500x128xi32, #tpu.memory_space<hbm>> -> memref<1x156x128xi32, #tpu.memory_space<hbm>>
      %dma_wait3A_149 = tpu.memref_squeeze %dma_wait3A_148 : memref<1x156x128xi32, #tpu.memory_space<hbm>> -> memref<156x128xi32, #tpu.memory_space<hbm>>
      %dma_wait3A_150 = arith.constant 0 : i32
      %dma_wait3A_151 = arith.constant 0 : i32
      %dma_wait3A_152 = tpu.memref_slice %arg5[%dma_wait3A_150, %dma_wait3A_151] : memref<157x128xi32, #tpu.memory_space<vmem>> -> memref<156x128xi32, #tpu.memory_space<vmem>>
      %dma_wait3A_153 = arith.constant 0 : i32
      %dma_wait3A_154 = tpu.memref_slice %arg2[%run_scoped3A, %mul3A_100, %dma_wait3A_153] : memref<2x2500x128xi32, #tpu.memory_space<hbm>> -> memref<1x156x128xi32, #tpu.memory_space<hbm>>
      %dma_wait3A_155 = tpu.memref_squeeze %dma_wait3A_154 : memref<1x156x128xi32, #tpu.memory_space<hbm>> -> memref<156x128xi32, #tpu.memory_space<hbm>>
      tpu.wait_dma2 semaphore(%run_scoped3A_131 : memref<!tpu.dma_semaphore, #tpu.memory_space<semaphore_mem>>) src(%dma_wait3A_155 : memref<156x128xi32, #tpu.memory_space<hbm>>) dst(%dma_wait3A_152 : memref<156x128xi32, #tpu.memory_space<vmem>>)
      tpu.yield
    }) : () -> ()
    %run_scoped3A_101 = arith.constant 1 : i32
    "tpu.region"() ({
      %run_scoped3A_131 = tpu.sem_alloc : memref<!tpu.dma_semaphore, #tpu.memory_space<semaphore_mem>>
      %dma_start3A_132 = arith.constant 0 : i32
      %dma_start3A_133 = arith.constant 0 : i32
      %dma_start3A_134 = tpu.memref_slice %arg6[%dma_start3A_132, %dma_start3A_133] : memref<157x128xi32, #tpu.memory_space<vmem>> -> memref<156x128xi32, #tpu.memory_space<vmem>>
      %dma_start3A_135 = arith.constant 0 : i32
      %dma_start3A_136 = tpu.memref_slice %arg2[%run_scoped3A_101, %mul3A_100, %dma_start3A_135] : memref<2x2500x128xi32, #tpu.memory_space<hbm>> -> memref<1x156x128xi32, #tpu.memory_space<hbm>>
      %dma_start3A_137 = tpu.memref_squeeze %dma_start3A_136 : memref<1x156x128xi32, #tpu.memory_space<hbm>> -> memref<156x128xi32, #tpu.memory_space<hbm>>
      %dma_start3A_138 = arith.constant 0 : i32
      %dma_start3A_139 = arith.constant 0 : i32
      %dma_start3A_140 = tpu.memref_slice %arg6[%dma_start3A_138, %dma_start3A_139] : memref<157x128xi32, #tpu.memory_space<vmem>> -> memref<156x128xi32, #tpu.memory_space<vmem>>
      %dma_start3A_141 = arith.constant 0 : i32
      %dma_start3A_142 = tpu.memref_slice %arg2[%run_scoped3A_101, %mul3A_100, %dma_start3A_141] : memref<2x2500x128xi32, #tpu.memory_space<hbm>> -> memref<1x156x128xi32, #tpu.memory_space<hbm>>
      %dma_start3A_143 = tpu.memref_squeeze %dma_start3A_142 : memref<1x156x128xi32, #tpu.memory_space<hbm>> -> memref<156x128xi32, #tpu.memory_space<hbm>>
      tpu.enqueue_dma source(%dma_start3A_143 : memref<156x128xi32, #tpu.memory_space<hbm>>) target(%dma_start3A_140 : memref<156x128xi32, #tpu.memory_space<vmem>>) target_semaphore(%run_scoped3A_131 : memref<!tpu.dma_semaphore, #tpu.memory_space<semaphore_mem>>)
      %dma_wait3A_144 = arith.constant 0 : i32
      %dma_wait3A_145 = arith.constant 0 : i32
      %dma_wait3A_146 = tpu.memref_slice %arg6[%dma_wait3A_144, %dma_wait3A_145] : memref<157x128xi32, #tpu.memory_space<vmem>> -> memref<156x128xi32, #tpu.memory_space<vmem>>
      %dma_wait3A_147 = arith.constant 0 : i32
      %dma_wait3A_148 = tpu.memref_slice %arg2[%run_scoped3A_101, %mul3A_100, %dma_wait3A_147] : memref<2x2500x128xi32, #tpu.memory_space<hbm>> -> memref<1x156x128xi32, #tpu.memory_space<hbm>>
      %dma_wait3A_149 = tpu.memref_squeeze %dma_wait3A_148 : memref<1x156x128xi32, #tpu.memory_space<hbm>> -> memref<156x128xi32, #tpu.memory_space<hbm>>
      %dma_wait3A_150 = arith.constant 0 : i32
      %dma_wait3A_151 = arith.constant 0 : i32
      %dma_wait3A_152 = tpu.memref_slice %arg6[%dma_wait3A_150, %dma_wait3A_151] : memref<157x128xi32, #tpu.memory_space<vmem>> -> memref<156x128xi32, #tpu.memory_space<vmem>>
      %dma_wait3A_153 = arith.constant 0 : i32
      %dma_wait3A_154 = tpu.memref_slice %arg2[%run_scoped3A_101, %mul3A_100, %dma_wait3A_153] : memref<2x2500x128xi32, #tpu.memory_space<hbm>> -> memref<1x156x128xi32, #tpu.memory_space<hbm>>
      %dma_wait3A_155 = tpu.memref_squeeze %dma_wait3A_154 : memref<1x156x128xi32, #tpu.memory_space<hbm>> -> memref<156x128xi32, #tpu.memory_space<hbm>>
      tpu.wait_dma2 semaphore(%run_scoped3A_131 : memref<!tpu.dma_semaphore, #tpu.memory_space<semaphore_mem>>) src(%dma_wait3A_155 : memref<156x128xi32, #tpu.memory_space<hbm>>) dst(%dma_wait3A_152 : memref<156x128xi32, #tpu.memory_space<vmem>>)
      tpu.yield
    }) : () -> ()
    %lt3A = arith.constant 4 : i32
    %lt3A_102 = arith.cmpi slt, %arg1, %lt3A : i32
    %convert_element_type3A = arith.extui %lt3A_102 : i1 to i32
    %cond3A = arith.constant 0 : i32
    %cond3A_103 = arith.cmpi ne, %convert_element_type3A, %cond3A : i32
    scf.if %cond3A_103 {
      %add3A = arith.constant 2496 : i32
      %add3A_131 = arith.addi %add3A, %arg1 : i32
      %run_scoped3A_132 = arith.constant 0 : i32
      "tpu.region"() ({
        %run_scoped3A_136 = tpu.sem_alloc : memref<!tpu.dma_semaphore, #tpu.memory_space<semaphore_mem>>
        %dma_start3A_137 = arith.constant 156 : i32
        %dma_start3A_138 = arith.constant 0 : i32
        %dma_start3A_139 = tpu.memref_slice %arg5[%dma_start3A_137, %dma_start3A_138] : memref<157x128xi32, #tpu.memory_space<vmem>> -> memref<1x128xi32, #tpu.memory_space<vmem>>
        %dma_start3A_140 = arith.constant 0 : i32
        %dma_start3A_141 = tpu.memref_slice %arg2[%run_scoped3A_132, %add3A_131, %dma_start3A_140] : memref<2x2500x128xi32, #tpu.memory_space<hbm>> -> memref<1x1x128xi32, #tpu.memory_space<hbm>>
        %dma_start3A_142 = tpu.memref_squeeze %dma_start3A_141 : memref<1x1x128xi32, #tpu.memory_space<hbm>> -> memref<1x128xi32, #tpu.memory_space<hbm>>
        %dma_start3A_143 = arith.constant 156 : i32
        %dma_start3A_144 = arith.constant 0 : i32
        %dma_start3A_145 = tpu.memref_slice %arg5[%dma_start3A_143, %dma_start3A_144] : memref<157x128xi32, #tpu.memory_space<vmem>> -> memref<1x128xi32, #tpu.memory_space<vmem>>
        %dma_start3A_146 = arith.constant 0 : i32
        %dma_start3A_147 = tpu.memref_slice %arg2[%run_scoped3A_132, %add3A_131, %dma_start3A_146] : memref<2x2500x128xi32, #tpu.memory_space<hbm>> -> memref<1x1x128xi32, #tpu.memory_space<hbm>>
        %dma_start3A_148 = tpu.memref_squeeze %dma_start3A_147 : memref<1x1x128xi32, #tpu.memory_space<hbm>> -> memref<1x128xi32, #tpu.memory_space<hbm>>
        tpu.enqueue_dma source(%dma_start3A_148 : memref<1x128xi32, #tpu.memory_space<hbm>>) target(%dma_start3A_145 : memref<1x128xi32, #tpu.memory_space<vmem>>) target_semaphore(%run_scoped3A_136 : memref<!tpu.dma_semaphore, #tpu.memory_space<semaphore_mem>>)
        %dma_wait3A_149 = arith.constant 156 : i32
        %dma_wait3A_150 = arith.constant 0 : i32
        %dma_wait3A_151 = tpu.memref_slice %arg5[%dma_wait3A_149, %dma_wait3A_150] : memref<157x128xi32, #tpu.memory_space<vmem>> -> memref<1x128xi32, #tpu.memory_space<vmem>>
        %dma_wait3A_152 = arith.constant 0 : i32
        %dma_wait3A_153 = tpu.memref_slice %arg2[%run_scoped3A_132, %add3A_131, %dma_wait3A_152] : memref<2x2500x128xi32, #tpu.memory_space<hbm>> -> memref<1x1x128xi32, #tpu.memory_space<hbm>>
        %dma_wait3A_154 = tpu.memref_squeeze %dma_wait3A_153 : memref<1x1x128xi32, #tpu.memory_space<hbm>> -> memref<1x128xi32, #tpu.memory_space<hbm>>
        %dma_wait3A_155 = arith.constant 156 : i32
        %dma_wait3A_156 = arith.constant 0 : i32
        %dma_wait3A_157 = tpu.memref_slice %arg5[%dma_wait3A_155, %dma_wait3A_156] : memref<157x128xi32, #tpu.memory_space<vmem>> -> memref<1x128xi32, #tpu.memory_space<vmem>>
        %dma_wait3A_158 = arith.constant 0 : i32
        %dma_wait3A_159 = tpu.memref_slice %arg2[%run_scoped3A_132, %add3A_131, %dma_wait3A_158] : memref<2x2500x128xi32, #tpu.memory_space<hbm>> -> memref<1x1x128xi32, #tpu.memory_space<hbm>>
        %dma_wait3A_160 = tpu.memref_squeeze %dma_wait3A_159 : memref<1x1x128xi32, #tpu.memory_space<hbm>> -> memref<1x128xi32, #tpu.memory_space<hbm>>
        tpu.wait_dma2 semaphore(%run_scoped3A_136 : memref<!tpu.dma_semaphore, #tpu.memory_space<semaphore_mem>>) src(%dma_wait3A_160 : memref<1x128xi32, #tpu.memory_space<hbm>>) dst(%dma_wait3A_157 : memref<1x128xi32, #tpu.memory_space<vmem>>)
        tpu.yield
      }) : () -> ()
      %add3A_133 = arith.constant 2496 : i32
      %add3A_134 = arith.addi %add3A_133, %arg1 : i32
      %run_scoped3A_135 = arith.constant 1 : i32
      "tpu.region"() ({
        %run_scoped3A_136 = tpu.sem_alloc : memref<!tpu.dma_semaphore, #tpu.memory_space<semaphore_mem>>
        %dma_start3A_137 = arith.constant 156 : i32
        %dma_start3A_138 = arith.constant 0 : i32
        %dma_start3A_139 = tpu.memref_slice %arg6[%dma_start3A_137, %dma_start3A_138] : memref<157x128xi32, #tpu.memory_space<vmem>> -> memref<1x128xi32, #tpu.memory_space<vmem>>
        %dma_start3A_140 = arith.constant 0 : i32
        %dma_start3A_141 = tpu.memref_slice %arg2[%run_scoped3A_135, %add3A_134, %dma_start3A_140] : memref<2x2500x128xi32, #tpu.memory_space<hbm>> -> memref<1x1x128xi32, #tpu.memory_space<hbm>>
        %dma_start3A_142 = tpu.memref_squeeze %dma_start3A_141 : memref<1x1x128xi32, #tpu.memory_space<hbm>> -> memref<1x128xi32, #tpu.memory_space<hbm>>
        %dma_start3A_143 = arith.constant 156 : i32
        %dma_start3A_144 = arith.constant 0 : i32
        %dma_start3A_145 = tpu.memref_slice %arg6[%dma_start3A_143, %dma_start3A_144] : memref<157x128xi32, #tpu.memory_space<vmem>> -> memref<1x128xi32, #tpu.memory_space<vmem>>
        %dma_start3A_146 = arith.constant 0 : i32
        %dma_start3A_147 = tpu.memref_slice %arg2[%run_scoped3A_135, %add3A_134, %dma_start3A_146] : memref<2x2500x128xi32, #tpu.memory_space<hbm>> -> memref<1x1x128xi32, #tpu.memory_space<hbm>>
        %dma_start3A_148 = tpu.memref_squeeze %dma_start3A_147 : memref<1x1x128xi32, #tpu.memory_space<hbm>> -> memref<1x128xi32, #tpu.memory_space<hbm>>
        tpu.enqueue_dma source(%dma_start3A_148 : memref<1x128xi32, #tpu.memory_space<hbm>>) target(%dma_start3A_145 : memref<1x128xi32, #tpu.memory_space<vmem>>) target_semaphore(%run_scoped3A_136 : memref<!tpu.dma_semaphore, #tpu.memory_space<semaphore_mem>>)
        %dma_wait3A_149 = arith.constant 156 : i32
        %dma_wait3A_150 = arith.constant 0 : i32
        %dma_wait3A_151 = tpu.memref_slice %arg6[%dma_wait3A_149, %dma_wait3A_150] : memref<157x128xi32, #tpu.memory_space<vmem>> -> memref<1x128xi32, #tpu.memory_space<vmem>>
        %dma_wait3A_152 = arith.constant 0 : i32
        %dma_wait3A_153 = tpu.memref_slice %arg2[%run_scoped3A_135, %add3A_134, %dma_wait3A_152] : memref<2x2500x128xi32, #tpu.memory_space<hbm>> -> memref<1x1x128xi32, #tpu.memory_space<hbm>>
        %dma_wait3A_154 = tpu.memref_squeeze %dma_wait3A_153 : memref<1x1x128xi32, #tpu.memory_space<hbm>> -> memref<1x128xi32, #tpu.memory_space<hbm>>
        %dma_wait3A_155 = arith.constant 156 : i32
        %dma_wait3A_156 = arith.constant 0 : i32
        %dma_wait3A_157 = tpu.memref_slice %arg6[%dma_wait3A_155, %dma_wait3A_156] : memref<157x128xi32, #tpu.memory_space<vmem>> -> memref<1x128xi32, #tpu.memory_space<vmem>>
        %dma_wait3A_158 = arith.constant 0 : i32
        %dma_wait3A_159 = tpu.memref_slice %arg2[%run_scoped3A_135, %add3A_134, %dma_wait3A_158] : memref<2x2500x128xi32, #tpu.memory_space<hbm>> -> memref<1x1x128xi32, #tpu.memory_space<hbm>>
        %dma_wait3A_160 = tpu.memref_squeeze %dma_wait3A_159 : memref<1x1x128xi32, #tpu.memory_space<hbm>> -> memref<1x128xi32, #tpu.memory_space<hbm>>
        tpu.wait_dma2 semaphore(%run_scoped3A_136 : memref<!tpu.dma_semaphore, #tpu.memory_space<semaphore_mem>>) src(%dma_wait3A_160 : memref<1x128xi32, #tpu.memory_space<hbm>>) dst(%dma_wait3A_157 : memref<1x128xi32, #tpu.memory_space<vmem>>)
        tpu.yield
      }) : () -> ()
    } else {
    }
    %barrier3A = arith.constant 0 : index
    tpu.barrier barrier_id(%barrier3A)
    %dma_start3A = arith.constant 0 : i32
    %dma_start3A_104 = arith.constant 0 : i32
    %dma_start3A_105 = tpu.memref_slice %arg5[%dma_start3A, %dma_start3A_104] : memref<157x128xi32, #tpu.memory_space<vmem>> -> memref<1x128xi32, #tpu.memory_space<vmem>>
    %dma_start3A_106 = tpu.memref_squeeze %dma_start3A_105 : memref<1x128xi32, #tpu.memory_space<vmem>> -> memref<128xi32, #tpu.memory_space<vmem>>
    %dma_start3A_107 = arith.constant 0 : i32
    %dma_start3A_108 = arith.constant 0 : i32
    %dma_start3A_109 = tpu.memref_slice %arg11[%dma_start3A_107, %dma_start3A_108] : memref<10112x32xf32, #tpu.memory_space<vmem_shared>> -> memref<10112x32xf32, #tpu.memory_space<vmem_shared>>
    tpu.enqueue_indirect_dma source(%dma_start3A_109 : memref<10112x32xf32, #tpu.memory_space<vmem_shared>>) target(%arg7 : memref<128x32xf32, #tpu.memory_space<vmem>>) offsets(%dma_start3A_106 : memref<128xi32, #tpu.memory_space<vmem>>) semaphore(%arg12 : memref<!tpu.dma_semaphore, #tpu.memory_space<semaphore_mem>>)
    %scan3A_110 = arith.constant 0 : i32
    %scan3A_111 = arith.constant 78 : i32
    %scan3A_112 = arith.addi %scan3A_110, %scan3A_111 : i32
    %scan3A_113 = arith.constant 1 : i32
    scf.for %scan3A_131 = %scan3A_110 to %scan3A_112 step %scan3A_113  : i32 {
      %mul3A_132 = arith.constant 2 : i32
      %mul3A_133 = arith.muli %mul3A_132, %scan3A_131 : i32
      %add3A = arith.constant 0 : i32
      %add3A_134 = arith.addi %mul3A_133, %add3A : i32
      %gt3A = arith.constant 0 : i32
      %gt3A_135 = arith.cmpi sgt, %add3A_134, %gt3A : i32
      %convert_element_type3A_136 = arith.extui %gt3A_135 : i1 to i32
      %cond3A_137 = arith.constant 0 : i32
      %cond3A_138 = arith.cmpi ne, %convert_element_type3A_136, %cond3A_137 : i32
      scf.if %cond3A_138 {
        %sub3A_189 = arith.constant 1 : i32
        %sub3A_190 = arith.subi %add3A_134, %sub3A_189 : i32
        %dma_wait3A_191 = arith.constant 0 : i32
        %dma_wait3A_192 = tpu.memref_slice %arg6[%sub3A_190, %dma_wait3A_191] : memref<157x128xi32, #tpu.memory_space<vmem>> -> memref<1x128xi32, #tpu.memory_space<vmem>>
        %dma_wait3A_193 = tpu.memref_squeeze %dma_wait3A_192 : memref<1x128xi32, #tpu.memory_space<vmem>> -> memref<128xi32, #tpu.memory_space<vmem>>
        %dma_wait3A_194 = arith.constant 0 : i32
        %dma_wait3A_195 = arith.constant 0 : i32
        %dma_wait3A_196 = tpu.memref_slice %arg10[%dma_wait3A_194, %dma_wait3A_195] : memref<10112x32xf32, #tpu.memory_space<vmem_shared>> -> memref<10112x32xf32, #tpu.memory_space<vmem_shared>>
        tpu.wait_indirect_dma semaphore(%arg15 : memref<!tpu.dma_semaphore, #tpu.memory_space<semaphore_mem>>) src(%arg8 : memref<128x32xf32, #tpu.memory_space<vmem>>) dst(%dma_wait3A_196 : memref<10112x32xf32, #tpu.memory_space<vmem_shared>>)
      } else {
      }
      %add3A_139 = arith.constant 1 : i32
      %add3A_140 = arith.addi %add3A_134, %add3A_139 : i32
      %dma_start3A_141 = arith.constant 0 : i32
      %dma_start3A_142 = tpu.memref_slice %arg5[%add3A_140, %dma_start3A_141] : memref<157x128xi32, #tpu.memory_space<vmem>> -> memref<1x128xi32, #tpu.memory_space<vmem>>
      %dma_start3A_143 = tpu.memref_squeeze %dma_start3A_142 : memref<1x128xi32, #tpu.memory_space<vmem>> -> memref<128xi32, #tpu.memory_space<vmem>>
      %dma_start3A_144 = arith.constant 0 : i32
      %dma_start3A_145 = arith.constant 0 : i32
      %dma_start3A_146 = tpu.memref_slice %arg11[%dma_start3A_144, %dma_start3A_145] : memref<10112x32xf32, #tpu.memory_space<vmem_shared>> -> memref<10112x32xf32, #tpu.memory_space<vmem_shared>>
      tpu.enqueue_indirect_dma source(%dma_start3A_146 : memref<10112x32xf32, #tpu.memory_space<vmem_shared>>) target(%arg8 : memref<128x32xf32, #tpu.memory_space<vmem>>) offsets(%dma_start3A_143 : memref<128xi32, #tpu.memory_space<vmem>>) semaphore(%arg13 : memref<!tpu.dma_semaphore, #tpu.memory_space<semaphore_mem>>)
      %dma_wait3A_147 = arith.constant 0 : i32
      %dma_wait3A_148 = tpu.memref_slice %arg5[%add3A_134, %dma_wait3A_147] : memref<157x128xi32, #tpu.memory_space<vmem>> -> memref<1x128xi32, #tpu.memory_space<vmem>>
      %dma_wait3A_149 = tpu.memref_squeeze %dma_wait3A_148 : memref<1x128xi32, #tpu.memory_space<vmem>> -> memref<128xi32, #tpu.memory_space<vmem>>
      %dma_wait3A_150 = arith.constant 0 : i32
      %dma_wait3A_151 = arith.constant 0 : i32
      %dma_wait3A_152 = tpu.memref_slice %arg11[%dma_wait3A_150, %dma_wait3A_151] : memref<10112x32xf32, #tpu.memory_space<vmem_shared>> -> memref<10112x32xf32, #tpu.memory_space<vmem_shared>>
      tpu.wait_indirect_dma semaphore(%arg12 : memref<!tpu.dma_semaphore, #tpu.memory_space<semaphore_mem>>) src(%dma_wait3A_152 : memref<10112x32xf32, #tpu.memory_space<vmem_shared>>) dst(%arg7 : memref<128x32xf32, #tpu.memory_space<vmem>>)
      %dma_start3A_153 = arith.constant 0 : i32
      %dma_start3A_154 = tpu.memref_slice %arg6[%add3A_134, %dma_start3A_153] : memref<157x128xi32, #tpu.memory_space<vmem>> -> memref<1x128xi32, #tpu.memory_space<vmem>>
      %dma_start3A_155 = tpu.memref_squeeze %dma_start3A_154 : memref<1x128xi32, #tpu.memory_space<vmem>> -> memref<128xi32, #tpu.memory_space<vmem>>
      %dma_start3A_156 = arith.constant 0 : i32
      %dma_start3A_157 = arith.constant 0 : i32
      %dma_start3A_158 = tpu.memref_slice %arg10[%dma_start3A_156, %dma_start3A_157] : memref<10112x32xf32, #tpu.memory_space<vmem_shared>> -> memref<10112x32xf32, #tpu.memory_space<vmem_shared>>
      tpu.enqueue_indirect_dma source(%arg7 : memref<128x32xf32, #tpu.memory_space<vmem>>) target(%dma_start3A_158 : memref<10112x32xf32, #tpu.memory_space<vmem_shared>>) offsets(%dma_start3A_155 : memref<128xi32, #tpu.memory_space<vmem>>) semaphore(%arg14 : memref<!tpu.dma_semaphore, #tpu.memory_space<semaphore_mem>>) {add = true}
      %mul3A_159 = arith.constant 2 : i32
      %mul3A_160 = arith.muli %mul3A_159, %scan3A_131 : i32
      %add3A_161 = arith.constant 1 : i32
      %add3A_162 = arith.addi %mul3A_160, %add3A_161 : i32
      %sub3A = arith.constant 1 : i32
      %sub3A_163 = arith.subi %add3A_162, %sub3A : i32
      %dma_wait3A_164 = arith.constant 0 : i32
      %dma_wait3A_165 = tpu.memref_slice %arg6[%sub3A_163, %dma_wait3A_164] : memref<157x128xi32, #tpu.memory_space<vmem>> -> memref<1x128xi32, #tpu.memory_space<vmem>>
      %dma_wait3A_166 = tpu.memref_squeeze %dma_wait3A_165 : memref<1x128xi32, #tpu.memory_space<vmem>> -> memref<128xi32, #tpu.memory_space<vmem>>
      %dma_wait3A_167 = arith.constant 0 : i32
      %dma_wait3A_168 = arith.constant 0 : i32
      %dma_wait3A_169 = tpu.memref_slice %arg10[%dma_wait3A_167, %dma_wait3A_168] : memref<10112x32xf32, #tpu.memory_space<vmem_shared>> -> memref<10112x32xf32, #tpu.memory_space<vmem_shared>>
      tpu.wait_indirect_dma semaphore(%arg14 : memref<!tpu.dma_semaphore, #tpu.memory_space<semaphore_mem>>) src(%arg7 : memref<128x32xf32, #tpu.memory_space<vmem>>) dst(%dma_wait3A_169 : memref<10112x32xf32, #tpu.memory_space<vmem_shared>>)
      %add3A_170 = arith.constant 1 : i32
      %add3A_171 = arith.addi %add3A_162, %add3A_170 : i32
      %lt3A_172 = arith.constant 156 : i32
      %lt3A_173 = arith.cmpi slt, %add3A_171, %lt3A_172 : i32
      %convert_element_type3A_174 = arith.extui %lt3A_173 : i1 to i32
      %cond3A_175 = arith.constant 0 : i32
      %cond3A_176 = arith.cmpi ne, %convert_element_type3A_174, %cond3A_175 : i32
      scf.if %cond3A_176 {
        %add3A_189 = arith.constant 1 : i32
        %add3A_190 = arith.addi %add3A_162, %add3A_189 : i32
        %dma_start3A_191 = arith.constant 0 : i32
        %dma_start3A_192 = tpu.memref_slice %arg5[%add3A_190, %dma_start3A_191] : memref<157x128xi32, #tpu.memory_space<vmem>> -> memref<1x128xi32, #tpu.memory_space<vmem>>
        %dma_start3A_193 = tpu.memref_squeeze %dma_start3A_192 : memref<1x128xi32, #tpu.memory_space<vmem>> -> memref<128xi32, #tpu.memory_space<vmem>>
        %dma_start3A_194 = arith.constant 0 : i32
        %dma_start3A_195 = arith.constant 0 : i32
        %dma_start3A_196 = tpu.memref_slice %arg11[%dma_start3A_194, %dma_start3A_195] : memref<10112x32xf32, #tpu.memory_space<vmem_shared>> -> memref<10112x32xf32, #tpu.memory_space<vmem_shared>>
        tpu.enqueue_indirect_dma source(%dma_start3A_196 : memref<10112x32xf32, #tpu.memory_space<vmem_shared>>) target(%arg7 : memref<128x32xf32, #tpu.memory_space<vmem>>) offsets(%dma_start3A_193 : memref<128xi32, #tpu.memory_space<vmem>>) semaphore(%arg12 : memref<!tpu.dma_semaphore, #tpu.memory_space<semaphore_mem>>)
      } else {
      }
      %dma_wait3A_177 = arith.constant 0 : i32
      %dma_wait3A_178 = tpu.memref_slice %arg5[%add3A_162, %dma_wait3A_177] : memref<157x128xi32, #tpu.memory_space<vmem>> -> memref<1x128xi32, #tpu.memory_space<vmem>>
      %dma_wait3A_179 = tpu.memref_squeeze %dma_wait3A_178 : memref<1x128xi32, #tpu.memory_space<vmem>> -> memref<128xi32, #tpu.memory_space<vmem>>
      %dma_wait3A_180 = arith.constant 0 : i32
      %dma_wait3A_181 = arith.constant 0 : i32
      %dma_wait3A_182 = tpu.memref_slice %arg11[%dma_wait3A_180, %dma_wait3A_181] : memref<10112x32xf32, #tpu.memory_space<vmem_shared>> -> memref<10112x32xf32, #tpu.memory_space<vmem_shared>>
      tpu.wait_indirect_dma semaphore(%arg13 : memref<!tpu.dma_semaphore, #tpu.memory_space<semaphore_mem>>) src(%dma_wait3A_182 : memref<10112x32xf32, #tpu.memory_space<vmem_shared>>) dst(%arg8 : memref<128x32xf32, #tpu.memory_space<vmem>>)
      %dma_start3A_183 = arith.constant 0 : i32
      %dma_start3A_184 = tpu.memref_slice %arg6[%add3A_162, %dma_start3A_183] : memref<157x128xi32, #tpu.memory_space<vmem>> -> memref<1x128xi32, #tpu.memory_space<vmem>>
      %dma_start3A_185 = tpu.memref_squeeze %dma_start3A_184 : memref<1x128xi32, #tpu.memory_space<vmem>> -> memref<128xi32, #tpu.memory_space<vmem>>
      %dma_start3A_186 = arith.constant 0 : i32
      %dma_start3A_187 = arith.constant 0 : i32
      %dma_start3A_188 = tpu.memref_slice %arg10[%dma_start3A_186, %dma_start3A_187] : memref<10112x32xf32, #tpu.memory_space<vmem_shared>> -> memref<10112x32xf32, #tpu.memory_space<vmem_shared>>
      tpu.enqueue_indirect_dma source(%arg8 : memref<128x32xf32, #tpu.memory_space<vmem>>) target(%dma_start3A_188 : memref<10112x32xf32, #tpu.memory_space<vmem_shared>>) offsets(%dma_start3A_185 : memref<128xi32, #tpu.memory_space<vmem>>) semaphore(%arg15 : memref<!tpu.dma_semaphore, #tpu.memory_space<semaphore_mem>>) {add = true}
    }
    %scan3A_114 = arith.constant 78 : i32
    %dma_wait3A = arith.constant 155 : i32
    %dma_wait3A_115 = arith.constant 0 : i32
    %dma_wait3A_116 = tpu.memref_slice %arg6[%dma_wait3A, %dma_wait3A_115] : memref<157x128xi32, #tpu.memory_space<vmem>> -> memref<1x128xi32, #tpu.memory_space<vmem>>
    %dma_wait3A_117 = tpu.memref_squeeze %dma_wait3A_116 : memref<1x128xi32, #tpu.memory_space<vmem>> -> memref<128xi32, #tpu.memory_space<vmem>>
    %dma_wait3A_118 = arith.constant 0 : i32
    %dma_wait3A_119 = arith.constant 0 : i32
    %dma_wait3A_120 = tpu.memref_slice %arg10[%dma_wait3A_118, %dma_wait3A_119] : memref<10112x32xf32, #tpu.memory_space<vmem_shared>> -> memref<10112x32xf32, #tpu.memory_space<vmem_shared>>
    tpu.wait_indirect_dma semaphore(%arg15 : memref<!tpu.dma_semaphore, #tpu.memory_space<semaphore_mem>>) src(%arg8 : memref<128x32xf32, #tpu.memory_space<vmem>>) dst(%dma_wait3A_120 : memref<10112x32xf32, #tpu.memory_space<vmem_shared>>)
    %lt3A_121 = arith.constant 4 : i32
    %lt3A_122 = arith.cmpi slt, %arg1, %lt3A_121 : i32
    %convert_element_type3A_123 = arith.extui %lt3A_122 : i1 to i32
    %cond3A_124 = arith.constant 0 : i32
    %cond3A_125 = arith.cmpi ne, %convert_element_type3A_123, %cond3A_124 : i32
    scf.if %cond3A_125 {
      %dma_start3A_131 = arith.constant 156 : i32
      %dma_start3A_132 = arith.constant 0 : i32
      %dma_start3A_133 = tpu.memref_slice %arg5[%dma_start3A_131, %dma_start3A_132] : memref<157x128xi32, #tpu.memory_space<vmem>> -> memref<1x128xi32, #tpu.memory_space<vmem>>
      %dma_start3A_134 = tpu.memref_squeeze %dma_start3A_133 : memref<1x128xi32, #tpu.memory_space<vmem>> -> memref<128xi32, #tpu.memory_space<vmem>>
      %dma_start3A_135 = arith.constant 0 : i32
      %dma_start3A_136 = arith.constant 0 : i32
      %dma_start3A_137 = tpu.memref_slice %arg11[%dma_start3A_135, %dma_start3A_136] : memref<10112x32xf32, #tpu.memory_space<vmem_shared>> -> memref<10112x32xf32, #tpu.memory_space<vmem_shared>>
      tpu.enqueue_indirect_dma source(%dma_start3A_137 : memref<10112x32xf32, #tpu.memory_space<vmem_shared>>) target(%arg8 : memref<128x32xf32, #tpu.memory_space<vmem>>) offsets(%dma_start3A_134 : memref<128xi32, #tpu.memory_space<vmem>>) semaphore(%arg13 : memref<!tpu.dma_semaphore, #tpu.memory_space<semaphore_mem>>)
      %dma_wait3A_138 = arith.constant 156 : i32
      %dma_wait3A_139 = arith.constant 0 : i32
      %dma_wait3A_140 = tpu.memref_slice %arg5[%dma_wait3A_138, %dma_wait3A_139] : memref<157x128xi32, #tpu.memory_space<vmem>> -> memref<1x128xi32, #tpu.memory_space<vmem>>
      %dma_wait3A_141 = tpu.memref_squeeze %dma_wait3A_140 : memref<1x128xi32, #tpu.memory_space<vmem>> -> memref<128xi32, #tpu.memory_space<vmem>>
      %dma_wait3A_142 = arith.constant 0 : i32
      %dma_wait3A_143 = arith.constant 0 : i32
      %dma_wait3A_144 = tpu.memref_slice %arg11[%dma_wait3A_142, %dma_wait3A_143] : memref<10112x32xf32, #tpu.memory_space<vmem_shared>> -> memref<10112x32xf32, #tpu.memory_space<vmem_shared>>
      tpu.wait_indirect_dma semaphore(%arg13 : memref<!tpu.dma_semaphore, #tpu.memory_space<semaphore_mem>>) src(%dma_wait3A_144 : memref<10112x32xf32, #tpu.memory_space<vmem_shared>>) dst(%arg8 : memref<128x32xf32, #tpu.memory_space<vmem>>)
      %run_scoped3A_145 = arith.constant 156 : i32
      "tpu.region"() ({
        %run_scoped3A_146 = tpu.sem_alloc : memref<!tpu.dma_semaphore, #tpu.memory_space<semaphore_mem>>
        %dma_start3A_147 = arith.constant 0 : i32
        %dma_start3A_148 = tpu.memref_slice %arg6[%run_scoped3A_145, %dma_start3A_147] : memref<157x128xi32, #tpu.memory_space<vmem>> -> memref<1x128xi32, #tpu.memory_space<vmem>>
        %dma_start3A_149 = tpu.memref_squeeze %dma_start3A_148 : memref<1x128xi32, #tpu.memory_space<vmem>> -> memref<128xi32, #tpu.memory_space<vmem>>
        %dma_start3A_150 = arith.constant 0 : i32
        %dma_start3A_151 = arith.constant 0 : i32
        %dma_start3A_152 = tpu.memref_slice %arg10[%dma_start3A_150, %dma_start3A_151] : memref<10112x32xf32, #tpu.memory_space<vmem_shared>> -> memref<10112x32xf32, #tpu.memory_space<vmem_shared>>
        tpu.enqueue_indirect_dma source(%arg8 : memref<128x32xf32, #tpu.memory_space<vmem>>) target(%dma_start3A_152 : memref<10112x32xf32, #tpu.memory_space<vmem_shared>>) offsets(%dma_start3A_149 : memref<128xi32, #tpu.memory_space<vmem>>) semaphore(%run_scoped3A_146 : memref<!tpu.dma_semaphore, #tpu.memory_space<semaphore_mem>>) {add = true}
        %dma_wait3A_153 = arith.constant 0 : i32
        %dma_wait3A_154 = tpu.memref_slice %arg6[%run_scoped3A_145, %dma_wait3A_153] : memref<157x128xi32, #tpu.memory_space<vmem>> -> memref<1x128xi32, #tpu.memory_space<vmem>>
        %dma_wait3A_155 = tpu.memref_squeeze %dma_wait3A_154 : memref<1x128xi32, #tpu.memory_space<vmem>> -> memref<128xi32, #tpu.memory_space<vmem>>
        %dma_wait3A_156 = arith.constant 0 : i32
        %dma_wait3A_157 = arith.constant 0 : i32
        %dma_wait3A_158 = tpu.memref_slice %arg10[%dma_wait3A_156, %dma_wait3A_157] : memref<10112x32xf32, #tpu.memory_space<vmem_shared>> -> memref<10112x32xf32, #tpu.memory_space<vmem_shared>>
        tpu.wait_indirect_dma semaphore(%run_scoped3A_146 : memref<!tpu.dma_semaphore, #tpu.memory_space<semaphore_mem>>) src(%arg8 : memref<128x32xf32, #tpu.memory_space<vmem>>) dst(%dma_wait3A_158 : memref<10112x32xf32, #tpu.memory_space<vmem_shared>>)
        tpu.yield
      }) : () -> ()
    } else {
    }
    %barrier3A_126 = arith.constant 0 : index
    tpu.barrier barrier_id(%barrier3A_126)
    %mul3A_127 = arith.constant 632 : i32
    %mul3A_128 = arith.muli %arg1, %mul3A_127 : i32
    %mul3A_129 = arith.constant 632 : i32
    %mul3A_130 = arith.muli %arg1, %mul3A_129 : i32
    "tpu.region"() ({
      %run_scoped3A_131 = tpu.sem_alloc : memref<!tpu.dma_semaphore, #tpu.memory_space<semaphore_mem>>
      %dma_start3A_132 = arith.constant 0 : i32
      %dma_start3A_133 = tpu.memref_slice %arg4[%arg0, %mul3A_130, %dma_start3A_132] : memref<2x10112x32xf32, #tpu.memory_space<hbm>> -> memref<1x632x32xf32, #tpu.memory_space<hbm>>
      %dma_start3A_134 = tpu.memref_squeeze %dma_start3A_133 : memref<1x632x32xf32, #tpu.memory_space<hbm>> -> memref<632x32xf32, #tpu.memory_space<hbm>>
      %dma_start3A_135 = arith.constant 0 : i32
      %dma_start3A_136 = tpu.memref_slice %arg10[%mul3A_128, %dma_start3A_135] : memref<10112x32xf32, #tpu.memory_space<vmem_shared>> -> memref<632x32xf32, #tpu.memory_space<vmem_shared>>
      tpu.enqueue_dma source(%dma_start3A_136 : memref<632x32xf32, #tpu.memory_space<vmem_shared>>) target(%dma_start3A_134 : memref<632x32xf32, #tpu.memory_space<hbm>>) target_semaphore(%run_scoped3A_131 : memref<!tpu.dma_semaphore, #tpu.memory_space<semaphore_mem>>)
      %dma_wait3A_137 = arith.constant 0 : i32
      %dma_wait3A_138 = tpu.memref_slice %arg4[%arg0, %mul3A_130, %dma_wait3A_137] : memref<2x10112x32xf32, #tpu.memory_space<hbm>> -> memref<1x632x32xf32, #tpu.memory_space<hbm>>
      %dma_wait3A_139 = tpu.memref_squeeze %dma_wait3A_138 : memref<1x632x32xf32, #tpu.memory_space<hbm>> -> memref<632x32xf32, #tpu.memory_space<hbm>>
      %dma_wait3A_140 = arith.constant 0 : i32
      %dma_wait3A_141 = tpu.memref_slice %arg10[%mul3A_128, %dma_wait3A_140] : memref<10112x32xf32, #tpu.memory_space<vmem_shared>> -> memref<632x32xf32, #tpu.memory_space<vmem_shared>>
      tpu.wait_dma2 semaphore(%run_scoped3A_131 : memref<!tpu.dma_semaphore, #tpu.memory_space<semaphore_mem>>) src(%dma_wait3A_141 : memref<632x32xf32, #tpu.memory_space<vmem_shared>>) dst(%dma_wait3A_139 : memref<632x32xf32, #tpu.memory_space<hbm>>)
      tpu.yield
    }) : () -> ()
    return
  }
}

module attributes {stable_mosaic.version = 14 : i64} {
  func.func @_tc1_body(%arg0: memref<10000x64xf32, #tpu.memory_space<vmem>>, %arg1: memref<20224xf32, #tpu.memory_space<vmem>>, %arg2: memref<2x10112x32xf32, #tpu.memory_space<vmem>>, %arg3: memref<10000x1xf32, #tpu.memory_space<vmem>>) attributes {dimension_semantics = [], scalar_prefetch = 0 : i64, scratch_operands = 0 : i64, tpu.core_type = #tpu.core_type<tc>} {
    %get3A = arith.constant 0 : index
    %get3A_0 = vector.load %arg1[%get3A] : memref<20224xf32, #tpu.memory_space<vmem>>, vector<10000xf32>
    %get3A_1 = arith.constant 10112 : index
    %get3A_2 = vector.load %arg1[%get3A_1] : memref<20224xf32, #tpu.memory_space<vmem>>, vector<10000xf32>
    %add3A = arith.addf %get3A_0, %get3A_2 : vector<10000xf32>
    %add3A_3 = arith.constant 1.000000e+00 : f32
    %add3A_4 = vector.broadcast %add3A_3 : f32 to vector<10000xf32>
    %add3A_5 = arith.addf %add3A, %add3A_4 : vector<10000xf32>
    %rsqrt3A = math.rsqrt %add3A_5 : vector<10000xf32>
    %get3A_6 = arith.constant 0 : index
    %get3A_7 = arith.constant 0 : index
    %get3A_8 = vector.load %arg0[%get3A_6, %get3A_7] : memref<10000x64xf32, #tpu.memory_space<vmem>>, vector<10000x64xf32>
    %broadcast_in_dim3A = vector.shape_cast %rsqrt3A : vector<10000xf32> to vector<10000x1xf32>
    %mul3A = vector.broadcast %broadcast_in_dim3A : vector<10000x1xf32> to vector<10000x64xf32>
    %mul3A_9 = arith.mulf %get3A_8, %mul3A : vector<10000x64xf32>
    %slice3A = vector.extract_strided_slice %mul3A_9 {offsets = [0, 0], sizes = [10000, 32], strides = [1, 1]} : vector<10000x64xf32> to vector<10000x32xf32>
    %swap3A = arith.constant 0 : index
    %swap3A_10 = arith.constant 0 : index
    %swap3A_11 = arith.constant 0 : index
    %swap3A_12 = vector.load %arg2[%swap3A, %swap3A_10, %swap3A_11] : memref<2x10112x32xf32, #tpu.memory_space<vmem>>, vector<1x10000x32xf32>
    %swap3A_13 = vector.shape_cast %swap3A_12 : vector<1x10000x32xf32> to vector<10000x32xf32>
    %swap3A_14 = vector.shape_cast %slice3A : vector<10000x32xf32> to vector<1x10000x32xf32>
    tpu.vector_store %arg2[%swap3A, %swap3A_10, %swap3A_11], %swap3A_14 {strides = array<i32>} : memref<2x10112x32xf32, #tpu.memory_space<vmem>>, vector<1x10000x32xf32>,
    %slice3A_15 = vector.extract_strided_slice %mul3A_9 {offsets = [0, 32], sizes = [10000, 32], strides = [1, 1]} : vector<10000x64xf32> to vector<10000x32xf32>
    %swap3A_16 = arith.constant 1 : index
    %swap3A_17 = arith.constant 0 : index
    %swap3A_18 = arith.constant 0 : index
    %swap3A_19 = vector.load %arg2[%swap3A_16, %swap3A_17, %swap3A_18] : memref<2x10112x32xf32, #tpu.memory_space<vmem>>, vector<1x10000x32xf32>
    %swap3A_20 = vector.shape_cast %swap3A_19 : vector<1x10000x32xf32> to vector<10000x32xf32>
    %swap3A_21 = vector.shape_cast %slice3A_15 : vector<10000x32xf32> to vector<1x10000x32xf32>
    tpu.vector_store %arg2[%swap3A_16, %swap3A_17, %swap3A_18], %swap3A_21 {strides = array<i32>} : memref<2x10112x32xf32, #tpu.memory_space<vmem>>, vector<1x10000x32xf32>,
    %broadcast_in_dim3A_22 = arith.constant 0.000000e+00 : f32
    %broadcast_in_dim3A_23 = vector.broadcast %broadcast_in_dim3A_22 : f32 to vector<112x32xf32>
    %swap3A_24 = arith.constant 0 : index
    %swap3A_25 = arith.constant 10000 : index
    %swap3A_26 = arith.constant 0 : index
    %swap3A_27 = vector.load %arg2[%swap3A_24, %swap3A_25, %swap3A_26] : memref<2x10112x32xf32, #tpu.memory_space<vmem>>, vector<1x112x32xf32>
    %swap3A_28 = vector.shape_cast %swap3A_27 : vector<1x112x32xf32> to vector<112x32xf32>
    %swap3A_29 = vector.shape_cast %broadcast_in_dim3A_23 : vector<112x32xf32> to vector<1x112x32xf32>
    tpu.vector_store %arg2[%swap3A_24, %swap3A_25, %swap3A_26], %swap3A_29 {strides = array<i32>} : memref<2x10112x32xf32, #tpu.memory_space<vmem>>, vector<1x112x32xf32>,
    %broadcast_in_dim3A_30 = arith.constant 0.000000e+00 : f32
    %broadcast_in_dim3A_31 = vector.broadcast %broadcast_in_dim3A_30 : f32 to vector<112x32xf32>
    %swap3A_32 = arith.constant 1 : index
    %swap3A_33 = arith.constant 10000 : index
    %swap3A_34 = arith.constant 0 : index
    %swap3A_35 = vector.load %arg2[%swap3A_32, %swap3A_33, %swap3A_34] : memref<2x10112x32xf32, #tpu.memory_space<vmem>>, vector<1x112x32xf32>
    %swap3A_36 = vector.shape_cast %swap3A_35 : vector<1x112x32xf32> to vector<112x32xf32>
    %swap3A_37 = vector.shape_cast %broadcast_in_dim3A_31 : vector<112x32xf32> to vector<1x112x32xf32>
    tpu.vector_store %arg2[%swap3A_32, %swap3A_33, %swap3A_34], %swap3A_37 {strides = array<i32>} : memref<2x10112x32xf32, #tpu.memory_space<vmem>>, vector<1x112x32xf32>,
    %broadcast_in_dim3A_38 = vector.shape_cast %rsqrt3A : vector<10000xf32> to vector<10000x1xf32>
    %swap3A_39 = arith.constant 0 : index
    %swap3A_40 = arith.constant 0 : index
    %swap3A_41 = vector.load %arg3[%swap3A_39, %swap3A_40] : memref<10000x1xf32, #tpu.memory_space<vmem>>, vector<10000x1xf32>
    tpu.vector_store %arg3[%swap3A_39, %swap3A_40], %broadcast_in_dim3A_38 {strides = array<i32>} : memref<10000x1xf32, #tpu.memory_space<vmem>>, vector<10000x1xf32>,
    return
  }
}

module attributes {stable_mosaic.version = 14 : i64} {
  func.func @_tc0_body(%arg0: memref<10000x128xf32, #tpu.memory_space<vmem>>, %arg1: memref<128x64xf32, #tpu.memory_space<vmem>>, %arg2: memref<10000x64xf32, #tpu.memory_space<vmem>>) attributes {dimension_semantics = [], scalar_prefetch = 0 : i64, scratch_operands = 0 : i64, tpu.core_type = #tpu.core_type<tc>} {
    %get3A = arith.constant 0 : index
    %get3A_0 = arith.constant 0 : index
    %get3A_1 = vector.load %arg0[%get3A, %get3A_0] : memref<10000x128xf32, #tpu.memory_space<vmem>>, vector<10000x128xf32>
    %get3A_2 = arith.constant 0 : index
    %get3A_3 = arith.constant 0 : index
    %get3A_4 = vector.load %arg1[%get3A_2, %get3A_3] : memref<128x64xf32, #tpu.memory_space<vmem>>, vector<128x64xf32>
    %dot_general3A = arith.constant dense<0.000000e+00> : vector<10000x64xf32>
    %dot_general3A_5 = tpu.matmul %get3A_1, %get3A_4, %dot_general3A {dimension_numbers = #tpu.dot_dimension_numbers<[1], [0], [0], [1], [0, 0, 1, 1], [], []>, transpose_lhs_hint = false} : vector<10000x128xf32>, vector<128x64xf32>, vector<10000x64xf32> -> vector<10000x64xf32>
    %swap3A = arith.constant 0 : index
    %swap3A_6 = arith.constant 0 : index
    %swap3A_7 = vector.load %arg2[%swap3A, %swap3A_6] : memref<10000x64xf32, #tpu.memory_space<vmem>>, vector<10000x64xf32>
    tpu.vector_store %arg2[%swap3A, %swap3A_6], %dot_general3A_5 {strides = array<i32>} : memref<10000x64xf32, #tpu.memory_space<vmem>>, vector<10000x64xf32>,
    return
  }
}

module attributes {stable_mosaic.version = 14 : i64} {
  func.func @_tc2_body(%arg0: memref<2x10112x32xf32, #tpu.memory_space<vmem>>, %arg1: memref<2x10112x32xf32, #tpu.memory_space<vmem>>, %arg2: memref<10000x1xf32, #tpu.memory_space<vmem>>, %arg3: memref<1x64xf32, #tpu.memory_space<vmem>>, %arg4: memref<64x64xf32, #tpu.memory_space<vmem>>, %arg5: memref<2x10112x32xf32, #tpu.memory_space<vmem>>) attributes {dimension_semantics = [], scalar_prefetch = 0 : i64, scratch_operands = 0 : i64, tpu.core_type = #tpu.core_type<tc>} {
    %get3A = arith.constant 0 : index
    %get3A_0 = arith.constant 0 : index
    %get3A_1 = vector.load %arg2[%get3A, %get3A_0] : memref<10000x1xf32, #tpu.memory_space<vmem>>, vector<10000x1xf32>
    %get3A_2 = arith.constant 0 : index
    %get3A_3 = arith.constant 0 : index
    %get3A_4 = arith.constant 0 : index
    %get3A_5 = vector.load %arg0[%get3A_2, %get3A_3, %get3A_4] : memref<2x10112x32xf32, #tpu.memory_space<vmem>>, vector<1x10000x32xf32>
    %get3A_6 = vector.shape_cast %get3A_5 : vector<1x10000x32xf32> to vector<10000x32xf32>
    %get3A_7 = arith.constant 1 : index
    %get3A_8 = arith.constant 0 : index
    %get3A_9 = arith.constant 0 : index
    %get3A_10 = vector.load %arg0[%get3A_7, %get3A_8, %get3A_9] : memref<2x10112x32xf32, #tpu.memory_space<vmem>>, vector<1x10000x32xf32>
    %get3A_11 = vector.shape_cast %get3A_10 : vector<1x10000x32xf32> to vector<10000x32xf32>
    %concatenate3A = tpu.concatenate %get3A_6, %get3A_11 in 1 : vector<10000x32xf32>, vector<10000x32xf32> -> vector<10000x64xf32>
    %get3A_12 = arith.constant 0 : index
    %get3A_13 = arith.constant 0 : index
    %get3A_14 = arith.constant 0 : index
    %get3A_15 = vector.load %arg1[%get3A_12, %get3A_13, %get3A_14] : memref<2x10112x32xf32, #tpu.memory_space<vmem>>, vector<1x10000x32xf32>
    %get3A_16 = vector.shape_cast %get3A_15 : vector<1x10000x32xf32> to vector<10000x32xf32>
    %get3A_17 = arith.constant 1 : index
    %get3A_18 = arith.constant 0 : index
    %get3A_19 = arith.constant 0 : index
    %get3A_20 = vector.load %arg1[%get3A_17, %get3A_18, %get3A_19] : memref<2x10112x32xf32, #tpu.memory_space<vmem>>, vector<1x10000x32xf32>
    %get3A_21 = vector.shape_cast %get3A_20 : vector<1x10000x32xf32> to vector<10000x32xf32>
    %concatenate3A_22 = tpu.concatenate %get3A_16, %get3A_21 in 1 : vector<10000x32xf32>, vector<10000x32xf32> -> vector<10000x64xf32>
    %add3A = arith.addf %concatenate3A, %concatenate3A_22 : vector<10000x64xf32>
    %mul3A = vector.broadcast %get3A_1 : vector<10000x1xf32> to vector<10000x64xf32>
    %mul3A_23 = arith.mulf %mul3A, %add3A : vector<10000x64xf32>
    %get3A_24 = arith.constant 0 : index
    %get3A_25 = arith.constant 0 : index
    %get3A_26 = vector.load %arg3[%get3A_24, %get3A_25] : memref<1x64xf32, #tpu.memory_space<vmem>>, vector<1x64xf32>
    %add3A_27 = vector.broadcast %get3A_26 : vector<1x64xf32> to vector<10000x64xf32>
    %add3A_28 = arith.addf %mul3A_23, %add3A_27 : vector<10000x64xf32>
    %max3A = arith.constant 0.000000e+00 : f32
    %max3A_29 = vector.broadcast %max3A : f32 to vector<10000x64xf32>
    %max3A_30 = arith.maximumf %add3A_28, %max3A_29 : vector<10000x64xf32>
    %get3A_31 = arith.constant 0 : index
    %get3A_32 = arith.constant 0 : index
    %get3A_33 = vector.load %arg4[%get3A_31, %get3A_32] : memref<64x64xf32, #tpu.memory_space<vmem>>, vector<64x64xf32>
    %dot_general3A = arith.constant dense<0.000000e+00> : vector<10000x64xf32>
    %dot_general3A_34 = tpu.matmul %max3A_30, %get3A_33, %dot_general3A {dimension_numbers = #tpu.dot_dimension_numbers<[1], [0], [0], [1], [0, 0, 1, 1], [], []>, transpose_lhs_hint = false} : vector<10000x64xf32>, vector<64x64xf32>, vector<10000x64xf32> -> vector<10000x64xf32>
    %mul3A_35 = vector.broadcast %get3A_1 : vector<10000x1xf32> to vector<10000x64xf32>
    %mul3A_36 = arith.mulf %dot_general3A_34, %mul3A_35 : vector<10000x64xf32>
    %slice3A = vector.extract_strided_slice %mul3A_36 {offsets = [0, 0], sizes = [10000, 32], strides = [1, 1]} : vector<10000x64xf32> to vector<10000x32xf32>
    %swap3A = arith.constant 0 : index
    %swap3A_37 = arith.constant 0 : index
    %swap3A_38 = arith.constant 0 : index
    %swap3A_39 = vector.load %arg5[%swap3A, %swap3A_37, %swap3A_38] : memref<2x10112x32xf32, #tpu.memory_space<vmem>>, vector<1x10000x32xf32>
    %swap3A_40 = vector.shape_cast %swap3A_39 : vector<1x10000x32xf32> to vector<10000x32xf32>
    %swap3A_41 = vector.shape_cast %slice3A : vector<10000x32xf32> to vector<1x10000x32xf32>
    tpu.vector_store %arg5[%swap3A, %swap3A_37, %swap3A_38], %swap3A_41 {strides = array<i32>} : memref<2x10112x32xf32, #tpu.memory_space<vmem>>, vector<1x10000x32xf32>,
    %slice3A_42 = vector.extract_strided_slice %mul3A_36 {offsets = [0, 32], sizes = [10000, 32], strides = [1, 1]} : vector<10000x64xf32> to vector<10000x32xf32>
    %swap3A_43 = arith.constant 1 : index
    %swap3A_44 = arith.constant 0 : index
    %swap3A_45 = arith.constant 0 : index
    %swap3A_46 = vector.load %arg5[%swap3A_43, %swap3A_44, %swap3A_45] : memref<2x10112x32xf32, #tpu.memory_space<vmem>>, vector<1x10000x32xf32>
    %swap3A_47 = vector.shape_cast %swap3A_46 : vector<1x10000x32xf32> to vector<10000x32xf32>
    %swap3A_48 = vector.shape_cast %slice3A_42 : vector<10000x32xf32> to vector<1x10000x32xf32>
    tpu.vector_store %arg5[%swap3A_43, %swap3A_44, %swap3A_45], %swap3A_48 {strides = array<i32>} : memref<2x10112x32xf32, #tpu.memory_space<vmem>>, vector<1x10000x32xf32>,
    %broadcast_in_dim3A = arith.constant 0.000000e+00 : f32
    %broadcast_in_dim3A_49 = vector.broadcast %broadcast_in_dim3A : f32 to vector<112x32xf32>
    %swap3A_50 = arith.constant 0 : index
    %swap3A_51 = arith.constant 10000 : index
    %swap3A_52 = arith.constant 0 : index
    %swap3A_53 = vector.load %arg5[%swap3A_50, %swap3A_51, %swap3A_52] : memref<2x10112x32xf32, #tpu.memory_space<vmem>>, vector<1x112x32xf32>
    %swap3A_54 = vector.shape_cast %swap3A_53 : vector<1x112x32xf32> to vector<112x32xf32>
    %swap3A_55 = vector.shape_cast %broadcast_in_dim3A_49 : vector<112x32xf32> to vector<1x112x32xf32>
    tpu.vector_store %arg5[%swap3A_50, %swap3A_51, %swap3A_52], %swap3A_55 {strides = array<i32>} : memref<2x10112x32xf32, #tpu.memory_space<vmem>>, vector<1x112x32xf32>,
    %broadcast_in_dim3A_56 = arith.constant 0.000000e+00 : f32
    %broadcast_in_dim3A_57 = vector.broadcast %broadcast_in_dim3A_56 : f32 to vector<112x32xf32>
    %swap3A_58 = arith.constant 1 : index
    %swap3A_59 = arith.constant 10000 : index
    %swap3A_60 = arith.constant 0 : index
    %swap3A_61 = vector.load %arg5[%swap3A_58, %swap3A_59, %swap3A_60] : memref<2x10112x32xf32, #tpu.memory_space<vmem>>, vector<1x112x32xf32>
    %swap3A_62 = vector.shape_cast %swap3A_61 : vector<1x112x32xf32> to vector<112x32xf32>
    %swap3A_63 = vector.shape_cast %broadcast_in_dim3A_57 : vector<112x32xf32> to vector<1x112x32xf32>
    tpu.vector_store %arg5[%swap3A_58, %swap3A_59, %swap3A_60], %swap3A_63 {strides = array<i32>} : memref<2x10112x32xf32, #tpu.memory_space<vmem>>, vector<1x112x32xf32>,
    return
  }
}

module attributes {stable_mosaic.version = 14 : i64} {
  func.func @_tc3_body(%arg0: memref<2x10112x32xf32, #tpu.memory_space<vmem>>, %arg1: memref<2x10112x32xf32, #tpu.memory_space<vmem>>, %arg2: memref<10000x1xf32, #tpu.memory_space<vmem>>, %arg3: memref<1x64xf32, #tpu.memory_space<vmem>>, %arg4: memref<10000x1xi32, #tpu.memory_space<vmem>>, %arg5: memref<64x32xf32, #tpu.memory_space<vmem>>, %arg6: memref<96x64xf32, #tpu.memory_space<vmem>>, %arg7: memref<1x64xf32, #tpu.memory_space<vmem>>, %arg8: memref<64x1xf32, #tpu.memory_space<vmem>>, %arg9: memref<1x1xf32, #tpu.memory_space<vmem>>, %arg10: memref<64x1xf32, #tpu.memory_space<vmem>>) attributes {dimension_semantics = [], scalar_prefetch = 0 : i64, scratch_operands = 0 : i64, tpu.core_type = #tpu.core_type<tc>} {
    %get3A = arith.constant 0 : index
    %get3A_0 = arith.constant 0 : index
    %get3A_1 = vector.load %arg2[%get3A, %get3A_0] : memref<10000x1xf32, #tpu.memory_space<vmem>>, vector<10000x1xf32>
    %get3A_2 = arith.constant 0 : index
    %get3A_3 = arith.constant 0 : index
    %get3A_4 = arith.constant 0 : index
    %get3A_5 = vector.load %arg0[%get3A_2, %get3A_3, %get3A_4] : memref<2x10112x32xf32, #tpu.memory_space<vmem>>, vector<1x10000x32xf32>
    %get3A_6 = vector.shape_cast %get3A_5 : vector<1x10000x32xf32> to vector<10000x32xf32>
    %get3A_7 = arith.constant 1 : index
    %get3A_8 = arith.constant 0 : index
    %get3A_9 = arith.constant 0 : index
    %get3A_10 = vector.load %arg0[%get3A_7, %get3A_8, %get3A_9] : memref<2x10112x32xf32, #tpu.memory_space<vmem>>, vector<1x10000x32xf32>
    %get3A_11 = vector.shape_cast %get3A_10 : vector<1x10000x32xf32> to vector<10000x32xf32>
    %concatenate3A = tpu.concatenate %get3A_6, %get3A_11 in 1 : vector<10000x32xf32>, vector<10000x32xf32> -> vector<10000x64xf32>
    %get3A_12 = arith.constant 0 : index
    %get3A_13 = arith.constant 0 : index
    %get3A_14 = arith.constant 0 : index
    %get3A_15 = vector.load %arg1[%get3A_12, %get3A_13, %get3A_14] : memref<2x10112x32xf32, #tpu.memory_space<vmem>>, vector<1x10000x32xf32>
    %get3A_16 = vector.shape_cast %get3A_15 : vector<1x10000x32xf32> to vector<10000x32xf32>
    %get3A_17 = arith.constant 1 : index
    %get3A_18 = arith.constant 0 : index
    %get3A_19 = arith.constant 0 : index
    %get3A_20 = vector.load %arg1[%get3A_17, %get3A_18, %get3A_19] : memref<2x10112x32xf32, #tpu.memory_space<vmem>>, vector<1x10000x32xf32>
    %get3A_21 = vector.shape_cast %get3A_20 : vector<1x10000x32xf32> to vector<10000x32xf32>
    %concatenate3A_22 = tpu.concatenate %get3A_16, %get3A_21 in 1 : vector<10000x32xf32>, vector<10000x32xf32> -> vector<10000x64xf32>
    %add3A = arith.addf %concatenate3A, %concatenate3A_22 : vector<10000x64xf32>
    %mul3A = vector.broadcast %get3A_1 : vector<10000x1xf32> to vector<10000x64xf32>
    %mul3A_23 = arith.mulf %mul3A, %add3A : vector<10000x64xf32>
    %get3A_24 = arith.constant 0 : index
    %get3A_25 = arith.constant 0 : index
    %get3A_26 = vector.load %arg3[%get3A_24, %get3A_25] : memref<1x64xf32, #tpu.memory_space<vmem>>, vector<1x64xf32>
    %add3A_27 = vector.broadcast %get3A_26 : vector<1x64xf32> to vector<10000x64xf32>
    %add3A_28 = arith.addf %mul3A_23, %add3A_27 : vector<10000x64xf32>
    %max3A = arith.constant 0.000000e+00 : f32
    %max3A_29 = vector.broadcast %max3A : f32 to vector<10000x64xf32>
    %max3A_30 = arith.maximumf %add3A_28, %max3A_29 : vector<10000x64xf32>
    %iota3A = tpu.iota {dimensions = array<i32: 1>} : vector<10000x64xi32>
    %get3A_31 = arith.constant 0 : index
    %get3A_32 = arith.constant 0 : index
    %get3A_33 = vector.load %arg4[%get3A_31, %get3A_32] : memref<10000x1xi32, #tpu.memory_space<vmem>>, vector<10000x1xi32>
    %eq3A = vector.broadcast %get3A_33 : vector<10000x1xi32> to vector<10000x64xi32>
    %eq3A_34 = arith.cmpi eq, %eq3A, %iota3A : vector<10000x64xi32>
    %convert_element_type3A = arith.extui %eq3A_34 : vector<10000x64xi1> to vector<10000x64xi32>
    %convert_element_type3A_35 = arith.sitofp %convert_element_type3A : vector<10000x64xi32> to vector<10000x64xf32>
    %dot_general3A = arith.constant dense<0.000000e+00> : vector<64x64xf32>
    %dot_general3A_36 = tpu.matmul %convert_element_type3A_35, %max3A_30, %dot_general3A {dimension_numbers = #tpu.dot_dimension_numbers<[0], [0], [1], [1], [0, 1, 1, 1], [], []>, transpose_lhs_hint = false} : vector<10000x64xf32>, vector<10000x64xf32>, vector<64x64xf32> -> vector<64x64xf32>
    %reduce_sum3A = arith.constant dense<0.000000e+00> : vector<64xf32>
    %reduce_sum3A_37 = vector.multi_reduction <add>, %convert_element_type3A_35, %reduce_sum3A [0] : vector<10000x64xf32> to vector<64xf32>
    %max3A_38 = arith.constant 1.000000e+00 : f32
    %max3A_39 = vector.broadcast %max3A_38 : f32 to vector<64xf32>
    %max3A_40 = arith.maximumf %reduce_sum3A_37, %max3A_39 : vector<64xf32>
    %broadcast_in_dim3A = vector.shape_cast %max3A_40 : vector<64xf32> to vector<64x1xf32>
    %div3A = vector.broadcast %broadcast_in_dim3A : vector<64x1xf32> to vector<64x64xf32>
    %div3A_41 = arith.divf %dot_general3A_36, %div3A : vector<64x64xf32>
    %get3A_42 = arith.constant 0 : index
    %get3A_43 = arith.constant 0 : index
    %get3A_44 = vector.load %arg5[%get3A_42, %get3A_43] : memref<64x32xf32, #tpu.memory_space<vmem>>, vector<64x32xf32>
    %concatenate3A_45 = tpu.concatenate %div3A_41, %get3A_44 in 1 : vector<64x64xf32>, vector<64x32xf32> -> vector<64x96xf32>
    %get3A_46 = arith.constant 0 : index
    %get3A_47 = arith.constant 0 : index
    %get3A_48 = vector.load %arg6[%get3A_46, %get3A_47] : memref<96x64xf32, #tpu.memory_space<vmem>>, vector<96x64xf32>
    %dot_general3A_49 = arith.constant dense<0.000000e+00> : vector<64x64xf32>
    %dot_general3A_50 = tpu.matmul %concatenate3A_45, %get3A_48, %dot_general3A_49 {dimension_numbers = #tpu.dot_dimension_numbers<[1], [0], [0], [1], [0, 0, 1, 1], [], []>, transpose_lhs_hint = false} : vector<64x96xf32>, vector<96x64xf32>, vector<64x64xf32> -> vector<64x64xf32>
    %get3A_51 = arith.constant 0 : index
    %get3A_52 = arith.constant 0 : index
    %get3A_53 = vector.load %arg7[%get3A_51, %get3A_52] : memref<1x64xf32, #tpu.memory_space<vmem>>, vector<1x64xf32>
    %add3A_54 = vector.broadcast %get3A_53 : vector<1x64xf32> to vector<64x64xf32>
    %add3A_55 = arith.addf %dot_general3A_50, %add3A_54 : vector<64x64xf32>
    %max3A_56 = arith.constant 0.000000e+00 : f32
    %max3A_57 = vector.broadcast %max3A_56 : f32 to vector<64x64xf32>
    %max3A_58 = arith.maximumf %add3A_55, %max3A_57 : vector<64x64xf32>
    %get3A_59 = arith.constant 0 : index
    %get3A_60 = arith.constant 0 : index
    %get3A_61 = vector.load %arg8[%get3A_59, %get3A_60] : memref<64x1xf32, #tpu.memory_space<vmem>>, vector<64x1xf32>
    %dot_general3A_62 = arith.constant dense<0.000000e+00> : vector<64x1xf32>
    %dot_general3A_63 = tpu.matmul %max3A_58, %get3A_61, %dot_general3A_62 {dimension_numbers = #tpu.dot_dimension_numbers<[1], [0], [0], [1], [0, 0, 1, 1], [], []>, transpose_lhs_hint = false} : vector<64x64xf32>, vector<64x1xf32>, vector<64x1xf32> -> vector<64x1xf32>
    %get3A_64 = arith.constant 0 : index
    %get3A_65 = arith.constant 0 : index
    %get3A_66 = vector.load %arg9[%get3A_64, %get3A_65] : memref<1x1xf32, #tpu.memory_space<vmem>>, vector<1x1xf32>
    %add3A_67 = vector.broadcast %get3A_66 : vector<1x1xf32> to vector<64x1xf32>
    %add3A_68 = arith.addf %dot_general3A_63, %add3A_67 : vector<64x1xf32>
    %swap3A = arith.constant 0 : index
    %swap3A_69 = arith.constant 0 : index
    %swap3A_70 = vector.load %arg10[%swap3A, %swap3A_69] : memref<64x1xf32, #tpu.memory_space<vmem>>, vector<64x1xf32>
    tpu.vector_store %arg10[%swap3A, %swap3A_69], %add3A_68 {strides = array<i32>} : memref<64x1xf32, #tpu.memory_space<vmem>>, vector<64x1xf32>,
    return
  }
}

</mosaic_0001>

<sc_bundles>
// kernel: kernel.12.cloned.1.call-start
scs
__scs_entry_jumppad:
0x0: {  	(pc) =	sbr.rel $0x88, $3  }
0x1: {  	(tag) =	ssettag $0x0;
	lr =	simm.s32 $0x1  }
0x2: {  	[smem:$0x3F95] =	sst lr;
	_ =	strace $0xD0000000  }
0x3: {  	_ = 	snop  }
0x4: {  	_ = 	snop  }
0x5: {  	_ = 	snop  }
0x6: {  	_ = 	snop  }
0x7: {  	_ = 	snop  }
__scs_overlays_trampoline_lowered:
0x8: {  	[smem:$0x3FA4] =	sst s0  }
0x9: {  	[smem:$0x3FA5] =	sst s1  }
0xa: {  	[smem:$0x3FA6] =	sst s2  }
0xb: {  	[smem:$0x3FA7] =	sst s3  }
0xc: {  	[smem:$0x3FA8] =	sst s4  }
0xd: {  	[smem:$0x3FA9] =	sst s5  }
0xe: {  	[smem:$0x3FAA] =	sst s6  }
0xf: {  	[smem:$0x3FAB] =	sst s7  }
0x10: {  	[smem:$0x3FAC] =	sst s8  }
0x11: {  	[smem:$0x3FAD] =	sst s9;
	s0 =	simm.s32 @!p0 $0x0  }
0x12: {  	s1 =	sld [smem:$0x3F93];
	s0 =	simm.s32 @p0 $0x1  }
0x13: {  	[smem:$0x3FAE] =	sst s0;
	s0 =	simm.s32 @!p1 $0x0  }
0x14: {  	s2 =	sld [smem:$0x3F92];
	s0 =	simm.s32 @p1 $0x1  }
0x15: {  	[smem:$0x3FAF] =	sst s0;
	s0 =	simm.s32 @!p2 $0x0  }
0x16: {  	s3 =	sld [smem:$0x3FDB];
	s0 =	simm.s32 @p2 $0x1  }
0x17: {  	s4 =	simm.s32 $0x1BF5;
	[smem:$0x3FB1] =	sst s0  }
0x18: {  	s0 =	sld [smem:$0x3F94];
	_ =	swait.ge [sflag:s4], $0x0  }
0x19: {  	s7 =	sld [smem:$0x3F95]  }
0x1a: {  	s8 =	sadd.s32 $0xFFFFE003, lr  }
0x1b: {  	s9 =	sadd.s32 $0xFFFFFEF7, lr;
	s5 =	simm.s32 $0xFFFFFFFF;
	p2 =	slt.u32 s8, $0xFFFFF086  }
0x1c: {  	p1 =	slt.u32 s9, $0xF7A;
	s5 =	simm.s32 @!p2 $0x0  }
0x1d: {  	s5 =	simm.s32 @p1 $0x1;
	p0 =	seq.s32 s7, s2  }
0x1e: {  	s7 =	smul.u32 @!p0 $0xF7A, s2;
	p2 =	seq.s32 @!p0 s5, $0x0  }
0x1f: {  	s9 =	smul.u32 $0xF7A, s1;
	s8 =	simm.s32 @!p0 $0x1BF5;
	p2 =	por !p2, p0  }
0x20: {  	[sflag:s8] =	ssyncset.s32 @!p0 $0xFFFFF086;
	s6 =	sadd.s32 @!p0 s3, s7;
	s7 =	simm.s32 @!p0 $0x108  }
0x21: {  	s3 =	sadd.s32 s3, s9;
	s6 =	sadd.s32 @!p0 $0x88, s6;
	s7 =	simm.s32 @p2 $0x1082  }
0x22: {  	[simem:s7], [sflag:s8] =	dma.local @!p0 [hbm:s6], $0xF7A  }
0x23: {  	s9 =	sor.u32 $0xD0000000, s2;
	s6 =	simm.s32 $0x108;
	_ =	swait.ge @!p0 [sflag:s8], $0x0  }
0x24: {  	s3 =	sadd.s32 $0x88, s3;
	s6 =	simm.s32 @!p1 $0x1082;
	[sflag:s4] =	ssyncset.s32 $0xFFFFF086  }
0x25: {  	[simem:s6], [sflag:s4] =	dma.local [hbm:s3], $0xF7A  }
0x26: {  	[smem:$0x3F95] =	sst s1;
	(tag) =	ssettag s2;
	_ =	strace s9  }
0x27: {  	s1 =	sld [smem:$0x3FA5]  }
0x28: {  	s2 =	sld [smem:$0x3FA6]  }
0x29: {  	s4 =	sld [smem:$0x3FA8]  }
0x2a: {  	p0 =	seq.s32 s5, $0x0;
	s5 =	sld [smem:$0x3FA9]  }
0x2b: {  	s6 =	sld [smem:$0x3FAA]  }
0x2c: {  	s7 =	sld [smem:$0x3FAB]  }
0x2d: {  	s3 =	simm.s32 $0x108;
	s8 =	sld [smem:$0x3FAC]  }
0x2e: {  	s3 =	simm.s32 @!p0 $0x1082;
	s9 =	sld [smem:$0x3FAD]  }
0x2f: {  	lr =	sadd.s32 s0, s3;
	s0 =	sld [smem:$0x3FA4]  }
0x30: {  	s3 =	sld [smem:$0x3FA7]  }
0x31: {  	[smem:$0x3FB0] =	sst s10  }
0x32: {  	s10 =	sld [smem:$0x3FAE];
	_ =	sdelay $0x3  }
0x33: {  	p0 =	seq.s32 s10, $0x1;
	s10 =	sld [smem:$0x3FB0];
	_ =	sdelay $0x3  }
0x34: {  	[smem:$0x3FB0] =	sst s10  }
0x35: {  	s10 =	sld [smem:$0x3FAF];
	_ =	sdelay $0x3  }
0x36: {  	p1 =	seq.s32 s10, $0x1;
	s10 =	sld [smem:$0x3FB0];
	_ =	sdelay $0x3  }
0x37: {  	[smem:$0x3FB0] =	sst s10  }
0x38: {  	s10 =	sld [smem:$0x3FB1]  }
0x39: {  	_ = 	snop;
	(pc) =	sbr.ind lr, $3  }
0x3a: {  	_ = 	snop  }
0x3b: {  	_ = 	snop  }
0x3c: {  	p2 =	seq.s32 s10, $0x1;
	s10 =	sld [smem:$0x3FB0]  }
0x3d: {  	_ =	shalt  }
0x3e: {  	_ =	shalt  }
0x3f: {  	_ =	shalt  }
0x40: {  	_ =	shalt  }
0x41: {  	_ =	shalt  }
0x42: {  	_ =	shalt  }
0x43: {  	_ =	shalt  }
0x44: {  	_ =	shalt  }
0x45: {  	_ =	shalt  }
0x46: {  	_ =	shalt  }
0x47: {  	_ =	shalt  }
0x48: {  	_ =	shalt  }
0x49: {  	_ =	shalt  }
0x4a: {  	_ =	shalt  }
0x4b: {  	_ =	shalt  }
0x4c: {  	_ =	shalt  }
0x4d: {  	_ =	shalt  }
0x4e: {  	_ =	shalt  }
0x4f: {  	_ =	shalt  }
0x50: {  	_ =	shalt  }
0x51: {  	_ =	shalt  }
0x52: {  	_ =	shalt  }
0x53: {  	_ =	shalt  }
0x54: {  	_ =	shalt  }
0x55: {  	_ =	shalt  }
0x56: {  	_ =	shalt  }
0x57: {  	_ =	shalt  }
0x58: {  	_ =	shalt  }
0x59: {  	_ =	shalt  }
0x5a: {  	_ =	shalt  }
0x5b: {  	_ =	shalt  }
0x5c: {  	_ =	shalt  }
0x5d: {  	_ =	shalt  }
0x5e: {  	_ =	shalt  }
0x5f: {  	_ =	shalt  }
0x60: {  	_ =	shalt  }
0x61: {  	_ =	shalt  }
0x62: {  	_ =	shalt  }
0x63: {  	_ =	shalt  }
0x64: {  	_ =	shalt  }
0x65: {  	_ =	shalt  }
0x66: {  	_ =	shalt  }
0x67: {  	_ =	shalt  }
0x68: {  	_ =	shalt  }
0x69: {  	_ =	shalt  }
0x6a: {  	_ =	shalt  }
0x6b: {  	_ =	shalt  }
0x6c: {  	_ =	shalt  }
0x6d: {  	_ =	shalt  }
0x6e: {  	_ =	shalt  }
0x6f: {  	_ =	shalt  }
0x70: {  	_ =	shalt  }
0x71: {  	_ =	shalt  }
0x72: {  	_ =	shalt  }
0x73: {  	_ =	shalt  }
0x74: {  	_ =	shalt  }
0x75: {  	_ =	shalt  }
0x76: {  	_ =	shalt  }
0x77: {  	_ =	shalt  }
0x78: {  	_ =	shalt  }
0x79: {  	_ =	shalt  }
0x7a: {  	_ =	shalt  }
0x7b: {  	_ =	shalt  }
0x7c: {  	_ =	shalt  }
0x7d: {  	_ =	shalt  }
0x7e: {  	_ =	shalt  }
0x7f: {  	_ =	shalt  }
0x80: {  	_ =	shalt  }
0x81: {  	_ =	shalt  }
0x82: {  	_ =	shalt  }
0x83: {  	_ =	shalt  }
0x84: {  	_ =	shalt  }
0x85: {  	_ =	shalt  }
0x86: {  	_ =	shalt  }
0x87: {  	_ =	shalt  }
.Lfunc_end0:
.L_simem_size_0:
called_computation.1_lowered:
.L_overlay_start_0:
0x88: {  	s2 =	sld [smem:$0x3FD9]  }
0x89: {  	s3 =	sld [smem:$0x3FFE];
	_ =	sdelay $0x1  }
0x8a: {  	s1 =	srdreg.scid  }
0x8b: {  	s0 =	sand.u32 $0x1, s1  }
0x8c: {  	s16 =	sshll.u32 s0, $0xA;
	s2 =	sadd.s32 s3, s2  }
0x8d: {  	s2 =	sadd.s32 s2, s16  }
0x8e: {  	[smem:$0x3FBC] =	sst s2  }
0x8f: {  	_ = 	snop  }
0x90: {  	(tm) =	ssettm $0x1  }
0x91: {  	s17 =	sld [smem:$0x3FFB];
	_ =	sdelay $0x3  }
0x92: {  	_ =	strace s17  }
0x93: {  	s2 =	sld [smem:$0x3FFC];
	_ =	sdelay $0x3  }
0x94: {  	_ =	strace s2  }
0x95: {  	s2 =	sld [smem:$0x3FFD];
	_ =	sdelay $0x3  }
0x96: {  	_ =	strace s2  }
0x97: {  	_ =	strace $0x8FFFFFFF  }
0x98: {  	s18 =	sld [smem:$0x3FDB];
	_ =	sdelay $0x1  }
0x99: {  	s19 =	simm.s32 $_scs_section_size  }
0x9a: {  	s4 =	simm.s32 $_size__tile_overlayer_lowered;
	s5 =	simm.s32 $_tile_overlayer_lowered  }
0x9b: {  	s22 =	simm.s32 $0x1BFF;
	s21 =	sshll.u32 s5, $0x1;
	s2 =	sadd.s32 s19, s18  }
0x9c: {  	s6 =	simm.s32 $0x0;
	s20 =	sshll.u32 s4, $0x1;
	s4 =	sadd.s32 s21, s2  }
0x9d: {  	[timem:s6], [sflag:s22] =	dma.local [hbm:s4], s20  }
0x9e: {  	_ =	swait.ge [sflag:s22], s20  }
0x9f: {  	s3 =	ssub.s32 $0x0, s20;
	[sflag:s22] =	ssyncset.done $0x0  }
0xa0: {  	[sflag:s22] =	ssyncadd.s32 s3;
	_ =	sdelay $0x1  }
0xa1: {  	s23 =	simm.s32 $0x1B8B  }
0xa2: {  	_ =	swait.ge [sflag:s23], $0x1  }
0xa3: {  	[sflag:s23] =	ssyncset.done $0x0  }
0xa4: {  	s25 =	simm.s32 $0x1B8E;
	s24 =	sld [smem:$0x3FFE];
	[sflag:s23] =	ssyncadd.s32 $0xFFFFFFFF  }
0xa5: {  	s26 =	simm.s32 $execute0_lowered;
	[smem:$0x3FD2] =	sst s25  }
0xa6: {  	s4 =	sshll.u32 s26, $0x1;
	_ =	strace $0x80000049;
	[dreg:$0x1] =	wrdreg $0xFFFFFFFF  }
0xa7: {  	s28 =	simm.s32 $_size_execute0_lowered;
	s2 =	sadd.s32 s2, s4;
	[dreg:$0x0] =	wrdreg $0x0  }
0xa8: {  	s4 =	sshll.u32 s28, $0x1;
	[dreg:$0x2] =	wrdreg s2  }
0xa9: {  	[dreg:$0x3] =	wrdreg s4  }
0xaa: {  	[dreg:$0x4] =	wrdreg $0xC0  }
0xab: {  	_ =	task [dreg:s6], $0x5FFFF  }
0xac: {  	[dreg:$0x1] =	wrdreg $0xFFFFFFFF  }
0xad: {  	[dreg:$0x0] =	wrdreg $0x60  }
0xae: {  	[dreg:$0x2] =	wrdreg s24  }
0xaf: {  	[dreg:$0x3] =	wrdreg $0x10D000  }
0xb0: {  	[dreg:$0x4] =	wrdreg $0xBE000  }
0xb1: {  	[dreg:$0x5] =	wrdreg $0x9  }
0xb2: {  	_ =	task.clear_ibuf [dreg:s6], $0x6FFFF;
	_ =	strace $0x90000049  }
0xb3: {  	s29 =	simm.s32 $0x9;
	_ =	strace $0x8000004B  }
0xb4: {  	_ =	swait.ge [sflag:s29], $0x1  }
0xb5: {  	[sflag:s29] =	ssyncadd.s32 $0xFFFFFFFF  }
0xb6: {  	_ =	strace $0x9000004B  }
0xb7: {  	_ =	sfence  }
0xb8: {  	s30 =	sld [smem:$0x0];
	_ =	sdelay $0x2  }
0xb9: {  	s31 =	sshll.u32 s1, $0xD;
	s1 =	sshrl.u32 s1, $0x2  }
0xba: {  	s3 =	sand.u32 $0x4000, s31;
	s1 =	sadd.s32 s1, s30  }
0xbb: {  	s0 =	sor.u32 s3, s0;
	s1 =	sshll.u32 s1, $0x11  }
0xbc: {  	s0 =	sor.u32 s1, s0  }
0xbd: {  	s0 =	sadd.s32 $0x8F2B, s0  }
0xbe: {  	[sflag:s0] =	ssyncadd.remote.s32 $0x1  }
0xbf: {  	_ =	sfence.sel $0xFFFF  }
0xc0: {  	[dreg:$0x0] =	wrdreg $0xFFFFFFFF;
	(pc) =	sbr.abs _section_cstart, $3  }
0xc1: {  	[dreg:$0x1] =	wrdreg $0xFFFFFFFF  }
0xc2: {  	_ =	task.clear_ibuf [dreg:s6], $0x2FFFF;
	_ =	strace $0x9FFFFFFF  }
0xc3: {  	(tm) =	ssettm $0x7FFFFFFF  }
tec
execute0_lowered:
.L_overlay_start_1:
0x0: {  	(tag) =	ssettag $0x1  }
0x1: {  	s0 =	rddreg [dreg:$0x0]  }
0x2: {  	s2 =	rddreg [dreg:$0x1];
	s1 =	srdreg.scid  }
0x3: {  	s17 =	stileid.u32;
	s3 =	rddreg [dreg:$0x2]  }
0x4: {  	s4 =	simm.s32 $0x0;
	s15 =	simm.s32 $0x5;
	s16 =	simm.s32 $0xBD00  }
0x5: {  	s18 =	simm.s32 $0x80;
	s19 =	simm.s32 $0x9D00;
	s20 =	simm.s32 $0xAD00  }
0x6: {  	s21 =	simm.s32 $0x1;
	s22 =	simm.s32 $0x3;
	s24 =	simm.s32 $0x2  }
0x7: {  	s28 =	simm.s32 $0x4;
	s29 =	simm.s32 $0x4D80;
	s30 =	simm.s32 $0x9B80  }
0x8: {  	s31 =	simm.s32 $0x9C00;
	s1 =	sand.u32 $0x1, s1;
	s13 =	smul.u32 $0x4F00, s17  }
0x9: {  	[smem:$0x7FF] =	sst s4;
	s10 =	sadd.s32 $0x3800, s0;
	s7 =	smul.u32 $0x4E00, s17  }
0xa: {  	s25 =	sshll.u32 s17, $0x6;
	s8 =	smul.u32 $0x13C00, s17;
	s11 =	sshll.u32 s17, $0x4  }
0xb: {  	p0 =	sgt.u32 s17, $0x3;
	s17 =	simm.s32 $0x4E80;
	s5 =	smul.u32 $0x4F000, s1  }
0xc: {  	_ =	strace $0x8000004A;
	s1 =	ssub.s32 $0x2, s1;
	s11 =	sadd.s32 s11, s10  }
0xd: {  	s6 =	sshrl.u32 s1, $0x1;
	s14 =	sadd.s32 s13, s2;
	s7 =	sshrl.u32 s7, $0x3  }
0xe: {  	s8 =	sshrl.u32 s8, $0x2;
	s26 =	sadd.s32 s13, s3;
	s5 =	sadd.s32 s13, s5  }
0xf: {  	s1 =	ssub.s32 s1, s6;
	s6 =	sor.u32 $0x1C05, s25;
	s7 =	sadd.s32 s10, s7  }
0x10: {  	s8 =	sadd.s32 s8, s3;
	s10 =	sadd.s32 $0x9C00, s11;
	s11 =	sadd.s32 $0x13840, s11  }
0x11: {  	s14 =	sshrl.u32 s14, $0x3;
	s25 =	sshrl.u32 s26, $0x3;
	s5 =	sshrl.u32 s5, $0x3  }
0x12: {  	s9 =	sadd.s32 $0x9C40, s7;
	s13 =	smax.u32 s1, $0x1;
	s0 =	sadd.s32 s5, s0  }
0x13: {  	v0 =	vimm.f32 $0.0e+00;
	s1 =	simm.s32 $0x0;
	s5 =	sadd.s32 $0x8D400, s0;
	s12 =	sadd.s32 $0xA1000, s0  }
.LBB2_1:
0x14: {  	[tilespmem:$0xBD00] =	vst v0  }
0x15: {  	[tilespmem:$0xBD10] =	vst v0  }
0x16: {  	[tilespmem:$0xBD20] =	vst v0  }
0x17: {  	[tilespmem:$0xBD30] =	vst v0  }
0x18: {  	[tilespmem:$0xBD40] =	vst v0  }
0x19: {  	[tilespmem:$0xBD50] =	vst v0  }
0x1a: {  	[tilespmem:$0xBD60] =	vst v0  }
0x1b: {  	[tilespmem:$0xBD70] =	vst v0  }
0x1c: {  	[tilespmem:$0xBD80] =	vst v0  }
0x1d: {  	[tilespmem:$0xBD90] =	vst v0  }
0x1e: {  	[tilespmem:$0xBDA0] =	vst v0  }
0x1f: {  	[tilespmem:$0xBDB0] =	vst v0  }
0x20: {  	[tilespmem:$0xBDC0] =	vst v0  }
0x21: {  	[tilespmem:$0xBDD0] =	vst v0  }
0x22: {  	[tilespmem:$0xBDE0] =	vst v0  }
0x23: {  	[tilespmem:$0xBDF0] =	vst v0  }
0x24: {  	[spmem:s14], [sflag:s6] =	dma.local [hbm:s5], $0x9E0  }
0x25: {  	_ =	swait.ge [sflag:s15], $0x9E0  }
0x26: {  	[sflag:s15] =	ssyncset.done $0x0  }
0x27: {  	s0 =	sadd.s32 $0x0, s8;
	[sflag:s15] =	ssyncadd.s32 $0xFFFFF620  }
0x28: {  	[spmem:s0] =	stream.linear.scatter [tilespmem:s16], [sflag:$0x5], $0x100, $0x38;
	[tilespmem:$0x15C00] =	vst v63  }
0x29: {  	s0 =	simm.s32 $0x400;
	_ =	swait.ge [sflag:s15], $0x100  }
.LBB2_2:
0x2a: {  	s23 =	sshra.s32 s0, $0x2;
	[sflag:s15] =	ssyncset.done $0x0;
	p1 =	sne.s32 s0, $0x13800  }
.Ltmp0:
0x2b: {  	s23 =	sadd.s32 s23, s8;
	[sflag:s15] =	ssyncadd.s32 $0xFFFFFF00;
	(pc) =	sbr.rel @p1 .LBB2_2-.Ltmp0, $3  }
0x2c: {  	[spmem:s23] =	stream.linear.scatter [tilespmem:s16], [sflag:$0x5], $0x100, $0x38;
	[tilespmem:$0x15C00] =	vst v63  }
0x2d: {  	s0 =	sadd.s32 $0x400, s0;
	_ =	sdelay $0x1  }
0x2e: {  	_ =	swait.ge [sflag:s15], $0x100  }
0x2f: {  	[sflag:s15] =	ssyncset.done $0x0  }
0x30: {  	[sflag:s15] =	ssyncadd.s32 $0xFFFFFF00  }
0x31: {  	[tilespmem:s4], [sflag:$0x5] =	stream.linear.gather [hbm4b:s7+s4], $0x4E00, $0x38;
	[tilespmem:$0x15C00] =	vst v63  }
0x32: {  	_ =	swait.ge [sflag:s15], $0x4E00  }
0x33: {  	[sflag:s15] =	ssyncset.done $0x0  }
0x34: {  	[sflag:s15] =	ssyncadd.s32 $0xFFFFB200  }
0x35: {  	[tilespmem:s17], [sflag:$0x5] =	stream.linear.gather [hbm4b:s9+s4], $0x4E00, $0x38;
	[tilespmem:$0x15C00] =	vst v63  }
0x36: {  	_ =	swait.ge [sflag:s15], $0x4E00  }
0x37: {  	[sflag:s15] =	ssyncset.done $0x0  }
0x38: {  	s0 =	simm.s32 @!p0 $0x0;
	s23 =	simm.s32 @!p0 $0x4E00;
	[sflag:s15] =	ssyncadd.s32 $0xFFFFB200  }
0x39: {  	[tilespmem:s23], [sflag:$0x5] =	stream.linear.gather @!p0 [hbm4b:s10+s0], $0x80, $0x38;
	[tilespmem:$0x15C00] =	vst v63  }
0x3a: {  	s23 =	simm.s32 @!p0 $0x5  }
0x3b: {  	_ =	swait.ge @!p0 [sflag:s23], $0x80  }
0x3c: {  	[sflag:s23] =	ssyncset.done @!p0 $0x0  }
0x3d: {  	s26 =	simm.s32 @!p0 $0x9C80;
	[sflag:s23] =	ssyncadd.s32 @!p0 $0xFFFFFF80  }
0x3e: {  	[tilespmem:s26], [sflag:$0x5] =	stream.linear.gather @!p0 [hbm4b:s11+s0], $0x80, $0x38;
	[tilespmem:$0x15C00] =	vst v63  }
0x3f: {  	_ =	swait.ge @!p0 [sflag:s23], $0x80  }
0x40: {  	[sflag:s23] =	ssyncset.done @!p0 $0x0  }
0x41: {  	[sflag:s23] =	ssyncadd.s32 @!p0 $0xFFFFFF80  }
0x42: {  	[bflag:$0x0] =	sbarrier.arrive $0xFFFF  }
0x43: {  	[tilespmem:s19], [sflag:$0x1] =	stream.indirect.gather [spmem:s2], $0x20, s4, s18, $0xb8;
	[tilespmem:$0x15C00] =	vst v63  }
0x44: {  	_ = 	snop  }
0x45: {  	[tilespmem:s20], [sflag:$0x2] =	stream.indirect.gather [spmem:s2], $0x20, s18, s18, $0xb8;
	[tilespmem:$0x15C00] =	vst v63  }
0x46: {  	_ =	swait.ge [sflag:s21], $0x1000  }
0x47: {  	[sflag:s21] =	ssyncset.done $0x0  }
0x48: {  	[sflag:s21] =	ssyncadd.s32 $0xFFFFF000  }
0x49: {  	[spmem:s3] =	stream.indirect.scatter.add.f32 [tilespmem:s19], [sflag:$0x3], $0x20, s17, s18, $0xb8;
	[tilespmem:$0x15C00] =	vst v63  }
0x4a: {  	_ =	swait.ge [sflag:s22], $0x1000  }
0x4b: {  	[sflag:s22] =	ssyncset.done $0x0  }
0x4c: {  	s26 =	simm.s32 $0x100;
	[sflag:s22] =	ssyncadd.s32 $0xFFFFF000  }
0x4d: {  	[tilespmem:s19], [sflag:$0x1] =	stream.indirect.gather [spmem:s2], $0x20, s26, s18, $0xb8;
	[tilespmem:$0x15C00] =	vst v63  }
0x4e: {  	_ =	swait.ge [sflag:s24], $0x1000  }
0x4f: {  	[sflag:s24] =	ssyncset.done $0x0  }
0x50: {  	s23 =	simm.s32 $0x4F00;
	[sflag:s24] =	ssyncadd.s32 $0xFFFFF000  }
0x51: {  	[spmem:s3] =	stream.indirect.scatter.add.f32 [tilespmem:s20], [sflag:$0x4], $0x20, s23, s18, $0xb8;
	[tilespmem:$0x15C00] =	vst v63  }
0x52: {  	_ =	swait.ge [sflag:s28], $0x1000  }
0x53: {  	[sflag:s28] =	ssyncset.done $0x0  }
0x54: {  	s26 =	simm.s32 $0x180;
	[sflag:s28] =	ssyncadd.s32 $0xFFFFF000  }
0x55: {  	[tilespmem:s20], [sflag:$0x2] =	stream.indirect.gather [spmem:s2], $0x20, s26, s18, $0xb8;
	[tilespmem:$0x15C00] =	vst v63  }
0x56: {  	_ =	swait.ge [sflag:s21], $0x1000  }
0x57: {  	[sflag:s21] =	ssyncset.done $0x0  }
0x58: {  	s23 =	simm.s32 $0x4F80;
	[sflag:s21] =	ssyncadd.s32 $0xFFFFF000  }
0x59: {  	[spmem:s3] =	stream.indirect.scatter.add.f32 [tilespmem:s19], [sflag:$0x3], $0x20, s23, s18, $0xb8;
	[tilespmem:$0x15C00] =	vst v63  }
0x5a: {  	_ =	swait.ge [sflag:s22], $0x1000  }
0x5b: {  	[sflag:s22] =	ssyncset.done $0x0  }
0x5c: {  	s26 =	simm.s32 $0x200;
	[sflag:s22] =	ssyncadd.s32 $0xFFFFF000  }
0x5d: {  	[tilespmem:s19], [sflag:$0x1] =	stream.indirect.gather [spmem:s2], $0x20, s26, s18, $0xb8;
	[tilespmem:$0x15C00] =	vst v63  }
0x5e: {  	_ =	swait.ge [sflag:s24], $0x1000  }
0x5f: {  	[sflag:s24] =	ssyncset.done $0x0  }
0x60: {  	s0 =	simm.s32 $0xFFFED400;
	s23 =	simm.s32 $0x5000;
	[sflag:s24] =	ssyncadd.s32 $0xFFFFF000  }
.LBB2_4:
0x61: {  	[spmem:s3] =	stream.indirect.scatter.add.f32 [tilespmem:s20], [sflag:$0x4], $0x20, s23, s18, $0xb8;
	[tilespmem:$0x15C00] =	vst v63  }
0x62: {  	s23 =	smov.u32 s0  }
0x63: {  	p1 =	sne.s32 s0, $0xFFFFFC00;
	s0 =	sadd.s32 $0x400, s0;
	_ =	swait.ge [sflag:s28], $0x1000  }
0x64: {  	s23 =	sshra.s32 s23, $0x2;
	[sflag:s28] =	ssyncset.done $0x0  }
0x65: {  	s26 =	sadd.s32 $0x4D80, s23;
	[sflag:s28] =	ssyncadd.s32 $0xFFFFF000  }
0x66: {  	[tilespmem:s20], [sflag:$0x2] =	stream.indirect.gather [spmem:s2], $0x20, s26, s18, $0xb8;
	[tilespmem:$0x15C00] =	vst v63  }
0x67: {  	_ =	swait.ge [sflag:s21], $0x1000  }
0x68: {  	[sflag:s21] =	ssyncset.done $0x0  }
0x69: {  	s26 =	sadd.s32 $0x9B80, s23;
	[sflag:s21] =	ssyncadd.s32 $0xFFFFF000  }
0x6a: {  	[spmem:s3] =	stream.indirect.scatter.add.f32 [tilespmem:s19], [sflag:$0x3], $0x20, s26, s18, $0xb8;
	[tilespmem:$0x15C00] =	vst v63  }
0x6b: {  	_ =	swait.ge [sflag:s22], $0x1000  }
0x6c: {  	[sflag:s22] =	ssyncset.done $0x0  }
.Ltmp1:
0x6d: {  	s26 =	sadd.s32 $0x4E00, s23;
	[sflag:s22] =	ssyncadd.s32 $0xFFFFF000;
	(pc) =	sbr.rel @p1 .LBB2_4-.Ltmp1, $4  }
0x6e: {  	[tilespmem:s19], [sflag:$0x1] =	stream.indirect.gather [spmem:s2], $0x20, s26, s18, $0xb8;
	[tilespmem:$0x15C00] =	vst v63  }
0x6f: {  	_ =	swait.ge [sflag:s24], $0x1000  }
0x70: {  	[sflag:s24] =	ssyncset.done $0x0  }
0x71: {  	s23 =	sadd.s32 $0x9C00, s23;
	[sflag:s24] =	ssyncadd.s32 $0xFFFFF000  }
0x72: {  	[spmem:s3] =	stream.indirect.scatter.add.f32 [tilespmem:s20], [sflag:$0x4], $0x20, s23, s18, $0xb8;
	[tilespmem:$0x15C00] =	vst v63  }
0x73: {  	_ =	swait.ge [sflag:s28], $0x1000  }
0x74: {  	[sflag:s28] =	ssyncset.done $0x0  }
0x75: {  	[sflag:s28] =	ssyncadd.s32 $0xFFFFF000  }
0x76: {  	[tilespmem:s20], [sflag:$0x2] =	stream.indirect.gather [spmem:s2], $0x20, s29, s18, $0xb8;
	[tilespmem:$0x15C00] =	vst v63  }
0x77: {  	_ =	swait.ge [sflag:s21], $0x1000  }
0x78: {  	[sflag:s21] =	ssyncset.done $0x0  }
0x79: {  	[sflag:s21] =	ssyncadd.s32 $0xFFFFF000  }
0x7a: {  	[spmem:s3] =	stream.indirect.scatter.add.f32 [tilespmem:s19], [sflag:$0x3], $0x20, s30, s18, $0xb8;
	[tilespmem:$0x15C00] =	vst v63  }
0x7b: {  	_ =	swait.ge [sflag:s22], $0x1000  }
0x7c: {  	[sflag:s22] =	ssyncset.done $0x0  }
0x7d: {  	[sflag:s22] =	ssyncadd.s32 $0xFFFFF000  }
0x7e: {  	_ =	swait.ge [sflag:s24], $0x1000  }
0x7f: {  	[sflag:s24] =	ssyncset.done $0x0  }
0x80: {  	[sflag:s24] =	ssyncadd.s32 $0xFFFFF000  }
0x81: {  	[spmem:s3] =	stream.indirect.scatter.add.f32 [tilespmem:s20], [sflag:$0x4], $0x20, s31, s18, $0xb8;
	[tilespmem:$0x15C00] =	vst v63  }
0x82: {  	_ =	swait.ge [sflag:s28], $0x1000  }
0x83: {  	s0 =	simm.s32 @!p0 $0x80;
	[sflag:s28] =	ssyncset.done $0x0  }
0x84: {  	s23 =	simm.s32 @!p0 $0x4E00;
	s26 =	simm.s32 @!p0 $0xAD00;
	[sflag:s28] =	ssyncadd.s32 $0xFFFFF000  }
0x85: {  	[tilespmem:s26], [sflag:$0x2] =	stream.indirect.gather @!p0 [spmem:s2], $0x20, s23, s0, $0xb8;
	[tilespmem:$0x15C00] =	vst v63  }
0x86: {  	s23 =	simm.s32 @!p0 $0x2  }
0x87: {  	_ =	swait.ge @!p0 [sflag:s23], $0x1000  }
0x88: {  	[sflag:s23] =	ssyncset.done @!p0 $0x0  }
0x89: {  	[sflag:s23] =	ssyncadd.s32 @!p0 $0xFFFFF000;
	s23 =	simm.s32 @!p0 $0x9C80  }
0x8a: {  	[spmem:s3] =	stream.indirect.scatter.add.f32 @!p0 [tilespmem:s26], [sflag:$0x5], $0x20, s23, s0, $0xb8;
	[tilespmem:$0x15C00] =	vst v63  }
0x8b: {  	s0 =	simm.s32 @!p0 $0x5  }
0x8c: {  	_ =	swait.ge @!p0 [sflag:s0], $0x1000  }
0x8d: {  	s1 =	sadd.s32 $0x1, s1;
	[sflag:s0] =	ssyncset.done @!p0 $0x0  }
0x8e: {  	p1 =	sne.s32 s1, s13;
	[sflag:s0] =	ssyncadd.s32 @!p0 $0xFFFFF000  }
.Ltmp2:
0x8f: {  	[bflag:$0x0] =	sbarrier.arrive $0xFFFF;
	(pc) =	sbr.rel @p1 .LBB2_1-.Ltmp2, $4  }
0x90: {  	[hbm:s12], [sflag:s6] =	dma.local [spmem:s25], $0x9E0  }
0x91: {  	_ =	swait.ge [sflag:s15], $0x9E0  }
0x92: {  	[sflag:s15] =	ssyncset.done $0x0  }
0x93: {  	[sflag:s15] =	ssyncadd.s32 $0xFFFFF620  }
0x94: {  	_ =	sfence.sel $0x180000  }
0x95: {  	[bflag:$0x0] =	sbarrier.arrive $0xFFFF  }
0x96: {  	_ =	strace $0x9000004A  }
0x97: {  	s0 =	stileid.u32;
	[bflag:$0x2] =	sbarrier.arrive $0xFFFF  }
0x98: {  	p0 =	sne.s32 s0, $0x0;
	s0 =	rddreg [dreg:$0x3]  }
0x99: {  	s0 =	sadd.s32 @!p0 $0x100000, s0  }
0x9a: {  	[sflag:s0] =	ssyncadd.tile.s32 @!p0 $0x1;
	_ =	shalt  }
.Lfunc_end2:
_tile_overlayer_lowered:
.L_overlay_start_2:
0x9b: {  	(tag) =	ssettag $0x2  }
0x9c: {  	s0 =	rddreg [dreg:$0x0];
	s2 =	stileid.u32  }
0x9d: {  	s1 =	rddreg [dreg:$0x1];
	p0 =	sne.s32 s2, $0x0  }
0x9e: {  	s3 =	rddreg [dreg:$0x2];
	[bflag:$0x3] =	sbarrier.arrive $0xFFFF;
	s2 =	simm.s32 @!p0 $0x1C05  }
0x9f: {  	[timem:s3], [sflag:s2] =	dma.local @!p0 [hbm:s0], s1  }
0xa0: {  	s0 =	simm.s32 @!p0 $0x5  }
0xa1: {  	_ =	swait.ge @!p0 [sflag:s0], s1  }
0xa2: {  	s1 =	ssub.s32 @!p0 $0x0, s1;
	[sflag:s0] =	ssyncset.done @!p0 $0x0  }
0xa3: {  	[sflag:s0] =	ssyncadd.s32 @!p0 s1  }
0xa4: {  	[bflag:$0x3] =	sbarrier.arrive $0xFFFF  }
0xa5: {  	_ =	shalt  }

// kernel: kernel.15.cloned.1.call-start
scs
__scs_entry_jumppad:
0x0: {  	(pc) =	sbr.rel $0x88, $3  }
0x1: {  	(tag) =	ssettag $0x0;
	lr =	simm.s32 $0x1  }
0x2: {  	[smem:$0x3F95] =	sst lr;
	_ =	strace $0xD0000000  }
0x3: {  	_ = 	snop  }
0x4: {  	_ = 	snop  }
0x5: {  	_ = 	snop  }
0x6: {  	_ = 	snop  }
0x7: {  	_ = 	snop  }
__scs_overlays_trampoline_lowered:
0x8: {  	[smem:$0x3FA4] =	sst s0  }
0x9: {  	[smem:$0x3FA5] =	sst s1  }
0xa: {  	[smem:$0x3FA6] =	sst s2  }
0xb: {  	[smem:$0x3FA7] =	sst s3  }
0xc: {  	[smem:$0x3FA8] =	sst s4  }
0xd: {  	[smem:$0x3FA9] =	sst s5  }
0xe: {  	[smem:$0x3FAA] =	sst s6  }
0xf: {  	[smem:$0x3FAB] =	sst s7  }
0x10: {  	[smem:$0x3FAC] =	sst s8  }
0x11: {  	[smem:$0x3FAD] =	sst s9;
	s0 =	simm.s32 @!p0 $0x0  }
0x12: {  	s1 =	sld [smem:$0x3F93];
	s0 =	simm.s32 @p0 $0x1  }
0x13: {  	[smem:$0x3FAE] =	sst s0;
	s0 =	simm.s32 @!p1 $0x0  }
0x14: {  	s2 =	sld [smem:$0x3F92];
	s0 =	simm.s32 @p1 $0x1  }
0x15: {  	[smem:$0x3FAF] =	sst s0;
	s0 =	simm.s32 @!p2 $0x0  }
0x16: {  	s3 =	sld [smem:$0x3FDB];
	s0 =	simm.s32 @p2 $0x1  }
0x17: {  	s4 =	simm.s32 $0x1BF5;
	[smem:$0x3FB1] =	sst s0  }
0x18: {  	s0 =	sld [smem:$0x3F94];
	_ =	swait.ge [sflag:s4], $0x0  }
0x19: {  	s7 =	sld [smem:$0x3F95]  }
0x1a: {  	s8 =	sadd.s32 $0xFFFFE003, lr  }
0x1b: {  	s9 =	sadd.s32 $0xFFFFFEF7, lr;
	s5 =	simm.s32 $0xFFFFFFFF;
	p2 =	slt.u32 s8, $0xFFFFF086  }
0x1c: {  	p1 =	slt.u32 s9, $0xF7A;
	s5 =	simm.s32 @!p2 $0x0  }
0x1d: {  	s5 =	simm.s32 @p1 $0x1;
	p0 =	seq.s32 s7, s2  }
0x1e: {  	s7 =	smul.u32 @!p0 $0xF7A, s2;
	p2 =	seq.s32 @!p0 s5, $0x0  }
0x1f: {  	s9 =	smul.u32 $0xF7A, s1;
	s8 =	simm.s32 @!p0 $0x1BF5;
	p2 =	por !p2, p0  }
0x20: {  	[sflag:s8] =	ssyncset.s32 @!p0 $0xFFFFF086;
	s6 =	sadd.s32 @!p0 s3, s7;
	s7 =	simm.s32 @!p0 $0x108  }
0x21: {  	s3 =	sadd.s32 s3, s9;
	s6 =	sadd.s32 @!p0 $0x88, s6;
	s7 =	simm.s32 @p2 $0x1082  }
0x22: {  	[simem:s7], [sflag:s8] =	dma.local @!p0 [hbm:s6], $0xF7A  }
0x23: {  	s9 =	sor.u32 $0xD0000000, s2;
	s6 =	simm.s32 $0x108;
	_ =	swait.ge @!p0 [sflag:s8], $0x0  }
0x24: {  	s3 =	sadd.s32 $0x88, s3;
	s6 =	simm.s32 @!p1 $0x1082;
	[sflag:s4] =	ssyncset.s32 $0xFFFFF086  }
0x25: {  	[simem:s6], [sflag:s4] =	dma.local [hbm:s3], $0xF7A  }
0x26: {  	[smem:$0x3F95] =	sst s1;
	(tag) =	ssettag s2;
	_ =	strace s9  }
0x27: {  	s1 =	sld [smem:$0x3FA5]  }
0x28: {  	s2 =	sld [smem:$0x3FA6]  }
0x29: {  	s4 =	sld [smem:$0x3FA8]  }
0x2a: {  	p0 =	seq.s32 s5, $0x0;
	s5 =	sld [smem:$0x3FA9]  }
0x2b: {  	s6 =	sld [smem:$0x3FAA]  }
0x2c: {  	s7 =	sld [smem:$0x3FAB]  }
0x2d: {  	s3 =	simm.s32 $0x108;
	s8 =	sld [smem:$0x3FAC]  }
0x2e: {  	s3 =	simm.s32 @!p0 $0x1082;
	s9 =	sld [smem:$0x3FAD]  }
0x2f: {  	lr =	sadd.s32 s0, s3;
	s0 =	sld [smem:$0x3FA4]  }
0x30: {  	s3 =	sld [smem:$0x3FA7]  }
0x31: {  	[smem:$0x3FB0] =	sst s10  }
0x32: {  	s10 =	sld [smem:$0x3FAE];
	_ =	sdelay $0x3  }
0x33: {  	p0 =	seq.s32 s10, $0x1;
	s10 =	sld [smem:$0x3FB0];
	_ =	sdelay $0x3  }
0x34: {  	[smem:$0x3FB0] =	sst s10  }
0x35: {  	s10 =	sld [smem:$0x3FAF];
	_ =	sdelay $0x3  }
0x36: {  	p1 =	seq.s32 s10, $0x1;
	s10 =	sld [smem:$0x3FB0];
	_ =	sdelay $0x3  }
0x37: {  	[smem:$0x3FB0] =	sst s10  }
0x38: {  	s10 =	sld [smem:$0x3FB1]  }
0x39: {  	_ = 	snop;
	(pc) =	sbr.ind lr, $3  }
0x3a: {  	_ = 	snop  }
0x3b: {  	_ = 	snop  }
0x3c: {  	p2 =	seq.s32 s10, $0x1;
	s10 =	sld [smem:$0x3FB0]  }
0x3d: {  	_ =	shalt  }
0x3e: {  	_ =	shalt  }
0x3f: {  	_ =	shalt  }
0x40: {  	_ =	shalt  }
0x41: {  	_ =	shalt  }
0x42: {  	_ =	shalt  }
0x43: {  	_ =	shalt  }
0x44: {  	_ =	shalt  }
0x45: {  	_ =	shalt  }
0x46: {  	_ =	shalt  }
0x47: {  	_ =	shalt  }
0x48: {  	_ =	shalt  }
0x49: {  	_ =	shalt  }
0x4a: {  	_ =	shalt  }
0x4b: {  	_ =	shalt  }
0x4c: {  	_ =	shalt  }
0x4d: {  	_ =	shalt  }
0x4e: {  	_ =	shalt  }
0x4f: {  	_ =	shalt  }
0x50: {  	_ =	shalt  }
0x51: {  	_ =	shalt  }
0x52: {  	_ =	shalt  }
0x53: {  	_ =	shalt  }
0x54: {  	_ =	shalt  }
0x55: {  	_ =	shalt  }
0x56: {  	_ =	shalt  }
0x57: {  	_ =	shalt  }
0x58: {  	_ =	shalt  }
0x59: {  	_ =	shalt  }
0x5a: {  	_ =	shalt  }
0x5b: {  	_ =	shalt  }
0x5c: {  	_ =	shalt  }
0x5d: {  	_ =	shalt  }
0x5e: {  	_ =	shalt  }
0x5f: {  	_ =	shalt  }
0x60: {  	_ =	shalt  }
0x61: {  	_ =	shalt  }
0x62: {  	_ =	shalt  }
0x63: {  	_ =	shalt  }
0x64: {  	_ =	shalt  }
0x65: {  	_ =	shalt  }
0x66: {  	_ =	shalt  }
0x67: {  	_ =	shalt  }
0x68: {  	_ =	shalt  }
0x69: {  	_ =	shalt  }
0x6a: {  	_ =	shalt  }
0x6b: {  	_ =	shalt  }
0x6c: {  	_ =	shalt  }
0x6d: {  	_ =	shalt  }
0x6e: {  	_ =	shalt  }
0x6f: {  	_ =	shalt  }
0x70: {  	_ =	shalt  }
0x71: {  	_ =	shalt  }
0x72: {  	_ =	shalt  }
0x73: {  	_ =	shalt  }
0x74: {  	_ =	shalt  }
0x75: {  	_ =	shalt  }
0x76: {  	_ =	shalt  }
0x77: {  	_ =	shalt  }
0x78: {  	_ =	shalt  }
0x79: {  	_ =	shalt  }
0x7a: {  	_ =	shalt  }
0x7b: {  	_ =	shalt  }
0x7c: {  	_ =	shalt  }
0x7d: {  	_ =	shalt  }
0x7e: {  	_ =	shalt  }
0x7f: {  	_ =	shalt  }
0x80: {  	_ =	shalt  }
0x81: {  	_ =	shalt  }
0x82: {  	_ =	shalt  }
0x83: {  	_ =	shalt  }
0x84: {  	_ =	shalt  }
0x85: {  	_ =	shalt  }
0x86: {  	_ =	shalt  }
0x87: {  	_ =	shalt  }
.Lfunc_end0:
.L_simem_size_0:
called_computation.2_lowered:
.L_overlay_start_0:
0x88: {  	s2 =	sld [smem:$0x3FD9]  }
0x89: {  	s3 =	sld [smem:$0x3FFE];
	_ =	sdelay $0x1  }
0x8a: {  	s1 =	srdreg.scid  }
0x8b: {  	s0 =	sand.u32 $0x1, s1  }
0x8c: {  	s16 =	sshll.u32 s0, $0xA;
	s2 =	sadd.s32 s3, s2  }
0x8d: {  	s2 =	sadd.s32 s2, s16  }
0x8e: {  	[smem:$0x3FBC] =	sst s2  }
0x8f: {  	_ = 	snop  }
0x90: {  	(tm) =	ssettm $0x1  }
0x91: {  	s17 =	sld [smem:$0x3FFB];
	_ =	sdelay $0x3  }
0x92: {  	_ =	strace s17  }
0x93: {  	s2 =	sld [smem:$0x3FFC];
	_ =	sdelay $0x3  }
0x94: {  	_ =	strace s2  }
0x95: {  	s2 =	sld [smem:$0x3FFD];
	_ =	sdelay $0x3  }
0x96: {  	_ =	strace s2  }
0x97: {  	_ =	strace $0x8FFFFFFF  }
0x98: {  	s18 =	sld [smem:$0x3FDB];
	_ =	sdelay $0x1  }
0x99: {  	s19 =	simm.s32 $_scs_section_size  }
0x9a: {  	s4 =	simm.s32 $_size__tile_overlayer_lowered;
	s5 =	simm.s32 $_tile_overlayer_lowered  }
0x9b: {  	s22 =	simm.s32 $0x1BFF;
	s21 =	sshll.u32 s5, $0x1;
	s2 =	sadd.s32 s19, s18  }
0x9c: {  	s6 =	simm.s32 $0x0;
	s20 =	sshll.u32 s4, $0x1;
	s4 =	sadd.s32 s21, s2  }
0x9d: {  	[timem:s6], [sflag:s22] =	dma.local [hbm:s4], s20  }
0x9e: {  	_ =	swait.ge [sflag:s22], s20  }
0x9f: {  	s3 =	ssub.s32 $0x0, s20;
	[sflag:s22] =	ssyncset.done $0x0  }
0xa0: {  	[sflag:s22] =	ssyncadd.s32 s3;
	_ =	sdelay $0x1  }
0xa1: {  	s23 =	simm.s32 $0x1B8B  }
0xa2: {  	_ =	swait.ge [sflag:s23], $0x1  }
0xa3: {  	[sflag:s23] =	ssyncset.done $0x0  }
0xa4: {  	s25 =	simm.s32 $0x1B8E;
	s24 =	sld [smem:$0x3FFE];
	[sflag:s23] =	ssyncadd.s32 $0xFFFFFFFF  }
0xa5: {  	s26 =	simm.s32 $execute0_lowered;
	[smem:$0x3FD2] =	sst s25  }
0xa6: {  	s4 =	sshll.u32 s26, $0x1;
	_ =	strace $0x8000004C;
	[dreg:$0x1] =	wrdreg $0xFFFFFFFF  }
0xa7: {  	s28 =	simm.s32 $_size_execute0_lowered;
	s2 =	sadd.s32 s2, s4;
	[dreg:$0x0] =	wrdreg $0x0  }
0xa8: {  	s4 =	sshll.u32 s28, $0x1;
	[dreg:$0x2] =	wrdreg s2  }
0xa9: {  	[dreg:$0x3] =	wrdreg s4  }
0xaa: {  	[dreg:$0x4] =	wrdreg $0xC0  }
0xab: {  	_ =	task [dreg:s6], $0x5FFFF  }
0xac: {  	[dreg:$0x1] =	wrdreg $0xFFFFFFFF  }
0xad: {  	[dreg:$0x0] =	wrdreg $0x60  }
0xae: {  	[dreg:$0x2] =	wrdreg s24  }
0xaf: {  	[dreg:$0x3] =	wrdreg $0x10D000  }
0xb0: {  	[dreg:$0x4] =	wrdreg $0xBE000  }
0xb1: {  	[dreg:$0x5] =	wrdreg $0x9  }
0xb2: {  	_ =	task.clear_ibuf [dreg:s6], $0x6FFFF;
	_ =	strace $0x9000004C  }
0xb3: {  	s29 =	simm.s32 $0x9;
	_ =	strace $0x8000004E  }
0xb4: {  	_ =	swait.ge [sflag:s29], $0x1  }
0xb5: {  	[sflag:s29] =	ssyncadd.s32 $0xFFFFFFFF  }
0xb6: {  	_ =	strace $0x9000004E  }
0xb7: {  	_ =	sfence  }
0xb8: {  	s30 =	sld [smem:$0x0];
	_ =	sdelay $0x2  }
0xb9: {  	s31 =	sshll.u32 s1, $0xD;
	s1 =	sshrl.u32 s1, $0x2  }
0xba: {  	s3 =	sand.u32 $0x4000, s31;
	s1 =	sadd.s32 s1, s30  }
0xbb: {  	s0 =	sor.u32 s3, s0;
	s1 =	sshll.u32 s1, $0x11  }
0xbc: {  	s0 =	sor.u32 s1, s0  }
0xbd: {  	s0 =	sadd.s32 $0x8F2B, s0  }
0xbe: {  	[sflag:s0] =	ssyncadd.remote.s32 $0x1  }
0xbf: {  	_ =	sfence.sel $0xFFFF  }
0xc0: {  	[dreg:$0x0] =	wrdreg $0xFFFFFFFF;
	(pc) =	sbr.abs _section_cstart, $3  }
0xc1: {  	[dreg:$0x1] =	wrdreg $0xFFFFFFFF  }
0xc2: {  	_ =	task.clear_ibuf [dreg:s6], $0x2FFFF;
	_ =	strace $0x9FFFFFFF  }
0xc3: {  	(tm) =	ssettm $0x7FFFFFFF  }
tec
execute0_lowered:
.L_overlay_start_1:
0x0: {  	(tag) =	ssettag $0x1  }
0x1: {  	s0 =	rddreg [dreg:$0x0]  }
0x2: {  	s2 =	rddreg [dreg:$0x1];
	s1 =	srdreg.scid  }
0x3: {  	s17 =	stileid.u32;
	s3 =	rddreg [dreg:$0x2]  }
0x4: {  	s4 =	simm.s32 $0x0;
	s15 =	simm.s32 $0x5;
	s16 =	simm.s32 $0xBD00  }
0x5: {  	s18 =	simm.s32 $0x80;
	s19 =	simm.s32 $0x9D00;
	s20 =	simm.s32 $0xAD00  }
0x6: {  	s21 =	simm.s32 $0x1;
	s22 =	simm.s32 $0x3;
	s24 =	simm.s32 $0x2  }
0x7: {  	s28 =	simm.s32 $0x4;
	s29 =	simm.s32 $0x4D80;
	s30 =	simm.s32 $0x9B80  }
0x8: {  	s31 =	simm.s32 $0x9C00;
	s1 =	sand.u32 $0x1, s1;
	s13 =	smul.u32 $0x4F00, s17  }
0x9: {  	[smem:$0x7FF] =	sst s4;
	s10 =	sadd.s32 $0x3800, s0;
	s7 =	smul.u32 $0x4E00, s17  }
0xa: {  	s25 =	sshll.u32 s17, $0x6;
	s8 =	smul.u32 $0x13C00, s17;
	s11 =	sshll.u32 s17, $0x4  }
0xb: {  	p0 =	sgt.u32 s17, $0x3;
	s17 =	simm.s32 $0x4E80;
	s5 =	smul.u32 $0x4F000, s1  }
0xc: {  	_ =	strace $0x8000004D;
	s1 =	ssub.s32 $0x2, s1;
	s11 =	sadd.s32 s11, s10  }
0xd: {  	s6 =	sshrl.u32 s1, $0x1;
	s14 =	sadd.s32 s13, s2;
	s7 =	sshrl.u32 s7, $0x3  }
0xe: {  	s8 =	sshrl.u32 s8, $0x2;
	s26 =	sadd.s32 s13, s3;
	s5 =	sadd.s32 s13, s5  }
0xf: {  	s1 =	ssub.s32 s1, s6;
	s6 =	sor.u32 $0x1C05, s25;
	s7 =	sadd.s32 s10, s7  }
0x10: {  	s8 =	sadd.s32 s8, s3;
	s10 =	sadd.s32 $0x9C00, s11;
	s11 =	sadd.s32 $0x13840, s11  }
0x11: {  	s14 =	sshrl.u32 s14, $0x3;
	s25 =	sshrl.u32 s26, $0x3;
	s5 =	sshrl.u32 s5, $0x3  }
0x12: {  	s9 =	sadd.s32 $0x9C40, s7;
	s13 =	smax.u32 s1, $0x1;
	s0 =	sadd.s32 s5, s0  }
0x13: {  	v0 =	vimm.f32 $0.0e+00;
	s1 =	simm.s32 $0x0;
	s5 =	sadd.s32 $0x8D400, s0;
	s12 =	sadd.s32 $0xA1000, s0  }
.LBB2_1:
0x14: {  	[tilespmem:$0xBD00] =	vst v0  }
0x15: {  	[tilespmem:$0xBD10] =	vst v0  }
0x16: {  	[tilespmem:$0xBD20] =	vst v0  }
0x17: {  	[tilespmem:$0xBD30] =	vst v0  }
0x18: {  	[tilespmem:$0xBD40] =	vst v0  }
0x19: {  	[tilespmem:$0xBD50] =	vst v0  }
0x1a: {  	[tilespmem:$0xBD60] =	vst v0  }
0x1b: {  	[tilespmem:$0xBD70] =	vst v0  }
0x1c: {  	[tilespmem:$0xBD80] =	vst v0  }
0x1d: {  	[tilespmem:$0xBD90] =	vst v0  }
0x1e: {  	[tilespmem:$0xBDA0] =	vst v0  }
0x1f: {  	[tilespmem:$0xBDB0] =	vst v0  }
0x20: {  	[tilespmem:$0xBDC0] =	vst v0  }
0x21: {  	[tilespmem:$0xBDD0] =	vst v0  }
0x22: {  	[tilespmem:$0xBDE0] =	vst v0  }
0x23: {  	[tilespmem:$0xBDF0] =	vst v0  }
0x24: {  	[spmem:s14], [sflag:s6] =	dma.local [hbm:s5], $0x9E0  }
0x25: {  	_ =	swait.ge [sflag:s15], $0x9E0  }
0x26: {  	[sflag:s15] =	ssyncset.done $0x0  }
0x27: {  	s0 =	sadd.s32 $0x0, s8;
	[sflag:s15] =	ssyncadd.s32 $0xFFFFF620  }
0x28: {  	[spmem:s0] =	stream.linear.scatter [tilespmem:s16], [sflag:$0x5], $0x100, $0x38;
	[tilespmem:$0x15C00] =	vst v63  }
0x29: {  	s0 =	simm.s32 $0x400;
	_ =	swait.ge [sflag:s15], $0x100  }
.LBB2_2:
0x2a: {  	s23 =	sshra.s32 s0, $0x2;
	[sflag:s15] =	ssyncset.done $0x0;
	p1 =	sne.s32 s0, $0x13800  }
.Ltmp0:
0x2b: {  	s23 =	sadd.s32 s23, s8;
	[sflag:s15] =	ssyncadd.s32 $0xFFFFFF00;
	(pc) =	sbr.rel @p1 .LBB2_2-.Ltmp0, $3  }
0x2c: {  	[spmem:s23] =	stream.linear.scatter [tilespmem:s16], [sflag:$0x5], $0x100, $0x38;
	[tilespmem:$0x15C00] =	vst v63  }
0x2d: {  	s0 =	sadd.s32 $0x400, s0;
	_ =	sdelay $0x1  }
0x2e: {  	_ =	swait.ge [sflag:s15], $0x100  }
0x2f: {  	[sflag:s15] =	ssyncset.done $0x0  }
0x30: {  	[sflag:s15] =	ssyncadd.s32 $0xFFFFFF00  }
0x31: {  	[tilespmem:s4], [sflag:$0x5] =	stream.linear.gather [hbm4b:s7+s4], $0x4E00, $0x38;
	[tilespmem:$0x15C00] =	vst v63  }
0x32: {  	_ =	swait.ge [sflag:s15], $0x4E00  }
0x33: {  	[sflag:s15] =	ssyncset.done $0x0  }
0x34: {  	[sflag:s15] =	ssyncadd.s32 $0xFFFFB200  }
0x35: {  	[tilespmem:s17], [sflag:$0x5] =	stream.linear.gather [hbm4b:s9+s4], $0x4E00, $0x38;
	[tilespmem:$0x15C00] =	vst v63  }
0x36: {  	_ =	swait.ge [sflag:s15], $0x4E00  }
0x37: {  	[sflag:s15] =	ssyncset.done $0x0  }
0x38: {  	s0 =	simm.s32 @!p0 $0x0;
	s23 =	simm.s32 @!p0 $0x4E00;
	[sflag:s15] =	ssyncadd.s32 $0xFFFFB200  }
0x39: {  	[tilespmem:s23], [sflag:$0x5] =	stream.linear.gather @!p0 [hbm4b:s10+s0], $0x80, $0x38;
	[tilespmem:$0x15C00] =	vst v63  }
0x3a: {  	s23 =	simm.s32 @!p0 $0x5  }
0x3b: {  	_ =	swait.ge @!p0 [sflag:s23], $0x80  }
0x3c: {  	[sflag:s23] =	ssyncset.done @!p0 $0x0  }
0x3d: {  	s26 =	simm.s32 @!p0 $0x9C80;
	[sflag:s23] =	ssyncadd.s32 @!p0 $0xFFFFFF80  }
0x3e: {  	[tilespmem:s26], [sflag:$0x5] =	stream.linear.gather @!p0 [hbm4b:s11+s0], $0x80, $0x38;
	[tilespmem:$0x15C00] =	vst v63  }
0x3f: {  	_ =	swait.ge @!p0 [sflag:s23], $0x80  }
0x40: {  	[sflag:s23] =	ssyncset.done @!p0 $0x0  }
0x41: {  	[sflag:s23] =	ssyncadd.s32 @!p0 $0xFFFFFF80  }
0x42: {  	[bflag:$0x0] =	sbarrier.arrive $0xFFFF  }
0x43: {  	[tilespmem:s19], [sflag:$0x1] =	stream.indirect.gather [spmem:s2], $0x20, s4, s18, $0xb8;
	[tilespmem:$0x15C00] =	vst v63  }
0x44: {  	_ = 	snop  }
0x45: {  	[tilespmem:s20], [sflag:$0x2] =	stream.indirect.gather [spmem:s2], $0x20, s18, s18, $0xb8;
	[tilespmem:$0x15C00] =	vst v63  }
0x46: {  	_ =	swait.ge [sflag:s21], $0x1000  }
0x47: {  	[sflag:s21] =	ssyncset.done $0x0  }
0x48: {  	[sflag:s21] =	ssyncadd.s32 $0xFFFFF000  }
0x49: {  	[spmem:s3] =	stream.indirect.scatter.add.f32 [tilespmem:s19], [sflag:$0x3], $0x20, s17, s18, $0xb8;
	[tilespmem:$0x15C00] =	vst v63  }
0x4a: {  	_ =	swait.ge [sflag:s22], $0x1000  }
0x4b: {  	[sflag:s22] =	ssyncset.done $0x0  }
0x4c: {  	s26 =	simm.s32 $0x100;
	[sflag:s22] =	ssyncadd.s32 $0xFFFFF000  }
0x4d: {  	[tilespmem:s19], [sflag:$0x1] =	stream.indirect.gather [spmem:s2], $0x20, s26, s18, $0xb8;
	[tilespmem:$0x15C00] =	vst v63  }
0x4e: {  	_ =	swait.ge [sflag:s24], $0x1000  }
0x4f: {  	[sflag:s24] =	ssyncset.done $0x0  }
0x50: {  	s23 =	simm.s32 $0x4F00;
	[sflag:s24] =	ssyncadd.s32 $0xFFFFF000  }
0x51: {  	[spmem:s3] =	stream.indirect.scatter.add.f32 [tilespmem:s20], [sflag:$0x4], $0x20, s23, s18, $0xb8;
	[tilespmem:$0x15C00] =	vst v63  }
0x52: {  	_ =	swait.ge [sflag:s28], $0x1000  }
0x53: {  	[sflag:s28] =	ssyncset.done $0x0  }
0x54: {  	s26 =	simm.s32 $0x180;
	[sflag:s28] =	ssyncadd.s32 $0xFFFFF000  }
0x55: {  	[tilespmem:s20], [sflag:$0x2] =	stream.indirect.gather [spmem:s2], $0x20, s26, s18, $0xb8;
	[tilespmem:$0x15C00] =	vst v63  }
0x56: {  	_ =	swait.ge [sflag:s21], $0x1000  }
0x57: {  	[sflag:s21] =	ssyncset.done $0x0  }
0x58: {  	s23 =	simm.s32 $0x4F80;
	[sflag:s21] =	ssyncadd.s32 $0xFFFFF000  }
0x59: {  	[spmem:s3] =	stream.indirect.scatter.add.f32 [tilespmem:s19], [sflag:$0x3], $0x20, s23, s18, $0xb8;
	[tilespmem:$0x15C00] =	vst v63  }
0x5a: {  	_ =	swait.ge [sflag:s22], $0x1000  }
0x5b: {  	[sflag:s22] =	ssyncset.done $0x0  }
0x5c: {  	s26 =	simm.s32 $0x200;
	[sflag:s22] =	ssyncadd.s32 $0xFFFFF000  }
0x5d: {  	[tilespmem:s19], [sflag:$0x1] =	stream.indirect.gather [spmem:s2], $0x20, s26, s18, $0xb8;
	[tilespmem:$0x15C00] =	vst v63  }
0x5e: {  	_ =	swait.ge [sflag:s24], $0x1000  }
0x5f: {  	[sflag:s24] =	ssyncset.done $0x0  }
0x60: {  	s0 =	simm.s32 $0xFFFED400;
	s23 =	simm.s32 $0x5000;
	[sflag:s24] =	ssyncadd.s32 $0xFFFFF000  }
.LBB2_4:
0x61: {  	[spmem:s3] =	stream.indirect.scatter.add.f32 [tilespmem:s20], [sflag:$0x4], $0x20, s23, s18, $0xb8;
	[tilespmem:$0x15C00] =	vst v63  }
0x62: {  	s23 =	smov.u32 s0  }
0x63: {  	p1 =	sne.s32 s0, $0xFFFFFC00;
	s0 =	sadd.s32 $0x400, s0;
	_ =	swait.ge [sflag:s28], $0x1000  }
0x64: {  	s23 =	sshra.s32 s23, $0x2;
	[sflag:s28] =	ssyncset.done $0x0  }
0x65: {  	s26 =	sadd.s32 $0x4D80, s23;
	[sflag:s28] =	ssyncadd.s32 $0xFFFFF000  }
0x66: {  	[tilespmem:s20], [sflag:$0x2] =	stream.indirect.gather [spmem:s2], $0x20, s26, s18, $0xb8;
	[tilespmem:$0x15C00] =	vst v63  }
0x67: {  	_ =	swait.ge [sflag:s21], $0x1000  }
0x68: {  	[sflag:s21] =	ssyncset.done $0x0  }
0x69: {  	s26 =	sadd.s32 $0x9B80, s23;
	[sflag:s21] =	ssyncadd.s32 $0xFFFFF000  }
0x6a: {  	[spmem:s3] =	stream.indirect.scatter.add.f32 [tilespmem:s19], [sflag:$0x3], $0x20, s26, s18, $0xb8;
	[tilespmem:$0x15C00] =	vst v63  }
0x6b: {  	_ =	swait.ge [sflag:s22], $0x1000  }
0x6c: {  	[sflag:s22] =	ssyncset.done $0x0  }
.Ltmp1:
0x6d: {  	s26 =	sadd.s32 $0x4E00, s23;
	[sflag:s22] =	ssyncadd.s32 $0xFFFFF000;
	(pc) =	sbr.rel @p1 .LBB2_4-.Ltmp1, $4  }
0x6e: {  	[tilespmem:s19], [sflag:$0x1] =	stream.indirect.gather [spmem:s2], $0x20, s26, s18, $0xb8;
	[tilespmem:$0x15C00] =	vst v63  }
0x6f: {  	_ =	swait.ge [sflag:s24], $0x1000  }
0x70: {  	[sflag:s24] =	ssyncset.done $0x0  }
0x71: {  	s23 =	sadd.s32 $0x9C00, s23;
	[sflag:s24] =	ssyncadd.s32 $0xFFFFF000  }
0x72: {  	[spmem:s3] =	stream.indirect.scatter.add.f32 [tilespmem:s20], [sflag:$0x4], $0x20, s23, s18, $0xb8;
	[tilespmem:$0x15C00] =	vst v63  }
0x73: {  	_ =	swait.ge [sflag:s28], $0x1000  }
0x74: {  	[sflag:s28] =	ssyncset.done $0x0  }
0x75: {  	[sflag:s28] =	ssyncadd.s32 $0xFFFFF000  }
0x76: {  	[tilespmem:s20], [sflag:$0x2] =	stream.indirect.gather [spmem:s2], $0x20, s29, s18, $0xb8;
	[tilespmem:$0x15C00] =	vst v63  }
0x77: {  	_ =	swait.ge [sflag:s21], $0x1000  }
0x78: {  	[sflag:s21] =	ssyncset.done $0x0  }
0x79: {  	[sflag:s21] =	ssyncadd.s32 $0xFFFFF000  }
0x7a: {  	[spmem:s3] =	stream.indirect.scatter.add.f32 [tilespmem:s19], [sflag:$0x3], $0x20, s30, s18, $0xb8;
	[tilespmem:$0x15C00] =	vst v63  }
0x7b: {  	_ =	swait.ge [sflag:s22], $0x1000  }
0x7c: {  	[sflag:s22] =	ssyncset.done $0x0  }
0x7d: {  	[sflag:s22] =	ssyncadd.s32 $0xFFFFF000  }
0x7e: {  	_ =	swait.ge [sflag:s24], $0x1000  }
0x7f: {  	[sflag:s24] =	ssyncset.done $0x0  }
0x80: {  	[sflag:s24] =	ssyncadd.s32 $0xFFFFF000  }
0x81: {  	[spmem:s3] =	stream.indirect.scatter.add.f32 [tilespmem:s20], [sflag:$0x4], $0x20, s31, s18, $0xb8;
	[tilespmem:$0x15C00] =	vst v63  }
0x82: {  	_ =	swait.ge [sflag:s28], $0x1000  }
0x83: {  	s0 =	simm.s32 @!p0 $0x80;
	[sflag:s28] =	ssyncset.done $0x0  }
0x84: {  	s23 =	simm.s32 @!p0 $0x4E00;
	s26 =	simm.s32 @!p0 $0xAD00;
	[sflag:s28] =	ssyncadd.s32 $0xFFFFF000  }
0x85: {  	[tilespmem:s26], [sflag:$0x2] =	stream.indirect.gather @!p0 [spmem:s2], $0x20, s23, s0, $0xb8;
	[tilespmem:$0x15C00] =	vst v63  }
0x86: {  	s23 =	simm.s32 @!p0 $0x2  }
0x87: {  	_ =	swait.ge @!p0 [sflag:s23], $0x1000  }
0x88: {  	[sflag:s23] =	ssyncset.done @!p0 $0x0  }
0x89: {  	[sflag:s23] =	ssyncadd.s32 @!p0 $0xFFFFF000;
	s23 =	simm.s32 @!p0 $0x9C80  }
0x8a: {  	[spmem:s3] =	stream.indirect.scatter.add.f32 @!p0 [tilespmem:s26], [sflag:$0x5], $0x20, s23, s0, $0xb8;
	[tilespmem:$0x15C00] =	vst v63  }
0x8b: {  	s0 =	simm.s32 @!p0 $0x5  }
0x8c: {  	_ =	swait.ge @!p0 [sflag:s0], $0x1000  }
0x8d: {  	s1 =	sadd.s32 $0x1, s1;
	[sflag:s0] =	ssyncset.done @!p0 $0x0  }
0x8e: {  	p1 =	sne.s32 s1, s13;
	[sflag:s0] =	ssyncadd.s32 @!p0 $0xFFFFF000  }
.Ltmp2:
0x8f: {  	[bflag:$0x0] =	sbarrier.arrive $0xFFFF;
	(pc) =	sbr.rel @p1 .LBB2_1-.Ltmp2, $4  }
0x90: {  	[hbm:s12], [sflag:s6] =	dma.local [spmem:s25], $0x9E0  }
0x91: {  	_ =	swait.ge [sflag:s15], $0x9E0  }
0x92: {  	[sflag:s15] =	ssyncset.done $0x0  }
0x93: {  	[sflag:s15] =	ssyncadd.s32 $0xFFFFF620  }
0x94: {  	_ =	sfence.sel $0x180000  }
0x95: {  	[bflag:$0x0] =	sbarrier.arrive $0xFFFF  }
0x96: {  	_ =	strace $0x9000004D  }
0x97: {  	s0 =	stileid.u32;
	[bflag:$0x2] =	sbarrier.arrive $0xFFFF  }
0x98: {  	p0 =	sne.s32 s0, $0x0;
	s0 =	rddreg [dreg:$0x3]  }
0x99: {  	s0 =	sadd.s32 @!p0 $0x100000, s0  }
0x9a: {  	[sflag:s0] =	ssyncadd.tile.s32 @!p0 $0x1;
	_ =	shalt  }
.Lfunc_end2:
_tile_overlayer_lowered:
.L_overlay_start_2:
0x9b: {  	(tag) =	ssettag $0x2  }
0x9c: {  	s0 =	rddreg [dreg:$0x0];
	s2 =	stileid.u32  }
0x9d: {  	s1 =	rddreg [dreg:$0x1];
	p0 =	sne.s32 s2, $0x0  }
0x9e: {  	s3 =	rddreg [dreg:$0x2];
	[bflag:$0x3] =	sbarrier.arrive $0xFFFF;
	s2 =	simm.s32 @!p0 $0x1C05  }
0x9f: {  	[timem:s3], [sflag:s2] =	dma.local @!p0 [hbm:s0], s1  }
0xa0: {  	s0 =	simm.s32 @!p0 $0x5  }
0xa1: {  	_ =	swait.ge @!p0 [sflag:s0], s1  }
0xa2: {  	s1 =	ssub.s32 @!p0 $0x0, s1;
	[sflag:s0] =	ssyncset.done @!p0 $0x0  }
0xa3: {  	[sflag:s0] =	ssyncadd.s32 @!p0 s1  }
0xa4: {  	[bflag:$0x3] =	sbarrier.arrive $0xFFFF  }
0xa5: {  	_ =	shalt  }

// kernel: kernel.9.cloned.1.call-start
scs
__scs_entry_jumppad:
0x0: {  	(pc) =	sbr.rel $0x88, $3  }
0x1: {  	(tag) =	ssettag $0x0;
	lr =	simm.s32 $0x1  }
0x2: {  	[smem:$0x3F95] =	sst lr;
	_ =	strace $0xD0000000  }
0x3: {  	_ = 	snop  }
0x4: {  	_ = 	snop  }
0x5: {  	_ = 	snop  }
0x6: {  	_ = 	snop  }
0x7: {  	_ = 	snop  }
__scs_overlays_trampoline_lowered:
0x8: {  	[smem:$0x3FA4] =	sst s0  }
0x9: {  	[smem:$0x3FA5] =	sst s1  }
0xa: {  	[smem:$0x3FA6] =	sst s2  }
0xb: {  	[smem:$0x3FA7] =	sst s3  }
0xc: {  	[smem:$0x3FA8] =	sst s4  }
0xd: {  	[smem:$0x3FA9] =	sst s5  }
0xe: {  	[smem:$0x3FAA] =	sst s6  }
0xf: {  	[smem:$0x3FAB] =	sst s7  }
0x10: {  	[smem:$0x3FAC] =	sst s8  }
0x11: {  	[smem:$0x3FAD] =	sst s9;
	s0 =	simm.s32 @!p0 $0x0  }
0x12: {  	s1 =	sld [smem:$0x3F93];
	s0 =	simm.s32 @p0 $0x1  }
0x13: {  	[smem:$0x3FAE] =	sst s0;
	s0 =	simm.s32 @!p1 $0x0  }
0x14: {  	s2 =	sld [smem:$0x3F92];
	s0 =	simm.s32 @p1 $0x1  }
0x15: {  	[smem:$0x3FAF] =	sst s0;
	s0 =	simm.s32 @!p2 $0x0  }
0x16: {  	s3 =	sld [smem:$0x3FDB];
	s0 =	simm.s32 @p2 $0x1  }
0x17: {  	s4 =	simm.s32 $0x1BF5;
	[smem:$0x3FB1] =	sst s0  }
0x18: {  	s0 =	sld [smem:$0x3F94];
	_ =	swait.ge [sflag:s4], $0x0  }
0x19: {  	s7 =	sld [smem:$0x3F95]  }
0x1a: {  	s8 =	sadd.s32 $0xFFFFE003, lr  }
0x1b: {  	s9 =	sadd.s32 $0xFFFFFEF7, lr;
	s5 =	simm.s32 $0xFFFFFFFF;
	p2 =	slt.u32 s8, $0xFFFFF086  }
0x1c: {  	p1 =	slt.u32 s9, $0xF7A;
	s5 =	simm.s32 @!p2 $0x0  }
0x1d: {  	s5 =	simm.s32 @p1 $0x1;
	p0 =	seq.s32 s7, s2  }
0x1e: {  	s7 =	smul.u32 @!p0 $0xF7A, s2;
	p2 =	seq.s32 @!p0 s5, $0x0  }
0x1f: {  	s9 =	smul.u32 $0xF7A, s1;
	s8 =	simm.s32 @!p0 $0x1BF5;
	p2 =	por !p2, p0  }
0x20: {  	[sflag:s8] =	ssyncset.s32 @!p0 $0xFFFFF086;
	s6 =	sadd.s32 @!p0 s3, s7;
	s7 =	simm.s32 @!p0 $0x108  }
0x21: {  	s3 =	sadd.s32 s3, s9;
	s6 =	sadd.s32 @!p0 $0x88, s6;
	s7 =	simm.s32 @p2 $0x1082  }
0x22: {  	[simem:s7], [sflag:s8] =	dma.local @!p0 [hbm:s6], $0xF7A  }
0x23: {  	s9 =	sor.u32 $0xD0000000, s2;
	s6 =	simm.s32 $0x108;
	_ =	swait.ge @!p0 [sflag:s8], $0x0  }
0x24: {  	s3 =	sadd.s32 $0x88, s3;
	s6 =	simm.s32 @!p1 $0x1082;
	[sflag:s4] =	ssyncset.s32 $0xFFFFF086  }
0x25: {  	[simem:s6], [sflag:s4] =	dma.local [hbm:s3], $0xF7A  }
0x26: {  	[smem:$0x3F95] =	sst s1;
	(tag) =	ssettag s2;
	_ =	strace s9  }
0x27: {  	s1 =	sld [smem:$0x3FA5]  }
0x28: {  	s2 =	sld [smem:$0x3FA6]  }
0x29: {  	s4 =	sld [smem:$0x3FA8]  }
0x2a: {  	p0 =	seq.s32 s5, $0x0;
	s5 =	sld [smem:$0x3FA9]  }
0x2b: {  	s6 =	sld [smem:$0x3FAA]  }
0x2c: {  	s7 =	sld [smem:$0x3FAB]  }
0x2d: {  	s3 =	simm.s32 $0x108;
	s8 =	sld [smem:$0x3FAC]  }
0x2e: {  	s3 =	simm.s32 @!p0 $0x1082;
	s9 =	sld [smem:$0x3FAD]  }
0x2f: {  	lr =	sadd.s32 s0, s3;
	s0 =	sld [smem:$0x3FA4]  }
0x30: {  	s3 =	sld [smem:$0x3FA7]  }
0x31: {  	[smem:$0x3FB0] =	sst s10  }
0x32: {  	s10 =	sld [smem:$0x3FAE];
	_ =	sdelay $0x3  }
0x33: {  	p0 =	seq.s32 s10, $0x1;
	s10 =	sld [smem:$0x3FB0];
	_ =	sdelay $0x3  }
0x34: {  	[smem:$0x3FB0] =	sst s10  }
0x35: {  	s10 =	sld [smem:$0x3FAF];
	_ =	sdelay $0x3  }
0x36: {  	p1 =	seq.s32 s10, $0x1;
	s10 =	sld [smem:$0x3FB0];
	_ =	sdelay $0x3  }
0x37: {  	[smem:$0x3FB0] =	sst s10  }
0x38: {  	s10 =	sld [smem:$0x3FB1]  }
0x39: {  	_ = 	snop;
	(pc) =	sbr.ind lr, $3  }
0x3a: {  	_ = 	snop  }
0x3b: {  	_ = 	snop  }
0x3c: {  	p2 =	seq.s32 s10, $0x1;
	s10 =	sld [smem:$0x3FB0]  }
0x3d: {  	_ =	shalt  }
0x3e: {  	_ =	shalt  }
0x3f: {  	_ =	shalt  }
0x40: {  	_ =	shalt  }
0x41: {  	_ =	shalt  }
0x42: {  	_ =	shalt  }
0x43: {  	_ =	shalt  }
0x44: {  	_ =	shalt  }
0x45: {  	_ =	shalt  }
0x46: {  	_ =	shalt  }
0x47: {  	_ =	shalt  }
0x48: {  	_ =	shalt  }
0x49: {  	_ =	shalt  }
0x4a: {  	_ =	shalt  }
0x4b: {  	_ =	shalt  }
0x4c: {  	_ =	shalt  }
0x4d: {  	_ =	shalt  }
0x4e: {  	_ =	shalt  }
0x4f: {  	_ =	shalt  }
0x50: {  	_ =	shalt  }
0x51: {  	_ =	shalt  }
0x52: {  	_ =	shalt  }
0x53: {  	_ =	shalt  }
0x54: {  	_ =	shalt  }
0x55: {  	_ =	shalt  }
0x56: {  	_ =	shalt  }
0x57: {  	_ =	shalt  }
0x58: {  	_ =	shalt  }
0x59: {  	_ =	shalt  }
0x5a: {  	_ =	shalt  }
0x5b: {  	_ =	shalt  }
0x5c: {  	_ =	shalt  }
0x5d: {  	_ =	shalt  }
0x5e: {  	_ =	shalt  }
0x5f: {  	_ =	shalt  }
0x60: {  	_ =	shalt  }
0x61: {  	_ =	shalt  }
0x62: {  	_ =	shalt  }
0x63: {  	_ =	shalt  }
0x64: {  	_ =	shalt  }
0x65: {  	_ =	shalt  }
0x66: {  	_ =	shalt  }
0x67: {  	_ =	shalt  }
0x68: {  	_ =	shalt  }
0x69: {  	_ =	shalt  }
0x6a: {  	_ =	shalt  }
0x6b: {  	_ =	shalt  }
0x6c: {  	_ =	shalt  }
0x6d: {  	_ =	shalt  }
0x6e: {  	_ =	shalt  }
0x6f: {  	_ =	shalt  }
0x70: {  	_ =	shalt  }
0x71: {  	_ =	shalt  }
0x72: {  	_ =	shalt  }
0x73: {  	_ =	shalt  }
0x74: {  	_ =	shalt  }
0x75: {  	_ =	shalt  }
0x76: {  	_ =	shalt  }
0x77: {  	_ =	shalt  }
0x78: {  	_ =	shalt  }
0x79: {  	_ =	shalt  }
0x7a: {  	_ =	shalt  }
0x7b: {  	_ =	shalt  }
0x7c: {  	_ =	shalt  }
0x7d: {  	_ =	shalt  }
0x7e: {  	_ =	shalt  }
0x7f: {  	_ =	shalt  }
0x80: {  	_ =	shalt  }
0x81: {  	_ =	shalt  }
0x82: {  	_ =	shalt  }
0x83: {  	_ =	shalt  }
0x84: {  	_ =	shalt  }
0x85: {  	_ =	shalt  }
0x86: {  	_ =	shalt  }
0x87: {  	_ =	shalt  }
.Lfunc_end0:
.L_simem_size_0:
called_computation_lowered:
.L_overlay_start_0:
0x88: {  	s2 =	sld [smem:$0x3FD9]  }
0x89: {  	s3 =	sld [smem:$0x3FFE];
	_ =	sdelay $0x1  }
0x8a: {  	s1 =	srdreg.scid  }
0x8b: {  	s0 =	sand.u32 $0x1, s1  }
0x8c: {  	s16 =	sshll.u32 s0, $0xA;
	s2 =	sadd.s32 s3, s2  }
0x8d: {  	s2 =	sadd.s32 s2, s16  }
0x8e: {  	[smem:$0x3FBC] =	sst s2  }
0x8f: {  	_ = 	snop  }
0x90: {  	(tm) =	ssettm $0x1  }
0x91: {  	s17 =	sld [smem:$0x3FFB];
	_ =	sdelay $0x3  }
0x92: {  	_ =	strace s17  }
0x93: {  	s2 =	sld [smem:$0x3FFC];
	_ =	sdelay $0x3  }
0x94: {  	_ =	strace s2  }
0x95: {  	s2 =	sld [smem:$0x3FFD];
	_ =	sdelay $0x3  }
0x96: {  	_ =	strace s2  }
0x97: {  	_ =	strace $0x8FFFFFFF  }
0x98: {  	s18 =	sld [smem:$0x3FDB];
	_ =	sdelay $0x1  }
0x99: {  	s19 =	simm.s32 $_scs_section_size  }
0x9a: {  	s4 =	simm.s32 $_size__tile_overlayer_lowered;
	s5 =	simm.s32 $_tile_overlayer_lowered  }
0x9b: {  	s22 =	simm.s32 $0x1BFF;
	s21 =	sshll.u32 s5, $0x1;
	s2 =	sadd.s32 s19, s18  }
0x9c: {  	s6 =	simm.s32 $0x0;
	s20 =	sshll.u32 s4, $0x1;
	s4 =	sadd.s32 s21, s2  }
0x9d: {  	[timem:s6], [sflag:s22] =	dma.local [hbm:s4], s20  }
0x9e: {  	_ =	swait.ge [sflag:s22], s20  }
0x9f: {  	s3 =	ssub.s32 $0x0, s20;
	[sflag:s22] =	ssyncset.done $0x0  }
0xa0: {  	[sflag:s22] =	ssyncadd.s32 s3;
	_ =	sdelay $0x1  }
0xa1: {  	s23 =	simm.s32 $0x1B8B  }
0xa2: {  	_ =	swait.ge [sflag:s23], $0x1  }
0xa3: {  	[sflag:s23] =	ssyncset.done $0x0  }
0xa4: {  	s25 =	simm.s32 $0x1B8E;
	s24 =	sld [smem:$0x3FFE];
	[sflag:s23] =	ssyncadd.s32 $0xFFFFFFFF  }
0xa5: {  	s26 =	simm.s32 $execute0_lowered;
	[smem:$0x3FD2] =	sst s25  }
0xa6: {  	s4 =	sshll.u32 s26, $0x1;
	_ =	strace $0x80000046;
	[dreg:$0x1] =	wrdreg $0xFFFFFFFF  }
0xa7: {  	s28 =	simm.s32 $_size_execute0_lowered;
	s2 =	sadd.s32 s2, s4;
	[dreg:$0x0] =	wrdreg $0x0  }
0xa8: {  	s4 =	sshll.u32 s28, $0x1;
	[dreg:$0x2] =	wrdreg s2  }
0xa9: {  	[dreg:$0x3] =	wrdreg s4  }
0xaa: {  	[dreg:$0x4] =	wrdreg $0xC0  }
0xab: {  	_ =	task [dreg:s6], $0x5FFFF  }
0xac: {  	[dreg:$0x1] =	wrdreg $0xFFFFFFFF  }
0xad: {  	[dreg:$0x0] =	wrdreg $0x60  }
0xae: {  	[dreg:$0x2] =	wrdreg s24  }
0xaf: {  	[dreg:$0x3] =	wrdreg $0x5A800  }
0xb0: {  	[dreg:$0x4] =	wrdreg $0x9  }
0xb1: {  	_ =	task.clear_ibuf [dreg:s6], $0x5FFFF;
	_ =	strace $0x90000046  }
0xb2: {  	s29 =	simm.s32 $0x9;
	_ =	strace $0x80000048  }
0xb3: {  	_ =	swait.ge [sflag:s29], $0x1  }
0xb4: {  	[sflag:s29] =	ssyncadd.s32 $0xFFFFFFFF  }
0xb5: {  	_ =	strace $0x90000048  }
0xb6: {  	_ =	sfence  }
0xb7: {  	s30 =	sld [smem:$0x0];
	_ =	sdelay $0x2  }
0xb8: {  	s31 =	sshll.u32 s1, $0xD;
	s1 =	sshrl.u32 s1, $0x2  }
0xb9: {  	s3 =	sand.u32 $0x4000, s31;
	s1 =	sadd.s32 s1, s30  }
0xba: {  	s0 =	sor.u32 s3, s0;
	s1 =	sshll.u32 s1, $0x11  }
0xbb: {  	s0 =	sor.u32 s1, s0  }
0xbc: {  	s0 =	sadd.s32 $0x8F2B, s0  }
0xbd: {  	[sflag:s0] =	ssyncadd.remote.s32 $0x1  }
0xbe: {  	_ =	sfence.sel $0xFFFF  }
0xbf: {  	[dreg:$0x0] =	wrdreg $0xFFFFFFFF;
	(pc) =	sbr.abs _section_cstart, $3  }
0xc0: {  	[dreg:$0x1] =	wrdreg $0xFFFFFFFF  }
0xc1: {  	_ =	task.clear_ibuf [dreg:s6], $0x2FFFF;
	_ =	strace $0x9FFFFFFF  }
0xc2: {  	(tm) =	ssettm $0x7FFFFFFF  }
0xc3: {  	_ =	shalt  }
tec
execute0_lowered:
.L_overlay_start_1:
0x0: {  	(tag) =	ssettag $0x1  }
0x1: {  	s4 =	rddreg [dreg:$0x0];
	s1 =	srdreg.scid  }
0x2: {  	s0 =	stileid.u32;
	s2 =	rddreg [dreg:$0x1]  }
0x3: {  	s3 =	simm.s32 $0x0;
	s13 =	simm.s32 $0x3000;
	s14 =	simm.s32 $0x5800  }
0x4: {  	s5 =	sand.u32 $0x1, s1;
	s6 =	smul.u32 $0x278, s0;
	s1 =	rddreg [dreg:$0x2]  }
0x5: {  	s15 =	simm.s32 $0x0;
	[smem:$0x7FF] =	sst s3;
	s28 =	smul.u32 $0x9E00, s0  }
0x6: {  	s10 =	sadd.s32 $0x3800, s4;
	s31 =	sshll.u32 s0, $0x4;
	s7 =	smul.u32 $0x2780, s5  }
0x7: {  	_ =	strace $0x80000047;
	s26 =	sshll.u32 s5, $0x4;
	s5 =	ssub.s32 $0x2, s5  }
0x8: {  	s11 =	sor.u32 s0, s26;
	s8 =	sshrl.u32 s5, $0x1;
	s29 =	sshrl.u32 s28, $0x2  }
0x9: {  	s6 =	sadd.s32 s6, s7;
	s9 =	smul.u32 $0x2700, s11;
	s8 =	ssub.s32 s5, s8  }
0xa: {  	p0 =	sgt.u32 s11, $0x3;
	s11 =	simm.s32 $0x80;
	s6 =	sshrl.u32 s6, $0x3  }
0xb: {  	s8 =	smax.u32 s8, $0x1;
	s12 =	sadd.s32 s6, s4;
	s30 =	sshrl.u32 s9, $0x3  }
0xc: {  	s4 =	sadd.s32 s29, s2;
	s6 =	sadd.s32 s31, s10;
	s9 =	simm.s32 $0x2F80  }
0xd: {  	v2 =	vlaneseq.u32;
	s5 =	sadd.s32 s10, s30;
	s6 =	sadd.s32 $0x13840, s6;
	s7 =	sadd.s32 $0x17200, s12  }
0xe: {  	v0 =	vimm.f32 $0.0e+00;
	v1 =	vimm.f32 $1.000000000e+00;
	v2 =	vmul.u32 $0x10, v2;
	s10 =	simm.s32 $0x1;
	s12 =	simm.s32 $0x2780;
	s5 =	sadd.s32 $0x9C40, s5  }
.LBB2_1:
0xf: {  	[tilespmem:$0x2F80] =	vst v0  }
0x10: {  	[tilespmem:$0x2F90] =	vst v0  }
0x11: {  	[tilespmem:$0x2FA0] =	vst v0  }
0x12: {  	[tilespmem:$0x2FB0] =	vst v0  }
0x13: {  	[tilespmem:$0x2FC0] =	vst v0  }
0x14: {  	[tilespmem:$0x2FD0] =	vst v0  }
0x15: {  	[tilespmem:$0x2FE0] =	vst v0  }
0x16: {  	[tilespmem:$0x2FF0] =	vst v0  }
0x17: {  	[tilespmem:$0x2780] =	vst v1  }
0x18: {  	[tilespmem:$0x2790] =	vst v1  }
0x19: {  	[tilespmem:$0x27A0] =	vst v1  }
0x1a: {  	[tilespmem:$0x27B0] =	vst v1  }
0x1b: {  	[tilespmem:$0x27C0] =	vst v1  }
0x1c: {  	[tilespmem:$0x27D0] =	vst v1  }
0x1d: {  	[tilespmem:$0x27E0] =	vst v1  }
0x1e: {  	[tilespmem:$0x27F0] =	vst v1  }
0x1f: {  	[tilespmem:$0x2800] =	vst v1  }
0x20: {  	[tilespmem:$0x2810] =	vst v1  }
0x21: {  	[tilespmem:$0x2820] =	vst v1  }
0x22: {  	[tilespmem:$0x2830] =	vst v1  }
0x23: {  	[tilespmem:$0x2840] =	vst v1  }
0x24: {  	[tilespmem:$0x2850] =	vst v1  }
0x25: {  	[tilespmem:$0x2860] =	vst v1  }
0x26: {  	[tilespmem:$0x2870] =	vst v1  }
0x27: {  	[tilespmem:$0x2880] =	vst v1  }
0x28: {  	[tilespmem:$0x2890] =	vst v1  }
0x29: {  	[tilespmem:$0x28A0] =	vst v1  }
0x2a: {  	[tilespmem:$0x28B0] =	vst v1  }
0x2b: {  	[tilespmem:$0x28C0] =	vst v1  }
0x2c: {  	[tilespmem:$0x28D0] =	vst v1  }
0x2d: {  	[tilespmem:$0x28E0] =	vst v1  }
0x2e: {  	[tilespmem:$0x28F0] =	vst v1  }
0x2f: {  	[tilespmem:$0x2900] =	vst v1  }
0x30: {  	[tilespmem:$0x2910] =	vst v1  }
0x31: {  	[tilespmem:$0x2920] =	vst v1  }
0x32: {  	[tilespmem:$0x2930] =	vst v1  }
0x33: {  	[tilespmem:$0x2940] =	vst v1  }
0x34: {  	[tilespmem:$0x2950] =	vst v1  }
0x35: {  	[tilespmem:$0x2960] =	vst v1  }
0x36: {  	[tilespmem:$0x2970] =	vst v1  }
0x37: {  	[tilespmem:$0x2980] =	vst v1  }
0x38: {  	[tilespmem:$0x2990] =	vst v1  }
0x39: {  	[tilespmem:$0x29A0] =	vst v1  }
0x3a: {  	[tilespmem:$0x29B0] =	vst v1  }
0x3b: {  	[tilespmem:$0x29C0] =	vst v1  }
0x3c: {  	[tilespmem:$0x29D0] =	vst v1  }
0x3d: {  	[tilespmem:$0x29E0] =	vst v1  }
0x3e: {  	[tilespmem:$0x29F0] =	vst v1  }
0x3f: {  	[tilespmem:$0x2A00] =	vst v1  }
0x40: {  	[tilespmem:$0x2A10] =	vst v1  }
0x41: {  	[tilespmem:$0x2A20] =	vst v1  }
0x42: {  	[tilespmem:$0x2A30] =	vst v1  }
0x43: {  	[tilespmem:$0x2A40] =	vst v1  }
0x44: {  	[tilespmem:$0x2A50] =	vst v1  }
0x45: {  	[tilespmem:$0x2A60] =	vst v1  }
0x46: {  	[tilespmem:$0x2A70] =	vst v1  }
0x47: {  	[tilespmem:$0x2A80] =	vst v1  }
0x48: {  	[tilespmem:$0x2A90] =	vst v1  }
0x49: {  	[tilespmem:$0x2AA0] =	vst v1  }
0x4a: {  	[tilespmem:$0x2AB0] =	vst v1  }
0x4b: {  	[tilespmem:$0x2AC0] =	vst v1  }
0x4c: {  	[tilespmem:$0x2AD0] =	vst v1  }
0x4d: {  	[tilespmem:$0x2AE0] =	vst v1  }
0x4e: {  	[tilespmem:$0x2AF0] =	vst v1  }
0x4f: {  	[tilespmem:$0x2B00] =	vst v1  }
0x50: {  	[tilespmem:$0x2B10] =	vst v1  }
0x51: {  	[tilespmem:$0x2B20] =	vst v1  }
0x52: {  	[tilespmem:$0x2B30] =	vst v1  }
0x53: {  	[tilespmem:$0x2B40] =	vst v1  }
0x54: {  	[tilespmem:$0x2B50] =	vst v1  }
0x55: {  	[tilespmem:$0x2B60] =	vst v1  }
0x56: {  	[tilespmem:$0x2B70] =	vst v1  }
0x57: {  	[tilespmem:$0x2B80] =	vst v1  }
0x58: {  	[tilespmem:$0x2B90] =	vst v1  }
0x59: {  	[tilespmem:$0x2BA0] =	vst v1  }
0x5a: {  	[tilespmem:$0x2BB0] =	vst v1  }
0x5b: {  	[tilespmem:$0x2BC0] =	vst v1  }
0x5c: {  	[tilespmem:$0x2BD0] =	vst v1  }
0x5d: {  	[tilespmem:$0x2BE0] =	vst v1  }
0x5e: {  	[tilespmem:$0x2BF0] =	vst v1  }
0x5f: {  	[tilespmem:$0x2C00] =	vst v1  }
0x60: {  	[tilespmem:$0x2C10] =	vst v1  }
0x61: {  	[tilespmem:$0x2C20] =	vst v1  }
0x62: {  	[tilespmem:$0x2C30] =	vst v1  }
0x63: {  	[tilespmem:$0x2C40] =	vst v1  }
0x64: {  	[tilespmem:$0x2C50] =	vst v1  }
0x65: {  	[tilespmem:$0x2C60] =	vst v1  }
0x66: {  	[tilespmem:$0x2C70] =	vst v1  }
0x67: {  	[tilespmem:$0x2C80] =	vst v1  }
0x68: {  	[tilespmem:$0x2C90] =	vst v1  }
0x69: {  	[tilespmem:$0x2CA0] =	vst v1  }
0x6a: {  	[tilespmem:$0x2CB0] =	vst v1  }
0x6b: {  	[tilespmem:$0x2CC0] =	vst v1  }
0x6c: {  	[tilespmem:$0x2CD0] =	vst v1  }
0x6d: {  	[tilespmem:$0x2CE0] =	vst v1  }
0x6e: {  	[tilespmem:$0x2CF0] =	vst v1  }
0x6f: {  	[tilespmem:$0x2D00] =	vst v1  }
0x70: {  	[tilespmem:$0x2D10] =	vst v1  }
0x71: {  	[tilespmem:$0x2D20] =	vst v1  }
0x72: {  	[tilespmem:$0x2D30] =	vst v1  }
0x73: {  	[tilespmem:$0x2D40] =	vst v1  }
0x74: {  	[tilespmem:$0x2D50] =	vst v1  }
0x75: {  	[tilespmem:$0x2D60] =	vst v1  }
0x76: {  	[tilespmem:$0x2D70] =	vst v1  }
0x77: {  	[tilespmem:$0x2D80] =	vst v1  }
0x78: {  	[tilespmem:$0x2D90] =	vst v1  }
0x79: {  	[tilespmem:$0x2DA0] =	vst v1  }
0x7a: {  	[tilespmem:$0x2DB0] =	vst v1  }
0x7b: {  	[tilespmem:$0x2DC0] =	vst v1  }
0x7c: {  	[tilespmem:$0x2DD0] =	vst v1  }
0x7d: {  	[tilespmem:$0x2DE0] =	vst v1  }
0x7e: {  	[tilespmem:$0x2DF0] =	vst v1  }
0x7f: {  	[tilespmem:$0x2E00] =	vst v1  }
0x80: {  	[tilespmem:$0x2E10] =	vst v1  }
0x81: {  	[tilespmem:$0x2E20] =	vst v1  }
0x82: {  	[tilespmem:$0x2E30] =	vst v1  }
0x83: {  	[tilespmem:$0x2E40] =	vst v1  }
0x84: {  	[tilespmem:$0x2E50] =	vst v1  }
0x85: {  	[tilespmem:$0x2E60] =	vst v1  }
0x86: {  	[tilespmem:$0x2E70] =	vst v1  }
0x87: {  	[tilespmem:$0x2E80] =	vst v1  }
0x88: {  	[tilespmem:$0x2E90] =	vst v1  }
0x89: {  	[tilespmem:$0x2EA0] =	vst v1  }
0x8a: {  	[tilespmem:$0x2EB0] =	vst v1  }
0x8b: {  	[tilespmem:$0x2EC0] =	vst v1  }
0x8c: {  	[tilespmem:$0x2ED0] =	vst v1  }
0x8d: {  	[tilespmem:$0x2EE0] =	vst v1  }
0x8e: {  	[tilespmem:$0x2EF0] =	vst v1  }
0x8f: {  	[tilespmem:$0x2F00] =	vst v1  }
0x90: {  	[tilespmem:$0x2F10] =	vst v1  }
0x91: {  	[tilespmem:$0x2F20] =	vst v1  }
0x92: {  	[tilespmem:$0x2F30] =	vst v1  }
0x93: {  	[tilespmem:$0x2F40] =	vst v1  }
0x94: {  	[tilespmem:$0x2F50] =	vst v1  }
0x95: {  	[tilespmem:$0x2F60] =	vst v1  }
0x96: {  	[tilespmem:$0x2F70] =	vst v1;
	s16 =	sadd.s32 $0x0, s4  }
0x97: {  	[spmem:s16] =	stream.linear.scatter [tilespmem:s9], [sflag:$0x1], $0x80, $0x38;
	[tilespmem:$0x8200] =	vst v63  }
0x98: {  	s16 =	simm.s32 $0x200;
	_ =	swait.ge [sflag:s10], $0x80  }
.LBB2_2:
0x99: {  	s17 =	sshra.s32 s16, $0x2;
	[sflag:s10] =	ssyncset.done $0x0;
	p1 =	sne.s32 s16, $0x9C00  }
.Ltmp0:
0x9a: {  	s17 =	sadd.s32 s17, s4;
	[sflag:s10] =	ssyncadd.s32 $0xFFFFFF80;
	(pc) =	sbr.rel @p1 .LBB2_2-.Ltmp0, $3  }
0x9b: {  	[spmem:s17] =	stream.linear.scatter [tilespmem:s9], [sflag:$0x1], $0x80, $0x38;
	[tilespmem:$0x8200] =	vst v63  }
0x9c: {  	s16 =	sadd.s32 $0x200, s16;
	_ =	sdelay $0x1  }
0x9d: {  	_ =	swait.ge [sflag:s10], $0x80  }
0x9e: {  	[sflag:s10] =	ssyncset.done $0x0  }
0x9f: {  	[sflag:s10] =	ssyncadd.s32 $0xFFFFFF80  }
0xa0: {  	[tilespmem:s3], [sflag:$0x1] =	stream.linear.gather [hbm4b:s5+s3], $0x2700, $0x38;
	[tilespmem:$0x8200] =	vst v63  }
0xa1: {  	_ =	swait.ge [sflag:s10], $0x2700  }
0xa2: {  	[sflag:s10] =	ssyncset.done $0x0  }
0xa3: {  	s16 =	simm.s32 @!p0 $0x0;
	s17 =	simm.s32 @!p0 $0x2700;
	[sflag:s10] =	ssyncadd.s32 $0xFFFFD900  }
0xa4: {  	[tilespmem:s17], [sflag:$0x1] =	stream.linear.gather @!p0 [hbm4b:s6+s16], $0x80, $0x38;
	[tilespmem:$0x8200] =	vst v63  }
0xa5: {  	s16 =	simm.s32 @!p0 $0x1  }
0xa6: {  	_ =	swait.ge @!p0 [sflag:s16], $0x80  }
0xa7: {  	[sflag:s16] =	ssyncset.done @!p0 $0x0  }
0xa8: {  	[sflag:s16] =	ssyncadd.s32 @!p0 $0xFFFFFF80  }
0xa9: {  	s31 =	simm.s32 $0x0;
	[bflag:$0x0] =	sbarrier.arrive $0xFFFF  }
0xaa: {  	[spmem:s2] =	stream.indirect.scatter.add.f32 [tilespmem:s12], [sflag:$0x1], $0x10, s31, s11, $0xb8;
	[tilespmem:$0x8200] =	vst v63  }
0xab: {  	_ =	swait.ge [sflag:s10], $0x800  }
0xac: {  	s16 =	simm.s32 $0x200;
	[sflag:s10] =	ssyncset.done $0x0  }
.LBB2_4:
0xad: {  	s17 =	sshra.s32 s16, $0x2;
	[sflag:s10] =	ssyncadd.s32 $0xFFFFF800;
	p1 =	sne.s32 s16, $0x9A00  }
0xae: {  	[spmem:s2] =	stream.indirect.scatter.add.f32 [tilespmem:s12], [sflag:$0x1], $0x10, s17, s11, $0xb8;
	[tilespmem:$0x8200] =	vst v63  }
.Ltmp1:
0xaf: {  	_ = 	snop;
	(pc) =	sbr.rel @p1 .LBB2_4-.Ltmp1, $4  }
0xb0: {  	_ = 	snop  }
0xb1: {  	s16 =	sadd.s32 $0x200, s16  }
0xb2: {  	_ =	swait.ge [sflag:s10], $0x800  }
0xb3: {  	[sflag:s10] =	ssyncset.done $0x0  }
0xb4: {  	[sflag:s10] =	ssyncadd.s32 $0xFFFFF800  }
0xb5: {  	s16 =	simm.s32 @!p0 $0x80;
	s17 =	simm.s32 @!p0 $0x2700;
	s18 =	simm.s32 @!p0 $0x2780  }
0xb6: {  	[spmem:s2] =	stream.indirect.scatter.add.f32 @!p0 [tilespmem:s18], [sflag:$0x1], $0x10, s17, s16, $0xb8;
	[tilespmem:$0x8200] =	vst v63  }
0xb7: {  	s16 =	simm.s32 @!p0 $0x1  }
0xb8: {  	s29 =	simm.s32 $0x0;
	_ =	swait.ge @!p0 [sflag:s16], $0x800  }
0xb9: {  	v3 =	vmov s29;
	[sflag:s16] =	ssyncset.done @!p0 $0x0  }
0xba: {  	v3 =	vshll.u32 v3, $0x4;
	[sflag:s16] =	ssyncadd.s32 @!p0 $0xFFFFF800  }
0xbb: {  	v3 =	vor.u32 v2, v3;
	[bflag:$0x0] =	sbarrier.arrive $0xFFFF  }
0xbc: {  	[tilespmem:s13], [sflag:$0x1] =	stream.linear.gather [spmem:s4], $0x2780, $0x38;
	[tilespmem:$0x8200] =	vst v63  }
0xbd: {  	_ =	swait.ge [sflag:s10], $0x2780  }
0xbe: {  	s30 =	simm.s32 $0x10;
	[sflag:s10] =	ssyncset.done $0x0  }
0xbf: {  	v4 =	vmov s30;
	[sflag:s10] =	ssyncadd.s32 $0xFFFFD880  }
0xc0: {  	v4 =	vshll.u32 v4, $0x4;
	v3 =	vld.idx.msk [tilespmem:v3+s13+$0x0], $0xffff  }
0xc1: {  	v5 =	vor.u32 v2, v4;
	_ =	sdelay $0x2  }
0xc2: {  	s16 =	simm.s32 $0x5800  }
0xc3: {  	s31 =	simm.s32 $0x20;
	[tilespmem:s16+$0x0] =	vst v3  }
0xc4: {  	s17 =	simm.s32 $0x30;
	v4 =	vmov s31;
	v3 =	vld.idx.msk [tilespmem:v5+s13+$0x0], $0xffff  }
.LBB2_6:
0xc5: {  	p1 =	sne.s32 s17, $0x270;
	v4 =	vshll.u32 v4, $0x4  }
0xc6: {  	v5 =	vor.u32 v2, v4  }
.Ltmp2:
0xc7: {  	(pc) =	sbr.rel @p1 .LBB2_6-.Ltmp2, $4  }
0xc8: {  	_ = 	snop  }
0xc9: {  	s16 =	sadd.s32 $0x10, s16  }
0xca: {  	[tilespmem:s16+$0x0] =	vst v3  }
0xcb: {  	v4 =	vmov s17;
	s17 =	sadd.s32 $0x10, s17;
	v3 =	vld.idx.msk [tilespmem:v5+s13+$0x0], $0xffff  }
0xcc: {  	v4 =	vshll.u32 v4, $0x4  }
0xcd: {  	v4 =	vor.u32 v2, v4;
	_ =	sdelay $0x2  }
0xce: {  	s16 =	sadd.s32 $0x10, s16  }
0xcf: {  	[tilespmem:s16+$0x0] =	vst v3  }
0xd0: {  	v3 =	vld.idx.msk [tilespmem:v4+s13+$0x0], $0xffff;
	_ =	sdelay $0x2  }
0xd1: {  	s15 =	sadd.s32 $0x1, s15  }
0xd2: {  	p1 =	sne.s32 s15, s8;
	s16 =	sadd.s32 $0x10, s16  }
.Ltmp3:
0xd3: {  	[tilespmem:s16+$0x0] =	vst v3;
	(pc) =	sbr.rel @p1 .LBB2_1-.Ltmp3, $4  }
0xd4: {  	[hbm4b:s7+s3] =	stream.linear.scatter [tilespmem:s14], [sflag:$0x1], $0x278, $0x38;
	[tilespmem:$0x8200] =	vst v63  }
0xd5: {  	_ =	swait.ge [sflag:s10], $0x278  }
0xd6: {  	[sflag:s10] =	ssyncset.done $0x0  }
0xd7: {  	[sflag:s10] =	ssyncadd.s32 $0xFFFFFD88  }
0xd8: {  	_ =	sfence.sel $0x180000  }
0xd9: {  	[bflag:$0x0] =	sbarrier.arrive $0xFFFF  }
0xda: {  	p0 =	sne.s32 s0, $0x0;
	_ =	strace $0x90000047  }
0xdb: {  	s0 =	sadd.s32 @!p0 $0x100000, s1;
	[bflag:$0x2] =	sbarrier.arrive $0xFFFF  }
0xdc: {  	[sflag:s0] =	ssyncadd.tile.s32 @!p0 $0x1;
	_ =	shalt  }
.Lfunc_end2:
_tile_overlayer_lowered:
.L_overlay_start_2:
0xdd: {  	(tag) =	ssettag $0x2  }
0xde: {  	s0 =	rddreg [dreg:$0x0];
	s2 =	stileid.u32  }
0xdf: {  	s1 =	rddreg [dreg:$0x1];
	p0 =	sne.s32 s2, $0x0  }
0xe0: {  	s3 =	rddreg [dreg:$0x2];
	[bflag:$0x3] =	sbarrier.arrive $0xFFFF;
	s2 =	simm.s32 @!p0 $0x1C01  }
0xe1: {  	[timem:s3], [sflag:s2] =	dma.local @!p0 [hbm:s0], s1  }
0xe2: {  	s0 =	simm.s32 @!p0 $0x1  }
0xe3: {  	_ =	swait.ge @!p0 [sflag:s0], s1  }
0xe4: {  	s1 =	ssub.s32 @!p0 $0x0, s1;
	[sflag:s0] =	ssyncset.done @!p0 $0x0  }
0xe5: {  	[sflag:s0] =	ssyncadd.s32 @!p0 s1  }
0xe6: {  	[bflag:$0x3] =	sbarrier.arrive $0xFFFF  }
0xe7: {  	_ =	shalt  }

</sc_bundles>
